<compile_context>
chip_gen: v7x
topology: tpu7x:2x2x1
jax: 0.10.2.dev20260603
libtpu: 0.0.44.dev20260713+nightly
codegen_flags: <defaults>
</compile_context>

<pallas_src>
import functools

import jax
import jax.numpy as jnp
from jax import lax
from jax.experimental import pallas as pl
from jax.experimental.pallas import tpu as pltpu
from jax.experimental.pallas import tpu_sc as plsc

BB = 1024
NFEAT = 128
WHIST = 20
HIDDEN = 10
NITEMLISTS = 6
NSMALL = 5

_NC = 2
_NS = 16
_NW = _NC * _NS

SEQ_ROWS = NITEMLISTS * BB * WHIST
ROWS_PER_W = SEQ_ROWS // _NW
CHUNK = 128
NCHUNK = ROWS_PER_W // CHUNK
U_PER_W = BB // _NW


def _sc_gather_body(item_tab, idx_seq2, iid, user_tab, uid,
                    out_seq, out_emb, out_user,
                    idxb, rows0, rows1, idxu_v, rowsu_v, idxi_v, rowsi_v,
                    sem0, sem1, semu, semi):
    wid = lax.axis_index("s") * _NC + lax.axis_index("c")
    base = wid * ROWS_PER_W
    pltpu.sync_copy(idx_seq2.at[wid], idxb)
    pltpu.sync_copy(iid.at[pl.ds(wid * U_PER_W, U_PER_W)], idxi_v)
    pltpu.async_copy(item_tab.at[idxi_v], rowsi_v, semi)
    pltpu.sync_copy(uid.at[pl.ds(wid * U_PER_W, U_PER_W)], idxu_v)
    pltpu.async_copy(user_tab.at[idxu_v], rowsu_v, semu)
    pltpu.async_copy(item_tab.at[idxb.at[0]], rows0, sem0)
    nhalf = NCHUNK // 2

    def body(g, carry):
        c0 = 2 * g
        pltpu.async_copy(item_tab.at[idxb.at[c0 + 1]], rows1, sem1)
        pltpu.make_async_copy(item_tab.at[idxb.at[c0]], rows0, sem0).wait()
        pltpu.sync_copy(rows0, out_seq.at[pl.ds(base + c0 * CHUNK, CHUNK)])

        @pl.when(g + 1 < nhalf)
        def _():
            pltpu.async_copy(item_tab.at[idxb.at[c0 + 2]], rows0, sem0)

        pltpu.make_async_copy(item_tab.at[idxb.at[c0 + 1]], rows1, sem1).wait()
        pltpu.sync_copy(rows1,
                        out_seq.at[pl.ds(base + (c0 + 1) * CHUNK, CHUNK)])
        return carry

    lax.fori_loop(0, nhalf, body, 0)
    pltpu.make_async_copy(item_tab.at[idxi_v], rowsi_v, semi).wait()
    pltpu.sync_copy(rowsi_v, out_emb.at[pl.ds(wid * U_PER_W, U_PER_W)])
    pltpu.make_async_copy(user_tab.at[idxu_v], rowsu_v, semu).wait()
    pltpu.sync_copy(rowsu_v, out_user.at[pl.ds(wid * U_PER_W, U_PER_W)])


def _sc_gather(item_table, idx_seq, item_ids, user_table, user_ids):
    mesh = plsc.VectorSubcoreMesh(core_axis_name="c", subcore_axis_name="s")
    call = functools.partial(
        pl.kernel, mesh=mesh,
        out_type=[jax.ShapeDtypeStruct((SEQ_ROWS, NFEAT), jnp.float32),
                  jax.ShapeDtypeStruct((BB, NFEAT), jnp.float32),
                  jax.ShapeDtypeStruct((BB, NFEAT), jnp.float32)],
        scratch_types=[pltpu.VMEM((NCHUNK, CHUNK), jnp.int32),
                       pltpu.VMEM((CHUNK, NFEAT), jnp.float32),
                       pltpu.VMEM((CHUNK, NFEAT), jnp.float32),
                       pltpu.VMEM((U_PER_W,), jnp.int32),
                       pltpu.VMEM((U_PER_W, NFEAT), jnp.float32),
                       pltpu.VMEM((U_PER_W,), jnp.int32),
                       pltpu.VMEM((U_PER_W, NFEAT), jnp.float32),
                       pltpu.SemaphoreType.DMA,
                       pltpu.SemaphoreType.DMA,
                       pltpu.SemaphoreType.DMA,
                       pltpu.SemaphoreType.DMA],
    )(_sc_gather_body)
    return call(item_table, idx_seq.reshape(_NW, NCHUNK, CHUNK),
                item_ids, user_table, user_ids)


def _gru_item_body(seq_ref, wih_ref, whh_ref, bih_ref, bhh_ref, out_ref):
    wih = wih_ref[0]
    whh = whh_ref[0]
    bih = bih_ref[0]
    bhh = bhh_ref[0]
    h = jnp.zeros((BB, HIDDEN), jnp.float32)
    for t in range(WHIST):
        xt = seq_ref[0, :, t, :]
        gi = lax.dot_general(xt, wih, (((1,), (1,)), ((), ())),
                             preferred_element_type=jnp.float32) + bih
        gh = lax.dot_general(h, whh, (((1,), (1,)), ((), ())),
                             preferred_element_type=jnp.float32) + bhh
        r = jax.nn.sigmoid(gi[:, 0:HIDDEN] + gh[:, 0:HIDDEN])
        z = jax.nn.sigmoid(gi[:, HIDDEN:2 * HIDDEN] + gh[:, HIDDEN:2 * HIDDEN])
        n = jnp.tanh(gi[:, 2 * HIDDEN:] + r * gh[:, 2 * HIDDEN:])
        h = (1.0 - z) * n + z * h
        out_ref[:, 0, 0, t * HIDDEN:(t + 1) * HIDDEN] = h


def _gru_small_body(idx_ref, tab_ref, wih_ref, whh_ref, bih_ref, bhh_ref,
                    out_ref):
    wih = wih_ref[0]
    whh = whh_ref[0]
    bih = bih_ref[0]
    bhh = bhh_ref[0]
    ptab = lax.dot_general(tab_ref[0], wih, (((1,), (1,)), ((), ())),
                           preferred_element_type=jnp.float32)
    h = jnp.zeros((BB, HIDDEN), jnp.float32)
    cols = lax.broadcasted_iota(jnp.int32, (BB, 96), 1)
    for t in range(WHIST):
        it = idx_ref[0, :, t]
        oh = (it[:, None] == cols).astype(jnp.float32)
        gi = jnp.dot(oh, ptab, preferred_element_type=jnp.float32) + bih
        gh = lax.dot_general(h, whh, (((1,), (1,)), ((), ())),
                             preferred_element_type=jnp.float32) + bhh
        r = jax.nn.sigmoid(gi[:, 0:HIDDEN] + gh[:, 0:HIDDEN])
        z = jax.nn.sigmoid(gi[:, HIDDEN:2 * HIDDEN] + gh[:, HIDDEN:2 * HIDDEN])
        n = jnp.tanh(gi[:, 2 * HIDDEN:] + r * gh[:, 2 * HIDDEN:])
        h = (1.0 - z) * n + z * h
        out_ref[:, 0, 0, t * HIDDEN:(t + 1) * HIDDEN] = h


def _head_body(ce_ref, w1_ref, b1_ref, w2_ref, b2_ref, wout_ref, bout_ref,
               out_ref):
    h1 = jnp.maximum(
        jnp.dot(ce_ref[...], w1_ref[...],
                preferred_element_type=jnp.float32) + b1_ref[...], 0.0)
    x = jnp.dot(h1, w2_ref[...], preferred_element_type=jnp.float32) + b2_ref[...]
    o = jax.nn.sigmoid(
        jnp.dot(x, wout_ref[...], preferred_element_type=jnp.float32)
        + bout_ref[...])
    out_ref[...] = o


def kernel(user_ids, item_ids, pos_item_idx, price, platform_idx, device_idx,
           sum_action_item_before, is_first_in_impression,
           list_action_type_idx, list_clickout_item_idx,
           list_interaction_item_image_idx, list_interaction_item_info_idx,
           list_interaction_item_rating_idx, list_interaction_item_deals_idx,
           list_search_for_item_idx, list_search_for_poi,
           list_change_of_sort_order, list_search_for_destination,
           list_filter_selection, list_current_filters, list_metadata,
           user_table, item_table, action_table, word_table, gru_Wih, gru_Whh,
           gru_bih, gru_bhh, W1, b1, W2, b2, Wout, bout):
    f32 = jnp.float32

    item_lists = [list_clickout_item_idx, list_interaction_item_image_idx,
                  list_interaction_item_info_idx,
                  list_interaction_item_rating_idx,
                  list_interaction_item_deals_idx, list_search_for_item_idx]
    idx_seq = jnp.concatenate([l.reshape(-1) for l in item_lists])
    out_seq, item_emb, user_emb = _sc_gather(item_table, idx_seq, item_ids,
                                             user_table, user_ids)
    seq_item = out_seq.reshape(NITEMLISTS, BB, WHIST, NFEAT)

    bih3 = gru_bih.reshape(11, 1, 30)
    bhh3 = gru_bhh.reshape(11, 1, 30)
    ys_item = pl.pallas_call(
        _gru_item_body,
        grid=(NITEMLISTS,),
        in_specs=[
            pl.BlockSpec((1, BB, WHIST, NFEAT), lambda g: (g, 0, 0, 0)),
            pl.BlockSpec((1, 30, NFEAT), lambda g: (g + 1, 0, 0)),
            pl.BlockSpec((1, 30, HIDDEN), lambda g: (g + 1, 0, 0)),
            pl.BlockSpec((1, 1, 30), lambda g: (g + 1, 0, 0)),
            pl.BlockSpec((1, 1, 30), lambda g: (g + 1, 0, 0)),
        ],
        out_specs=pl.BlockSpec((BB, 1, 1, WHIST * HIDDEN),
                               lambda g: (0, g, 0, 0)),
        out_shape=jax.ShapeDtypeStruct((BB, NITEMLISTS, 1, WHIST * HIDDEN),
                                       f32),
    )(seq_item, gru_Wih, gru_Whh, bih3, bhh3)

    idx_small = jnp.stack([list_action_type_idx, list_search_for_poi,
                           list_change_of_sort_order,
                           list_search_for_destination,
                           list_filter_selection])
    tab_a = jnp.zeros((96, NFEAT), f32).at[:11].set(action_table)
    tab_w = jnp.zeros((96, NFEAT), f32).at[:88].set(word_table)
    tabs = jnp.stack([tab_a, tab_w, tab_w, tab_w, tab_w])
    sm = jnp.array([0, 7, 8, 9, 10], jnp.int32)
    wih_s = gru_Wih[sm]
    whh_s = gru_Whh[sm]
    bih_s = bih3[sm]
    bhh_s = bhh3[sm]
    ys_small = pl.pallas_call(
        _gru_small_body,
        grid=(NSMALL,),
        in_specs=[
            pl.BlockSpec((1, BB, WHIST), lambda g: (g, 0, 0)),
            pl.BlockSpec((1, 96, NFEAT), lambda g: (g, 0, 0)),
            pl.BlockSpec((1, 30, NFEAT), lambda g: (g, 0, 0)),
            pl.BlockSpec((1, 30, HIDDEN), lambda g: (g, 0, 0)),
            pl.BlockSpec((1, 1, 30), lambda g: (g, 0, 0)),
            pl.BlockSpec((1, 1, 30), lambda g: (g, 0, 0)),
        ],
        out_specs=pl.BlockSpec((BB, 1, 1, WHIST * HIDDEN),
                               lambda g: (0, g, 0, 0)),
        out_shape=jax.ShapeDtypeStruct((BB, NSMALL, 1, WHIST * HIDDEN), f32),
    )(idx_small, tabs, wih_s, whh_s, bih_s, bhh_s)

    sess_item = ys_item.reshape(BB, NITEMLISTS * WHIST * HIDDEN)
    sess_small = ys_small.reshape(BB, NSMALL * WHIST * HIDDEN)

    ce = jnp.concatenate(
        [user_emb, item_emb, sum_action_item_before[:, None],
         is_first_in_impression[:, None], pos_item_idx[:, None],
         sess_small[:, :WHIST * HIDDEN], sess_item,
         sess_small[:, WHIST * HIDDEN:],
         list_metadata, list_current_filters, price[:, None]], axis=1)
    ND = ce.shape[1]
    NH = W1.shape[1]
    BT = 128
    out = pl.pallas_call(
        _head_body,
        grid=(BB // BT,),
        in_specs=[
            pl.BlockSpec((BT, ND), lambda g: (g, 0)),
            pl.BlockSpec((ND, NH), lambda g: (0, 0)),
            pl.BlockSpec((1, NH), lambda g: (0, 0)),
            pl.BlockSpec((NH, NFEAT), lambda g: (0, 0)),
            pl.BlockSpec((1, NFEAT), lambda g: (0, 0)),
            pl.BlockSpec((NFEAT, 1), lambda g: (0, 0)),
            pl.BlockSpec((1, 1), lambda g: (0, 0)),
        ],
        out_specs=pl.BlockSpec((BT, 1), lambda g: (g, 0)),
        out_shape=jax.ShapeDtypeStruct((BB, 1), f32),
    )(ce, W1, b1.reshape(1, NH), W2, b2.reshape(1, NFEAT), Wout,
      bout.reshape(1, 1))
    return out

# --- scband reference (transcript-rebuilt; emitter-appended) ---
"""Pipeline reference for scband-simple-rnnmodel-40407052321254 (READ-ONLY COPY).

The authoritative reference and input builder live on the scoring server;
editing this copy changes nothing except your own understanding.
"""

import jax, jax.numpy as jnp
import numpy as np
from jax import lax

B = 1024
N_USERS = 100000
N_ITEMS = 100000
NF = 128
WH = 20
META = 100
VOCAB = 88
HID = 10
NUM_GRU = 11
NUM_DENSE = 2 * NF + 4 + META + 45 + HID * WH * 11


def gru_layer(x, Wih, Whh, bih, bhh):
    h0 = jnp.zeros((x.shape[0], Whh.shape[1]), dtype=x.dtype)
    def step(h, xt):
        gi = xt @ Wih.T + bih
        gh = h @ Whh.T + bhh
        i_r, i_z, i_n = jnp.split(gi, 3, axis=1)
        h_r, h_z, h_n = jnp.split(gh, 3, axis=1)
        r = jax.nn.sigmoid(i_r + h_r)
        z = jax.nn.sigmoid(i_z + h_z)
        n = jnp.tanh(i_n + r * h_n)
        hn = (1.0 - z) * n + z * h
        return hn, hn
    _, ys = lax.scan(step, h0, jnp.swapaxes(x, 0, 1))
    return jnp.swapaxes(ys, 0, 1)


def setup_inputs(seed: int = 0):
    key = jax.random.key(seed)
    ks = jax.random.split(key, 40)
    inp = {}
    inp['user_ids'] = jax.random.randint(ks[0], (B,), 0, N_USERS, dtype=jnp.int32)
    inp['item_ids'] = jax.random.randint(ks[1], (B,), 0, N_ITEMS, dtype=jnp.int32)
    inp['pos_item_idx'] = jax.random.uniform(ks[2], (B,), dtype=jnp.float32)
    inp['price'] = jax.random.uniform(ks[3], (B,), dtype=jnp.float32)
    inp['platform_idx'] = jax.random.randint(ks[4], (B,), 0, 10, dtype=jnp.int32)
    inp['device_idx'] = jax.random.randint(ks[5], (B,), 0, 10, dtype=jnp.int32)
    inp['sum_action_item_before'] = jax.random.uniform(ks[6], (B,), dtype=jnp.float32)
    inp['is_first_in_impression'] = jax.random.uniform(ks[7], (B,), dtype=jnp.float32)
    inp['list_action_type_idx'] = jax.random.randint(ks[8], (B, WH), 0, 11, dtype=jnp.int32)
    item_lists = ['list_clickout_item_idx', 'list_interaction_item_image_idx', 'list_interaction_item_info_idx', 'list_interaction_item_rating_idx', 'list_interaction_item_deals_idx', 'list_search_for_item_idx']
    for i, name in enumerate(item_lists):
        inp[name] = jax.random.randint(ks[9 + i], (B, WH), 0, N_ITEMS, dtype=jnp.int32)
    word_lists = ['list_search_for_poi', 'list_change_of_sort_order', 'list_search_for_destination', 'list_filter_selection']
    for i, name in enumerate(word_lists):
        inp[name] = jax.random.randint(ks[15 + i], (B, WH), 0, VOCAB, dtype=jnp.int32)
    inp['list_current_filters'] = jax.random.uniform(ks[19], (B, 45), dtype=jnp.float32)
    inp['list_metadata'] = jax.random.uniform(ks[20], (B, META), dtype=jnp.float32)
    inp['user_table'] = jax.random.normal(ks[21], (N_USERS, NF), dtype=jnp.float32) * 0.05
    inp['item_table'] = jax.random.normal(ks[22], (N_ITEMS, NF), dtype=jnp.float32) * 0.05
    inp['action_table'] = jax.random.normal(ks[23], (11, NF), dtype=jnp.float32) * 0.05
    inp['word_table'] = jax.random.normal(ks[24], (VOCAB, NF), dtype=jnp.float32) * 0.05
    inp['gru_Wih'] = jax.random.normal(ks[25], (NUM_GRU, 3 * HID, NF), dtype=jnp.float32) * 0.05
    inp['gru_Whh'] = jax.random.normal(ks[26], (NUM_GRU, 3 * HID, HID), dtype=jnp.float32) * 0.05
    inp['gru_bih'] = jnp.zeros((NUM_GRU, 3 * HID), dtype=jnp.float32)
    inp['gru_bhh'] = jnp.zeros((NUM_GRU, 3 * HID), dtype=jnp.float32)
    half = NUM_DENSE // 2
    inp['W1'] = jax.random.normal(ks[27], (NUM_DENSE, half), dtype=jnp.float32) * (1.0 / np.sqrt(NUM_DENSE))
    inp['b1'] = jnp.full((half,), 0.1, dtype=jnp.float32)
    inp['W2'] = jax.random.normal(ks[28], (half, NF), dtype=jnp.float32) * (1.0 / np.sqrt(half))
    inp['b2'] = jnp.full((NF,), 0.1, dtype=jnp.float32)
    inp['Wout'] = jax.random.normal(ks[29], (NF, 1), dtype=jnp.float32) * (1.0 / np.sqrt(NF))
    inp['bout'] = jnp.full((1,), 0.1, dtype=jnp.float32)
    return inp


def reference(user_ids, item_ids, pos_item_idx, price, platform_idx, device_idx, sum_action_item_before, is_first_in_impression, list_action_type_idx, list_clickout_item_idx, list_interaction_item_image_idx, list_interaction_item_info_idx, list_interaction_item_rating_idx, list_interaction_item_deals_idx, list_search_for_item_idx, list_search_for_poi, list_change_of_sort_order, list_search_for_destination, list_filter_selection, list_current_filters, list_metadata, user_table, item_table, action_table, word_table, gru_Wih, gru_Whh, gru_bih, gru_bhh, W1, b1, W2, b2, Wout, bout):
    user_emb = user_table[user_ids]
    item_emb = item_table[item_ids]
    seqs = [action_table[list_action_type_idx], item_table[list_clickout_item_idx], item_table[list_interaction_item_image_idx], item_table[list_interaction_item_info_idx], item_table[list_interaction_item_rating_idx], item_table[list_interaction_item_deals_idx], item_table[list_search_for_item_idx], word_table[list_search_for_poi], word_table[list_change_of_sort_order], word_table[list_search_for_destination], word_table[list_filter_selection]]
    outs = [gru_layer(seqs[i], gru_Wih[i], gru_Whh[i], gru_bih[i], gru_bhh[i]) for i in range(NUM_GRU)]
    session = jnp.concatenate(outs, axis=1)
    Bn = user_ids.shape[0]
    ce = jnp.concatenate([user_emb, item_emb, sum_action_item_before[:, None], is_first_in_impression[:, None], pos_item_idx[:, None], session.reshape(Bn, -1), list_metadata, list_current_filters, price[:, None]], axis=1)
    h1 = jax.nn.relu(ce @ W1 + b1)
    x = h1 @ W2 + b2
    out = jax.nn.sigmoid(x @ Wout + bout)
    return out

if __name__ == "__main__":
    import jax
    _d = setup_inputs()
    print(jax.jit(kernel)(*tuple(_d.values())))

</pallas_src>

<mosaic_0001>
#map = affine_map<(d0, d1) -> (0, 0)>
#map1 = affine_map<(d0, d1) -> (0, 0, 0)>
#map2 = affine_map<(d0, d1) -> (0)>
module attributes {stable_mosaic.version = 14 : i64} {
  func.func @_sc_gather_body(%arg0: i32, %arg1: i32, %arg2: memref<100000x128xf32, #tpu.memory_space<hbm>>, %arg3: memref<32x30x128xi32, #tpu.memory_space<hbm>>, %arg4: memref<1024xi32, #tpu.memory_space<hbm>>, %arg5: memref<100000x128xf32, #tpu.memory_space<hbm>>, %arg6: memref<1024xi32, #tpu.memory_space<hbm>>, %arg7: memref<122880x128xf32, #tpu.memory_space<hbm>>, %arg8: memref<1024x128xf32, #tpu.memory_space<hbm>>, %arg9: memref<1024x128xf32, #tpu.memory_space<hbm>>, %arg10: memref<30x128xi32, #tpu.memory_space<vmem>>, %arg11: memref<128x128xf32, #tpu.memory_space<vmem>>, %arg12: memref<128x128xf32, #tpu.memory_space<vmem>>, %arg13: memref<32xi32, #tpu.memory_space<vmem>>, %arg14: memref<32x128xf32, #tpu.memory_space<vmem>>, %arg15: memref<32xi32, #tpu.memory_space<vmem>>, %arg16: memref<32x128xf32, #tpu.memory_space<vmem>>, %arg17: memref<!tpu.dma_semaphore, #tpu.memory_space<semaphore_mem>>, %arg18: memref<!tpu.dma_semaphore, #tpu.memory_space<semaphore_mem>>, %arg19: memref<!tpu.dma_semaphore, #tpu.memory_space<semaphore_mem>>, %arg20: memref<!tpu.dma_semaphore, #tpu.memory_space<semaphore_mem>>) attributes {dimension_semantics = [#tpu.dimension_semantics<core_parallel>, #tpu.dimension_semantics<subcore_parallel>], iteration_bounds = array<i64: 2, 16>, scalar_prefetch = 0 : i64, scratch_operands = 11 : i64, tpu.core_type = #tpu.core_type<sc_vector_subcore>, window_params = [{transform_indices = #map}, {transform_indices = #map1}, {transform_indices = #map2}, {transform_indices = #map}, {transform_indices = #map2}, {transform_indices = #map}, {transform_indices = #map}, {transform_indices = #map}]} {
    %mul3A = arith.constant 2 : i32
    %mul3A_0 = arith.muli %arg1, %mul3A : i32
    %add3A = arith.addi %mul3A_0, %arg0 : i32
    %mul3A_1 = arith.constant 3840 : i32
    %mul3A_2 = arith.muli %add3A, %mul3A_1 : i32
    "tpu.region"() ({
      %run_scoped3A = tpu.sem_alloc : memref<!tpu.dma_semaphore, #tpu.memory_space<semaphore_mem>>
      %dma_start3A_33 = arith.constant 0 : i32
      %dma_start3A_34 = arith.constant 0 : i32
      %dma_start3A_35 = tpu.memref_slice %arg3[%add3A, %dma_start3A_33, %dma_start3A_34] : memref<32x30x128xi32, #tpu.memory_space<hbm>> -> memref<1x30x128xi32, #tpu.memory_space<hbm>>
      %dma_start3A_36 = tpu.memref_squeeze %dma_start3A_35 : memref<1x30x128xi32, #tpu.memory_space<hbm>> -> memref<30x128xi32, #tpu.memory_space<hbm>>
      %dma_start3A_37 = arith.constant 0 : i32
      %dma_start3A_38 = arith.constant 0 : i32
      %dma_start3A_39 = tpu.memref_slice %arg3[%add3A, %dma_start3A_37, %dma_start3A_38] : memref<32x30x128xi32, #tpu.memory_space<hbm>> -> memref<1x30x128xi32, #tpu.memory_space<hbm>>
      %dma_start3A_40 = tpu.memref_squeeze %dma_start3A_39 : memref<1x30x128xi32, #tpu.memory_space<hbm>> -> memref<30x128xi32, #tpu.memory_space<hbm>>
      tpu.enqueue_dma source(%dma_start3A_40 : memref<30x128xi32, #tpu.memory_space<hbm>>) target(%arg10 : memref<30x128xi32, #tpu.memory_space<vmem>>) target_semaphore(%run_scoped3A : memref<!tpu.dma_semaphore, #tpu.memory_space<semaphore_mem>>)
      %dma_wait3A_41 = arith.constant 0 : i32
      %dma_wait3A_42 = arith.constant 0 : i32
      %dma_wait3A_43 = tpu.memref_slice %arg3[%add3A, %dma_wait3A_41, %dma_wait3A_42] : memref<32x30x128xi32, #tpu.memory_space<hbm>> -> memref<1x30x128xi32, #tpu.memory_space<hbm>>
      %dma_wait3A_44 = tpu.memref_squeeze %dma_wait3A_43 : memref<1x30x128xi32, #tpu.memory_space<hbm>> -> memref<30x128xi32, #tpu.memory_space<hbm>>
      %dma_wait3A_45 = arith.constant 0 : i32
      %dma_wait3A_46 = arith.constant 0 : i32
      %dma_wait3A_47 = tpu.memref_slice %arg3[%add3A, %dma_wait3A_45, %dma_wait3A_46] : memref<32x30x128xi32, #tpu.memory_space<hbm>> -> memref<1x30x128xi32, #tpu.memory_space<hbm>>
      %dma_wait3A_48 = tpu.memref_squeeze %dma_wait3A_47 : memref<1x30x128xi32, #tpu.memory_space<hbm>> -> memref<30x128xi32, #tpu.memory_space<hbm>>
      tpu.wait_dma2 semaphore(%run_scoped3A : memref<!tpu.dma_semaphore, #tpu.memory_space<semaphore_mem>>) src(%dma_wait3A_48 : memref<30x128xi32, #tpu.memory_space<hbm>>) dst(%arg10 : memref<30x128xi32, #tpu.memory_space<vmem>>)
      tpu.yield
    }) : () -> ()
    %mul3A_3 = arith.constant 32 : i32
    %mul3A_4 = arith.muli %add3A, %mul3A_3 : i32
    "tpu.region"() ({
      %run_scoped3A = tpu.sem_alloc : memref<!tpu.dma_semaphore, #tpu.memory_space<semaphore_mem>>
      %dma_start3A_33 = tpu.memref_slice %arg4[%mul3A_4] : memref<1024xi32, #tpu.memory_space<hbm>> -> memref<32xi32, #tpu.memory_space<hbm>>
      %dma_start3A_34 = tpu.memref_slice %arg4[%mul3A_4] : memref<1024xi32, #tpu.memory_space<hbm>> -> memref<32xi32, #tpu.memory_space<hbm>>
      tpu.enqueue_dma source(%dma_start3A_34 : memref<32xi32, #tpu.memory_space<hbm>>) target(%arg15 : memref<32xi32, #tpu.memory_space<vmem>>) target_semaphore(%run_scoped3A : memref<!tpu.dma_semaphore, #tpu.memory_space<semaphore_mem>>)
      %dma_wait3A_35 = tpu.memref_slice %arg4[%mul3A_4] : memref<1024xi32, #tpu.memory_space<hbm>> -> memref<32xi32, #tpu.memory_space<hbm>>
      %dma_wait3A_36 = tpu.memref_slice %arg4[%mul3A_4] : memref<1024xi32, #tpu.memory_space<hbm>> -> memref<32xi32, #tpu.memory_space<hbm>>
      tpu.wait_dma2 semaphore(%run_scoped3A : memref<!tpu.dma_semaphore, #tpu.memory_space<semaphore_mem>>) src(%dma_wait3A_36 : memref<32xi32, #tpu.memory_space<hbm>>) dst(%arg15 : memref<32xi32, #tpu.memory_space<vmem>>)
      tpu.yield
    }) : () -> ()
    %dma_start3A = arith.constant 0 : i32
    %dma_start3A_5 = arith.constant 0 : i32
    %dma_start3A_6 = tpu.memref_slice %arg2[%dma_start3A, %dma_start3A_5] : memref<100000x128xf32, #tpu.memory_space<hbm>> -> memref<100000x128xf32, #tpu.memory_space<hbm>>
    tpu.enqueue_indirect_dma source(%dma_start3A_6 : memref<100000x128xf32, #tpu.memory_space<hbm>>) target(%arg16 : memref<32x128xf32, #tpu.memory_space<vmem>>) offsets(%arg15 : memref<32xi32, #tpu.memory_space<vmem>>) semaphore(%arg20 : memref<!tpu.dma_semaphore, #tpu.memory_space<semaphore_mem>>)
    %mul3A_7 = arith.constant 32 : i32
    %mul3A_8 = arith.muli %add3A, %mul3A_7 : i32
    "tpu.region"() ({
      %run_scoped3A = tpu.sem_alloc : memref<!tpu.dma_semaphore, #tpu.memory_space<semaphore_mem>>
      %dma_start3A_33 = tpu.memref_slice %arg6[%mul3A_8] : memref<1024xi32, #tpu.memory_space<hbm>> -> memref<32xi32, #tpu.memory_space<hbm>>
      %dma_start3A_34 = tpu.memref_slice %arg6[%mul3A_8] : memref<1024xi32, #tpu.memory_space<hbm>> -> memref<32xi32, #tpu.memory_space<hbm>>
      tpu.enqueue_dma source(%dma_start3A_34 : memref<32xi32, #tpu.memory_space<hbm>>) target(%arg13 : memref<32xi32, #tpu.memory_space<vmem>>) target_semaphore(%run_scoped3A : memref<!tpu.dma_semaphore, #tpu.memory_space<semaphore_mem>>)
      %dma_wait3A_35 = tpu.memref_slice %arg6[%mul3A_8] : memref<1024xi32, #tpu.memory_space<hbm>> -> memref<32xi32, #tpu.memory_space<hbm>>
      %dma_wait3A_36 = tpu.memref_slice %arg6[%mul3A_8] : memref<1024xi32, #tpu.memory_space<hbm>> -> memref<32xi32, #tpu.memory_space<hbm>>
      tpu.wait_dma2 semaphore(%run_scoped3A : memref<!tpu.dma_semaphore, #tpu.memory_space<semaphore_mem>>) src(%dma_wait3A_36 : memref<32xi32, #tpu.memory_space<hbm>>) dst(%arg13 : memref<32xi32, #tpu.memory_space<vmem>>)
      tpu.yield
    }) : () -> ()
    %dma_start3A_9 = arith.constant 0 : i32
    %dma_start3A_10 = arith.constant 0 : i32
    %dma_start3A_11 = tpu.memref_slice %arg5[%dma_start3A_9, %dma_start3A_10] : memref<100000x128xf32, #tpu.memory_space<hbm>> -> memref<100000x128xf32, #tpu.memory_space<hbm>>
    tpu.enqueue_indirect_dma source(%dma_start3A_11 : memref<100000x128xf32, #tpu.memory_space<hbm>>) target(%arg14 : memref<32x128xf32, #tpu.memory_space<vmem>>) offsets(%arg13 : memref<32xi32, #tpu.memory_space<vmem>>) semaphore(%arg19 : memref<!tpu.dma_semaphore, #tpu.memory_space<semaphore_mem>>)
    %dma_start3A_12 = arith.constant 0 : i32
    %dma_start3A_13 = arith.constant 0 : i32
    %dma_start3A_14 = tpu.memref_slice %arg10[%dma_start3A_12, %dma_start3A_13] : memref<30x128xi32, #tpu.memory_space<vmem>> -> memref<1x128xi32, #tpu.memory_space<vmem>>
    %dma_start3A_15 = tpu.memref_squeeze %dma_start3A_14 : memref<1x128xi32, #tpu.memory_space<vmem>> -> memref<128xi32, #tpu.memory_space<vmem>>
    %dma_start3A_16 = arith.constant 0 : i32
    %dma_start3A_17 = arith.constant 0 : i32
    %dma_start3A_18 = tpu.memref_slice %arg2[%dma_start3A_16, %dma_start3A_17] : memref<100000x128xf32, #tpu.memory_space<hbm>> -> memref<100000x128xf32, #tpu.memory_space<hbm>>
    tpu.enqueue_indirect_dma source(%dma_start3A_18 : memref<100000x128xf32, #tpu.memory_space<hbm>>) target(%arg11 : memref<128x128xf32, #tpu.memory_space<vmem>>) offsets(%dma_start3A_15 : memref<128xi32, #tpu.memory_space<vmem>>) semaphore(%arg17 : memref<!tpu.dma_semaphore, #tpu.memory_space<semaphore_mem>>)
    %scan3A = arith.constant 0 : i32
    %scan3A_19 = arith.constant 0 : i32
    %scan3A_20 = arith.constant 15 : i32
    %scan3A_21 = arith.addi %scan3A_19, %scan3A_20 : i32
    %scan3A_22 = arith.constant 1 : i32
    scf.for %scan3A_33 = %scan3A_19 to %scan3A_21 step %scan3A_22  : i32 {
      %mul3A_34 = arith.constant 2 : i32
      %mul3A_35 = arith.muli %mul3A_34, %scan3A_33 : i32
      %add3A_36 = arith.constant 1 : i32
      %add3A_37 = arith.addi %mul3A_35, %add3A_36 : i32
      %dma_start3A_38 = arith.constant 0 : i32
      %dma_start3A_39 = tpu.memref_slice %arg10[%add3A_37, %dma_start3A_38] : memref<30x128xi32, #tpu.memory_space<vmem>> -> memref<1x128xi32, #tpu.memory_space<vmem>>
      %dma_start3A_40 = tpu.memref_squeeze %dma_start3A_39 : memref<1x128xi32, #tpu.memory_space<vmem>> -> memref<128xi32, #tpu.memory_space<vmem>>
      %dma_start3A_41 = arith.constant 0 : i32
      %dma_start3A_42 = arith.constant 0 : i32
      %dma_start3A_43 = tpu.memref_slice %arg2[%dma_start3A_41, %dma_start3A_42] : memref<100000x128xf32, #tpu.memory_space<hbm>> -> memref<100000x128xf32, #tpu.memory_space<hbm>>
      tpu.enqueue_indirect_dma source(%dma_start3A_43 : memref<100000x128xf32, #tpu.memory_space<hbm>>) target(%arg12 : memref<128x128xf32, #tpu.memory_space<vmem>>) offsets(%dma_start3A_40 : memref<128xi32, #tpu.memory_space<vmem>>) semaphore(%arg18 : memref<!tpu.dma_semaphore, #tpu.memory_space<semaphore_mem>>)
      %dma_wait3A_44 = arith.constant 0 : i32
      %dma_wait3A_45 = tpu.memref_slice %arg10[%mul3A_35, %dma_wait3A_44] : memref<30x128xi32, #tpu.memory_space<vmem>> -> memref<1x128xi32, #tpu.memory_space<vmem>>
      %dma_wait3A_46 = tpu.memref_squeeze %dma_wait3A_45 : memref<1x128xi32, #tpu.memory_space<vmem>> -> memref<128xi32, #tpu.memory_space<vmem>>
      %dma_wait3A_47 = arith.constant 0 : i32
      %dma_wait3A_48 = arith.constant 0 : i32
      %dma_wait3A_49 = tpu.memref_slice %arg2[%dma_wait3A_47, %dma_wait3A_48] : memref<100000x128xf32, #tpu.memory_space<hbm>> -> memref<100000x128xf32, #tpu.memory_space<hbm>>
      tpu.wait_indirect_dma semaphore(%arg17 : memref<!tpu.dma_semaphore, #tpu.memory_space<semaphore_mem>>) src(%dma_wait3A_49 : memref<100000x128xf32, #tpu.memory_space<hbm>>) dst(%arg11 : memref<128x128xf32, #tpu.memory_space<vmem>>)
      %mul3A_50 = arith.constant 128 : i32
      %mul3A_51 = arith.muli %mul3A_35, %mul3A_50 : i32
      %add3A_52 = arith.addi %mul3A_2, %mul3A_51 : i32
      "tpu.region"() ({
        %run_scoped3A = tpu.sem_alloc : memref<!tpu.dma_semaphore, #tpu.memory_space<semaphore_mem>>
        %dma_start3A_70 = arith.constant 0 : i32
        %dma_start3A_71 = tpu.memref_slice %arg7[%add3A_52, %dma_start3A_70] : memref<122880x128xf32, #tpu.memory_space<hbm>> -> memref<128x128xf32, #tpu.memory_space<hbm>>
        %dma_start3A_72 = arith.constant 0 : i32
        %dma_start3A_73 = tpu.memref_slice %arg7[%add3A_52, %dma_start3A_72] : memref<122880x128xf32, #tpu.memory_space<hbm>> -> memref<128x128xf32, #tpu.memory_space<hbm>>
        tpu.enqueue_dma source(%arg11 : memref<128x128xf32, #tpu.memory_space<vmem>>) target(%dma_start3A_73 : memref<128x128xf32, #tpu.memory_space<hbm>>) target_semaphore(%run_scoped3A : memref<!tpu.dma_semaphore, #tpu.memory_space<semaphore_mem>>)
        %dma_wait3A_74 = arith.constant 0 : i32
        %dma_wait3A_75 = tpu.memref_slice %arg7[%add3A_52, %dma_wait3A_74] : memref<122880x128xf32, #tpu.memory_space<hbm>> -> memref<128x128xf32, #tpu.memory_space<hbm>>
        %dma_wait3A_76 = arith.constant 0 : i32
        %dma_wait3A_77 = tpu.memref_slice %arg7[%add3A_52, %dma_wait3A_76] : memref<122880x128xf32, #tpu.memory_space<hbm>> -> memref<128x128xf32, #tpu.memory_space<hbm>>
        tpu.wait_dma2 semaphore(%run_scoped3A : memref<!tpu.dma_semaphore, #tpu.memory_space<semaphore_mem>>) src(%arg11 : memref<128x128xf32, #tpu.memory_space<vmem>>) dst(%dma_wait3A_77 : memref<128x128xf32, #tpu.memory_space<hbm>>)
        tpu.yield
      }) : () -> ()
      %add3A_53 = arith.constant 1 : i32
      %add3A_54 = arith.addi %scan3A_33, %add3A_53 : i32
      %lt3A = arith.constant 15 : i32
      %lt3A_55 = arith.cmpi slt, %add3A_54, %lt3A : i32
      %convert_element_type3A = arith.extui %lt3A_55 : i1 to i32
      %cond3A = arith.constant 0 : i32
      %cond3A_56 = arith.cmpi ne, %convert_element_type3A, %cond3A : i32
      scf.if %cond3A_56 {
        %add3A_70 = arith.constant 2 : i32
        %add3A_71 = arith.addi %mul3A_35, %add3A_70 : i32
        %dma_start3A_72 = arith.constant 0 : i32
        %dma_start3A_73 = tpu.memref_slice %arg10[%add3A_71, %dma_start3A_72] : memref<30x128xi32, #tpu.memory_space<vmem>> -> memref<1x128xi32, #tpu.memory_space<vmem>>
        %dma_start3A_74 = tpu.memref_squeeze %dma_start3A_73 : memref<1x128xi32, #tpu.memory_space<vmem>> -> memref<128xi32, #tpu.memory_space<vmem>>
        %dma_start3A_75 = arith.constant 0 : i32
        %dma_start3A_76 = arith.constant 0 : i32
        %dma_start3A_77 = tpu.memref_slice %arg2[%dma_start3A_75, %dma_start3A_76] : memref<100000x128xf32, #tpu.memory_space<hbm>> -> memref<100000x128xf32, #tpu.memory_space<hbm>>
        tpu.enqueue_indirect_dma source(%dma_start3A_77 : memref<100000x128xf32, #tpu.memory_space<hbm>>) target(%arg11 : memref<128x128xf32, #tpu.memory_space<vmem>>) offsets(%dma_start3A_74 : memref<128xi32, #tpu.memory_space<vmem>>) semaphore(%arg17 : memref<!tpu.dma_semaphore, #tpu.memory_space<semaphore_mem>>)
      } else {
      }
      %add3A_57 = arith.constant 1 : i32
      %add3A_58 = arith.addi %mul3A_35, %add3A_57 : i32
      %dma_wait3A_59 = arith.constant 0 : i32
      %dma_wait3A_60 = tpu.memref_slice %arg10[%add3A_58, %dma_wait3A_59] : memref<30x128xi32, #tpu.memory_space<vmem>> -> memref<1x128xi32, #tpu.memory_space<vmem>>
      %dma_wait3A_61 = tpu.memref_squeeze %dma_wait3A_60 : memref<1x128xi32, #tpu.memory_space<vmem>> -> memref<128xi32, #tpu.memory_space<vmem>>
      %dma_wait3A_62 = arith.constant 0 : i32
      %dma_wait3A_63 = arith.constant 0 : i32
      %dma_wait3A_64 = tpu.memref_slice %arg2[%dma_wait3A_62, %dma_wait3A_63] : memref<100000x128xf32, #tpu.memory_space<hbm>> -> memref<100000x128xf32, #tpu.memory_space<hbm>>
      tpu.wait_indirect_dma semaphore(%arg18 : memref<!tpu.dma_semaphore, #tpu.memory_space<semaphore_mem>>) src(%dma_wait3A_64 : memref<100000x128xf32, #tpu.memory_space<hbm>>) dst(%arg12 : memref<128x128xf32, #tpu.memory_space<vmem>>)
      %add3A_65 = arith.constant 1 : i32
      %add3A_66 = arith.addi %mul3A_35, %add3A_65 : i32
      %mul3A_67 = arith.constant 128 : i32
      %mul3A_68 = arith.muli %add3A_66, %mul3A_67 : i32
      %add3A_69 = arith.addi %mul3A_2, %mul3A_68 : i32
      "tpu.region"() ({
        %run_scoped3A = tpu.sem_alloc : memref<!tpu.dma_semaphore, #tpu.memory_space<semaphore_mem>>
        %dma_start3A_70 = arith.constant 0 : i32
        %dma_start3A_71 = tpu.memref_slice %arg7[%add3A_69, %dma_start3A_70] : memref<122880x128xf32, #tpu.memory_space<hbm>> -> memref<128x128xf32, #tpu.memory_space<hbm>>
        %dma_start3A_72 = arith.constant 0 : i32
        %dma_start3A_73 = tpu.memref_slice %arg7[%add3A_69, %dma_start3A_72] : memref<122880x128xf32, #tpu.memory_space<hbm>> -> memref<128x128xf32, #tpu.memory_space<hbm>>
        tpu.enqueue_dma source(%arg12 : memref<128x128xf32, #tpu.memory_space<vmem>>) target(%dma_start3A_73 : memref<128x128xf32, #tpu.memory_space<hbm>>) target_semaphore(%run_scoped3A : memref<!tpu.dma_semaphore, #tpu.memory_space<semaphore_mem>>)
        %dma_wait3A_74 = arith.constant 0 : i32
        %dma_wait3A_75 = tpu.memref_slice %arg7[%add3A_69, %dma_wait3A_74] : memref<122880x128xf32, #tpu.memory_space<hbm>> -> memref<128x128xf32, #tpu.memory_space<hbm>>
        %dma_wait3A_76 = arith.constant 0 : i32
        %dma_wait3A_77 = tpu.memref_slice %arg7[%add3A_69, %dma_wait3A_76] : memref<122880x128xf32, #tpu.memory_space<hbm>> -> memref<128x128xf32, #tpu.memory_space<hbm>>
        tpu.wait_dma2 semaphore(%run_scoped3A : memref<!tpu.dma_semaphore, #tpu.memory_space<semaphore_mem>>) src(%arg12 : memref<128x128xf32, #tpu.memory_space<vmem>>) dst(%dma_wait3A_77 : memref<128x128xf32, #tpu.memory_space<hbm>>)
        tpu.yield
      }) : () -> ()
    }
    %scan3A_23 = arith.constant 15 : i32
    %dma_wait3A = arith.constant 0 : i32
    %dma_wait3A_24 = arith.constant 0 : i32
    %dma_wait3A_25 = tpu.memref_slice %arg2[%dma_wait3A, %dma_wait3A_24] : memref<100000x128xf32, #tpu.memory_space<hbm>> -> memref<100000x128xf32, #tpu.memory_space<hbm>>
    tpu.wait_indirect_dma semaphore(%arg20 : memref<!tpu.dma_semaphore, #tpu.memory_space<semaphore_mem>>) src(%dma_wait3A_25 : memref<100000x128xf32, #tpu.memory_space<hbm>>) dst(%arg16 : memref<32x128xf32, #tpu.memory_space<vmem>>)
    %mul3A_26 = arith.constant 32 : i32
    %mul3A_27 = arith.muli %add3A, %mul3A_26 : i32
    "tpu.region"() ({
      %run_scoped3A = tpu.sem_alloc : memref<!tpu.dma_semaphore, #tpu.memory_space<semaphore_mem>>
      %dma_start3A_33 = arith.constant 0 : i32
      %dma_start3A_34 = tpu.memref_slice %arg8[%mul3A_27, %dma_start3A_33] : memref<1024x128xf32, #tpu.memory_space<hbm>> -> memref<32x128xf32, #tpu.memory_space<hbm>>
      %dma_start3A_35 = arith.constant 0 : i32
      %dma_start3A_36 = tpu.memref_slice %arg8[%mul3A_27, %dma_start3A_35] : memref<1024x128xf32, #tpu.memory_space<hbm>> -> memref<32x128xf32, #tpu.memory_space<hbm>>
      tpu.enqueue_dma source(%arg16 : memref<32x128xf32, #tpu.memory_space<vmem>>) target(%dma_start3A_36 : memref<32x128xf32, #tpu.memory_space<hbm>>) target_semaphore(%run_scoped3A : memref<!tpu.dma_semaphore, #tpu.memory_space<semaphore_mem>>)
      %dma_wait3A_37 = arith.constant 0 : i32
      %dma_wait3A_38 = tpu.memref_slice %arg8[%mul3A_27, %dma_wait3A_37] : memref<1024x128xf32, #tpu.memory_space<hbm>> -> memref<32x128xf32, #tpu.memory_space<hbm>>
      %dma_wait3A_39 = arith.constant 0 : i32
      %dma_wait3A_40 = tpu.memref_slice %arg8[%mul3A_27, %dma_wait3A_39] : memref<1024x128xf32, #tpu.memory_space<hbm>> -> memref<32x128xf32, #tpu.memory_space<hbm>>
      tpu.wait_dma2 semaphore(%run_scoped3A : memref<!tpu.dma_semaphore, #tpu.memory_space<semaphore_mem>>) src(%arg16 : memref<32x128xf32, #tpu.memory_space<vmem>>) dst(%dma_wait3A_40 : memref<32x128xf32, #tpu.memory_space<hbm>>)
      tpu.yield
    }) : () -> ()
    %dma_wait3A_28 = arith.constant 0 : i32
    %dma_wait3A_29 = arith.constant 0 : i32
    %dma_wait3A_30 = tpu.memref_slice %arg5[%dma_wait3A_28, %dma_wait3A_29] : memref<100000x128xf32, #tpu.memory_space<hbm>> -> memref<100000x128xf32, #tpu.memory_space<hbm>>
    tpu.wait_indirect_dma semaphore(%arg19 : memref<!tpu.dma_semaphore, #tpu.memory_space<semaphore_mem>>) src(%dma_wait3A_30 : memref<100000x128xf32, #tpu.memory_space<hbm>>) dst(%arg14 : memref<32x128xf32, #tpu.memory_space<vmem>>)
    %mul3A_31 = arith.constant 32 : i32
    %mul3A_32 = arith.muli %add3A, %mul3A_31 : i32
    "tpu.region"() ({
      %run_scoped3A = tpu.sem_alloc : memref<!tpu.dma_semaphore, #tpu.memory_space<semaphore_mem>>
      %dma_start3A_33 = arith.constant 0 : i32
      %dma_start3A_34 = tpu.memref_slice %arg9[%mul3A_32, %dma_start3A_33] : memref<1024x128xf32, #tpu.memory_space<hbm>> -> memref<32x128xf32, #tpu.memory_space<hbm>>
      %dma_start3A_35 = arith.constant 0 : i32
      %dma_start3A_36 = tpu.memref_slice %arg9[%mul3A_32, %dma_start3A_35] : memref<1024x128xf32, #tpu.memory_space<hbm>> -> memref<32x128xf32, #tpu.memory_space<hbm>>
      tpu.enqueue_dma source(%arg14 : memref<32x128xf32, #tpu.memory_space<vmem>>) target(%dma_start3A_36 : memref<32x128xf32, #tpu.memory_space<hbm>>) target_semaphore(%run_scoped3A : memref<!tpu.dma_semaphore, #tpu.memory_space<semaphore_mem>>)
      %dma_wait3A_37 = arith.constant 0 : i32
      %dma_wait3A_38 = tpu.memref_slice %arg9[%mul3A_32, %dma_wait3A_37] : memref<1024x128xf32, #tpu.memory_space<hbm>> -> memref<32x128xf32, #tpu.memory_space<hbm>>
      %dma_wait3A_39 = arith.constant 0 : i32
      %dma_wait3A_40 = tpu.memref_slice %arg9[%mul3A_32, %dma_wait3A_39] : memref<1024x128xf32, #tpu.memory_space<hbm>> -> memref<32x128xf32, #tpu.memory_space<hbm>>
      tpu.wait_dma2 semaphore(%run_scoped3A : memref<!tpu.dma_semaphore, #tpu.memory_space<semaphore_mem>>) src(%arg14 : memref<32x128xf32, #tpu.memory_space<vmem>>) dst(%dma_wait3A_40 : memref<32x128xf32, #tpu.memory_space<hbm>>)
      tpu.yield
    }) : () -> ()
    return
  }
}

module attributes {stable_mosaic.version = 14 : i64} {
  func.func @_gru_small_body(%arg0: i32, %arg1: memref<1x1024x20xi32, #tpu.memory_space<vmem>>, %arg2: memref<1x96x128xf32, #tpu.memory_space<vmem>>, %arg3: memref<1x30x128xf32, #tpu.memory_space<vmem>>, %arg4: memref<1x30x10xf32, #tpu.memory_space<vmem>>, %arg5: memref<1x1x30xf32, #tpu.memory_space<vmem>>, %arg6: memref<1x1x30xf32, #tpu.memory_space<vmem>>, %arg7: memref<1024x1x1x200xf32, #tpu.memory_space<vmem>>) attributes {dimension_semantics = [#tpu.dimension_semantics<arbitrary>], iteration_bounds = array<i64: 5>, scalar_prefetch = 0 : i64, scratch_operands = 0 : i64, tpu.core_type = #tpu.core_type<tc>, window_params = [{transform_indices = @transform_0, window_bounds = array<i64: 1, 1024, 20>}, {transform_indices = @transform_1, window_bounds = array<i64: 1, 96, 128>}, {transform_indices = @transform_2, window_bounds = array<i64: 1, 30, 128>}, {transform_indices = @transform_3, window_bounds = array<i64: 1, 30, 10>}, {transform_indices = @transform_4, window_bounds = array<i64: 1, 1, 30>}, {transform_indices = @transform_5, window_bounds = array<i64: 1, 1, 30>}, {transform_indices = @transform_6, window_bounds = array<i64: 1024, 1, 1, 200>}]} {
    %get3A = arith.constant 0 : index
    %get3A_0 = arith.constant 0 : index
    %get3A_1 = arith.constant 0 : index
    %get3A_2 = vector.load %arg3[%get3A, %get3A_0, %get3A_1] : memref<1x30x128xf32, #tpu.memory_space<vmem>>, vector<1x30x128xf32>
    %get3A_3 = vector.shape_cast %get3A_2 : vector<1x30x128xf32> to vector<30x128xf32>
    %get3A_4 = arith.constant 0 : index
    %get3A_5 = arith.constant 0 : index
    %get3A_6 = arith.constant 0 : index
    %get3A_7 = vector.load %arg4[%get3A_4, %get3A_5, %get3A_6] : memref<1x30x10xf32, #tpu.memory_space<vmem>>, vector<1x30x10xf32>
    %get3A_8 = vector.shape_cast %get3A_7 : vector<1x30x10xf32> to vector<30x10xf32>
    %get3A_9 = arith.constant 0 : index
    %get3A_10 = arith.constant 0 : index
    %get3A_11 = arith.constant 0 : index
    %get3A_12 = vector.load %arg5[%get3A_9, %get3A_10, %get3A_11] : memref<1x1x30xf32, #tpu.memory_space<vmem>>, vector<1x1x30xf32>
    %get3A_13 = vector.shape_cast %get3A_12 : vector<1x1x30xf32> to vector<1x30xf32>
    %get3A_14 = arith.constant 0 : index
    %get3A_15 = arith.constant 0 : index
    %get3A_16 = arith.constant 0 : index
    %get3A_17 = vector.load %arg6[%get3A_14, %get3A_15, %get3A_16] : memref<1x1x30xf32, #tpu.memory_space<vmem>>, vector<1x1x30xf32>
    %get3A_18 = vector.shape_cast %get3A_17 : vector<1x1x30xf32> to vector<1x30xf32>
    %get3A_19 = arith.constant 0 : index
    %get3A_20 = arith.constant 0 : index
    %get3A_21 = arith.constant 0 : index
    %get3A_22 = vector.load %arg2[%get3A_19, %get3A_20, %get3A_21] : memref<1x96x128xf32, #tpu.memory_space<vmem>>, vector<1x96x128xf32>
    %get3A_23 = vector.shape_cast %get3A_22 : vector<1x96x128xf32> to vector<96x128xf32>
    %dot_general3A = arith.constant dense<0.000000e+00> : vector<96x30xf32>
    %dot_general3A_24 = tpu.matmul %get3A_23, %get3A_3, %dot_general3A {dimension_numbers = #tpu.dot_dimension_numbers<[1], [1], [0], [0], [0, 0, 1, 0], [], []>, transpose_lhs_hint = false} : vector<96x128xf32>, vector<30x128xf32>, vector<96x30xf32> -> vector<96x30xf32>
    %broadcast_in_dim3A = arith.constant 0.000000e+00 : f32
    %broadcast_in_dim3A_25 = vector.broadcast %broadcast_in_dim3A : f32 to vector<1024x10xf32>
    %iota3A = tpu.iota {dimensions = array<i32: 1>} : vector<1024x96xi32>
    %get3A_26 = arith.constant 0 : index
    %get3A_27 = arith.constant 0 : index
    %get3A_28 = arith.constant 0 : index
    %get3A_29 = vector.load %arg1[%get3A_26, %get3A_27, %get3A_28] : memref<1x1024x20xi32, #tpu.memory_space<vmem>>, vector<1x1024x1xi32>
    %get3A_30 = vector.shape_cast %get3A_29 : vector<1x1024x1xi32> to vector<1024xi32>
    %broadcast_in_dim3A_31 = vector.shape_cast %get3A_30 : vector<1024xi32> to vector<1024x1xi32>
    %eq3A = vector.broadcast %broadcast_in_dim3A_31 : vector<1024x1xi32> to vector<1024x96xi32>
    %eq3A_32 = arith.cmpi eq, %eq3A, %iota3A : vector<1024x96xi32>
    %convert_element_type3A = arith.extui %eq3A_32 : vector<1024x96xi1> to vector<1024x96xi32>
    %convert_element_type3A_33 = arith.sitofp %convert_element_type3A : vector<1024x96xi32> to vector<1024x96xf32>
    %dot_general3A_34 = arith.constant dense<0.000000e+00> : vector<1024x30xf32>
    %dot_general3A_35 = tpu.matmul %convert_element_type3A_33, %dot_general3A_24, %dot_general3A_34 {dimension_numbers = #tpu.dot_dimension_numbers<[1], [0], [0], [1], [0, 0, 1, 1], [], []>, transpose_lhs_hint = false} : vector<1024x96xf32>, vector<96x30xf32>, vector<1024x30xf32> -> vector<1024x30xf32>
    %add3A = vector.broadcast %get3A_13 : vector<1x30xf32> to vector<1024x30xf32>
    %add3A_36 = arith.addf %dot_general3A_35, %add3A : vector<1024x30xf32>
    %dot_general3A_37 = arith.constant dense<0.000000e+00> : vector<1024x30xf32>
    %dot_general3A_38 = tpu.matmul %broadcast_in_dim3A_25, %get3A_8, %dot_general3A_37 {dimension_numbers = #tpu.dot_dimension_numbers<[1], [1], [0], [0], [0, 0, 1, 0], [], []>, transpose_lhs_hint = false} : vector<1024x10xf32>, vector<30x10xf32>, vector<1024x30xf32> -> vector<1024x30xf32>
    %add3A_39 = vector.broadcast %get3A_18 : vector<1x30xf32> to vector<1024x30xf32>
    %add3A_40 = arith.addf %dot_general3A_38, %add3A_39 : vector<1024x30xf32>
    %slice3A = vector.extract_strided_slice %add3A_36 {offsets = [0, 0], sizes = [1024, 10], strides = [1, 1]} : vector<1024x30xf32> to vector<1024x10xf32>
    %slice3A_41 = vector.extract_strided_slice %add3A_40 {offsets = [0, 0], sizes = [1024, 10], strides = [1, 1]} : vector<1024x30xf32> to vector<1024x10xf32>
    %add3A_42 = arith.addf %slice3A, %slice3A_41 : vector<1024x10xf32>
    %logistic3A = arith.negf %add3A_42 : vector<1024x10xf32>
    %logistic3A_43 = math.exp %logistic3A : vector<1024x10xf32>
    %logistic3A_44 = arith.constant 1.000000e+00 : f32
    %logistic3A_45 = vector.broadcast %logistic3A_44 : f32 to vector<1024x10xf32>
    %logistic3A_46 = arith.addf %logistic3A_45, %logistic3A_43 : vector<1024x10xf32>
    %logistic3A_47 = arith.divf %logistic3A_45, %logistic3A_46 : vector<1024x10xf32>
    %slice3A_48 = vector.extract_strided_slice %add3A_36 {offsets = [0, 10], sizes = [1024, 10], strides = [1, 1]} : vector<1024x30xf32> to vector<1024x10xf32>
    %slice3A_49 = vector.extract_strided_slice %add3A_40 {offsets = [0, 10], sizes = [1024, 10], strides = [1, 1]} : vector<1024x30xf32> to vector<1024x10xf32>
    %add3A_50 = arith.addf %slice3A_48, %slice3A_49 : vector<1024x10xf32>
    %logistic3A_51 = arith.negf %add3A_50 : vector<1024x10xf32>
    %logistic3A_52 = math.exp %logistic3A_51 : vector<1024x10xf32>
    %logistic3A_53 = arith.constant 1.000000e+00 : f32
    %logistic3A_54 = vector.broadcast %logistic3A_53 : f32 to vector<1024x10xf32>
    %logistic3A_55 = arith.addf %logistic3A_54, %logistic3A_52 : vector<1024x10xf32>
    %logistic3A_56 = arith.divf %logistic3A_54, %logistic3A_55 : vector<1024x10xf32>
    %slice3A_57 = vector.extract_strided_slice %add3A_36 {offsets = [0, 20], sizes = [1024, 10], strides = [1, 1]} : vector<1024x30xf32> to vector<1024x10xf32>
    %slice3A_58 = vector.extract_strided_slice %add3A_40 {offsets = [0, 20], sizes = [1024, 10], strides = [1, 1]} : vector<1024x30xf32> to vector<1024x10xf32>
    %mul3A = arith.mulf %logistic3A_47, %slice3A_58 : vector<1024x10xf32>
    %add3A_59 = arith.addf %slice3A_57, %mul3A : vector<1024x10xf32>
    %tanh3A = math.tanh %add3A_59 : vector<1024x10xf32>
    %sub3A = arith.constant 1.000000e+00 : f32
    %sub3A_60 = vector.broadcast %sub3A : f32 to vector<1024x10xf32>
    %sub3A_61 = arith.subf %sub3A_60, %logistic3A_56 : vector<1024x10xf32>
    %mul3A_62 = arith.mulf %sub3A_61, %tanh3A : vector<1024x10xf32>
    %mul3A_63 = arith.mulf %logistic3A_56, %broadcast_in_dim3A_25 : vector<1024x10xf32>
    %add3A_64 = arith.addf %mul3A_62, %mul3A_63 : vector<1024x10xf32>
    %swap3A = arith.constant 0 : index
    %swap3A_65 = arith.constant 0 : index
    %swap3A_66 = arith.constant 0 : index
    %swap3A_67 = arith.constant 0 : index
    %swap3A_68 = vector.load %arg7[%swap3A, %swap3A_65, %swap3A_66, %swap3A_67] : memref<1024x1x1x200xf32, #tpu.memory_space<vmem>>, vector<1024x1x1x10xf32>
    %swap3A_69 = vector.shape_cast %swap3A_68 : vector<1024x1x1x10xf32> to vector<1024x10xf32>
    %swap3A_70 = vector.shape_cast %add3A_64 : vector<1024x10xf32> to vector<1024x1x1x10xf32>
    tpu.vector_store %arg7[%swap3A, %swap3A_65, %swap3A_66, %swap3A_67], %swap3A_70 {strides = array<i32>} : memref<1024x1x1x200xf32, #tpu.memory_space<vmem>>, vector<1024x1x1x10xf32>,
    %get3A_71 = arith.constant 0 : index
    %get3A_72 = arith.constant 0 : index
    %get3A_73 = arith.constant 1 : index
    %get3A_74 = vector.load %arg1[%get3A_71, %get3A_72, %get3A_73] : memref<1x1024x20xi32, #tpu.memory_space<vmem>>, vector<1x1024x1xi32>
    %get3A_75 = vector.shape_cast %get3A_74 : vector<1x1024x1xi32> to vector<1024xi32>
    %broadcast_in_dim3A_76 = vector.shape_cast %get3A_75 : vector<1024xi32> to vector<1024x1xi32>
    %eq3A_77 = vector.broadcast %broadcast_in_dim3A_76 : vector<1024x1xi32> to vector<1024x96xi32>
    %eq3A_78 = arith.cmpi eq, %eq3A_77, %iota3A : vector<1024x96xi32>
    %convert_element_type3A_79 = arith.extui %eq3A_78 : vector<1024x96xi1> to vector<1024x96xi32>
    %convert_element_type3A_80 = arith.sitofp %convert_element_type3A_79 : vector<1024x96xi32> to vector<1024x96xf32>
    %dot_general3A_81 = arith.constant dense<0.000000e+00> : vector<1024x30xf32>
    %dot_general3A_82 = tpu.matmul %convert_element_type3A_80, %dot_general3A_24, %dot_general3A_81 {dimension_numbers = #tpu.dot_dimension_numbers<[1], [0], [0], [1], [0, 0, 1, 1], [], []>, transpose_lhs_hint = false} : vector<1024x96xf32>, vector<96x30xf32>, vector<1024x30xf32> -> vector<1024x30xf32>
    %add3A_83 = vector.broadcast %get3A_13 : vector<1x30xf32> to vector<1024x30xf32>
    %add3A_84 = arith.addf %dot_general3A_82, %add3A_83 : vector<1024x30xf32>
    %dot_general3A_85 = arith.constant dense<0.000000e+00> : vector<1024x30xf32>
    %dot_general3A_86 = tpu.matmul %add3A_64, %get3A_8, %dot_general3A_85 {dimension_numbers = #tpu.dot_dimension_numbers<[1], [1], [0], [0], [0, 0, 1, 0], [], []>, transpose_lhs_hint = false} : vector<1024x10xf32>, vector<30x10xf32>, vector<1024x30xf32> -> vector<1024x30xf32>
    %add3A_87 = vector.broadcast %get3A_18 : vector<1x30xf32> to vector<1024x30xf32>
    %add3A_88 = arith.addf %dot_general3A_86, %add3A_87 : vector<1024x30xf32>
    %slice3A_89 = vector.extract_strided_slice %add3A_84 {offsets = [0, 0], sizes = [1024, 10], strides = [1, 1]} : vector<1024x30xf32> to vector<1024x10xf32>
    %slice3A_90 = vector.extract_strided_slice %add3A_88 {offsets = [0, 0], sizes = [1024, 10], strides = [1, 1]} : vector<1024x30xf32> to vector<1024x10xf32>
    %add3A_91 = arith.addf %slice3A_89, %slice3A_90 : vector<1024x10xf32>
    %logistic3A_92 = arith.negf %add3A_91 : vector<1024x10xf32>
    %logistic3A_93 = math.exp %logistic3A_92 : vector<1024x10xf32>
    %logistic3A_94 = arith.constant 1.000000e+00 : f32
    %logistic3A_95 = vector.broadcast %logistic3A_94 : f32 to vector<1024x10xf32>
    %logistic3A_96 = arith.addf %logistic3A_95, %logistic3A_93 : vector<1024x10xf32>
    %logistic3A_97 = arith.divf %logistic3A_95, %logistic3A_96 : vector<1024x10xf32>
    %slice3A_98 = vector.extract_strided_slice %add3A_84 {offsets = [0, 10], sizes = [1024, 10], strides = [1, 1]} : vector<1024x30xf32> to vector<1024x10xf32>
    %slice3A_99 = vector.extract_strided_slice %add3A_88 {offsets = [0, 10], sizes = [1024, 10], strides = [1, 1]} : vector<1024x30xf32> to vector<1024x10xf32>
    %add3A_100 = arith.addf %slice3A_98, %slice3A_99 : vector<1024x10xf32>
    %logistic3A_101 = arith.negf %add3A_100 : vector<1024x10xf32>
    %logistic3A_102 = math.exp %logistic3A_101 : vector<1024x10xf32>
    %logistic3A_103 = arith.constant 1.000000e+00 : f32
    %logistic3A_104 = vector.broadcast %logistic3A_103 : f32 to vector<1024x10xf32>
    %logistic3A_105 = arith.addf %logistic3A_104, %logistic3A_102 : vector<1024x10xf32>
    %logistic3A_106 = arith.divf %logistic3A_104, %logistic3A_105 : vector<1024x10xf32>
    %slice3A_107 = vector.extract_strided_slice %add3A_84 {offsets = [0, 20], sizes = [1024, 10], strides = [1, 1]} : vector<1024x30xf32> to vector<1024x10xf32>
    %slice3A_108 = vector.extract_strided_slice %add3A_88 {offsets = [0, 20], sizes = [1024, 10], strides = [1, 1]} : vector<1024x30xf32> to vector<1024x10xf32>
    %mul3A_109 = arith.mulf %logistic3A_97, %slice3A_108 : vector<1024x10xf32>
    %add3A_110 = arith.addf %slice3A_107, %mul3A_109 : vector<1024x10xf32>
    %tanh3A_111 = math.tanh %add3A_110 : vector<1024x10xf32>
    %sub3A_112 = arith.constant 1.000000e+00 : f32
    %sub3A_113 = vector.broadcast %sub3A_112 : f32 to vector<1024x10xf32>
    %sub3A_114 = arith.subf %sub3A_113, %logistic3A_106 : vector<1024x10xf32>
    %mul3A_115 = arith.mulf %sub3A_114, %tanh3A_111 : vector<1024x10xf32>
    %mul3A_116 = arith.mulf %logistic3A_106, %add3A_64 : vector<1024x10xf32>
    %add3A_117 = arith.addf %mul3A_115, %mul3A_116 : vector<1024x10xf32>
    %swap3A_118 = arith.constant 0 : index
    %swap3A_119 = arith.constant 0 : index
    %swap3A_120 = arith.constant 0 : index
    %swap3A_121 = arith.constant 10 : index
    %swap3A_122 = vector.load %arg7[%swap3A_118, %swap3A_119, %swap3A_120, %swap3A_121] : memref<1024x1x1x200xf32, #tpu.memory_space<vmem>>, vector<1024x1x1x10xf32>
    %swap3A_123 = vector.shape_cast %swap3A_122 : vector<1024x1x1x10xf32> to vector<1024x10xf32>
    %swap3A_124 = vector.shape_cast %add3A_117 : vector<1024x10xf32> to vector<1024x1x1x10xf32>
    tpu.vector_store %arg7[%swap3A_118, %swap3A_119, %swap3A_120, %swap3A_121], %swap3A_124 {strides = array<i32>} : memref<1024x1x1x200xf32, #tpu.memory_space<vmem>>, vector<1024x1x1x10xf32>,
    %get3A_125 = arith.constant 0 : index
    %get3A_126 = arith.constant 0 : index
    %get3A_127 = arith.constant 2 : index
    %get3A_128 = vector.load %arg1[%get3A_125, %get3A_126, %get3A_127] : memref<1x1024x20xi32, #tpu.memory_space<vmem>>, vector<1x1024x1xi32>
    %get3A_129 = vector.shape_cast %get3A_128 : vector<1x1024x1xi32> to vector<1024xi32>
    %broadcast_in_dim3A_130 = vector.shape_cast %get3A_129 : vector<1024xi32> to vector<1024x1xi32>
    %eq3A_131 = vector.broadcast %broadcast_in_dim3A_130 : vector<1024x1xi32> to vector<1024x96xi32>
    %eq3A_132 = arith.cmpi eq, %eq3A_131, %iota3A : vector<1024x96xi32>
    %convert_element_type3A_133 = arith.extui %eq3A_132 : vector<1024x96xi1> to vector<1024x96xi32>
    %convert_element_type3A_134 = arith.sitofp %convert_element_type3A_133 : vector<1024x96xi32> to vector<1024x96xf32>
    %dot_general3A_135 = arith.constant dense<0.000000e+00> : vector<1024x30xf32>
    %dot_general3A_136 = tpu.matmul %convert_element_type3A_134, %dot_general3A_24, %dot_general3A_135 {dimension_numbers = #tpu.dot_dimension_numbers<[1], [0], [0], [1], [0, 0, 1, 1], [], []>, transpose_lhs_hint = false} : vector<1024x96xf32>, vector<96x30xf32>, vector<1024x30xf32> -> vector<1024x30xf32>
    %add3A_137 = vector.broadcast %get3A_13 : vector<1x30xf32> to vector<1024x30xf32>
    %add3A_138 = arith.addf %dot_general3A_136, %add3A_137 : vector<1024x30xf32>
    %dot_general3A_139 = arith.constant dense<0.000000e+00> : vector<1024x30xf32>
    %dot_general3A_140 = tpu.matmul %add3A_117, %get3A_8, %dot_general3A_139 {dimension_numbers = #tpu.dot_dimension_numbers<[1], [1], [0], [0], [0, 0, 1, 0], [], []>, transpose_lhs_hint = false} : vector<1024x10xf32>, vector<30x10xf32>, vector<1024x30xf32> -> vector<1024x30xf32>
    %add3A_141 = vector.broadcast %get3A_18 : vector<1x30xf32> to vector<1024x30xf32>
    %add3A_142 = arith.addf %dot_general3A_140, %add3A_141 : vector<1024x30xf32>
    %slice3A_143 = vector.extract_strided_slice %add3A_138 {offsets = [0, 0], sizes = [1024, 10], strides = [1, 1]} : vector<1024x30xf32> to vector<1024x10xf32>
    %slice3A_144 = vector.extract_strided_slice %add3A_142 {offsets = [0, 0], sizes = [1024, 10], strides = [1, 1]} : vector<1024x30xf32> to vector<1024x10xf32>
    %add3A_145 = arith.addf %slice3A_143, %slice3A_144 : vector<1024x10xf32>
    %logistic3A_146 = arith.negf %add3A_145 : vector<1024x10xf32>
    %logistic3A_147 = math.exp %logistic3A_146 : vector<1024x10xf32>
    %logistic3A_148 = arith.constant 1.000000e+00 : f32
    %logistic3A_149 = vector.broadcast %logistic3A_148 : f32 to vector<1024x10xf32>
    %logistic3A_150 = arith.addf %logistic3A_149, %logistic3A_147 : vector<1024x10xf32>
    %logistic3A_151 = arith.divf %logistic3A_149, %logistic3A_150 : vector<1024x10xf32>
    %slice3A_152 = vector.extract_strided_slice %add3A_138 {offsets = [0, 10], sizes = [1024, 10], strides = [1, 1]} : vector<1024x30xf32> to vector<1024x10xf32>
    %slice3A_153 = vector.extract_strided_slice %add3A_142 {offsets = [0, 10], sizes = [1024, 10], strides = [1, 1]} : vector<1024x30xf32> to vector<1024x10xf32>
    %add3A_154 = arith.addf %slice3A_152, %slice3A_153 : vector<1024x10xf32>
    %logistic3A_155 = arith.negf %add3A_154 : vector<1024x10xf32>
    %logistic3A_156 = math.exp %logistic3A_155 : vector<1024x10xf32>
    %logistic3A_157 = arith.constant 1.000000e+00 : f32
    %logistic3A_158 = vector.broadcast %logistic3A_157 : f32 to vector<1024x10xf32>
    %logistic3A_159 = arith.addf %logistic3A_158, %logistic3A_156 : vector<1024x10xf32>
    %logistic3A_160 = arith.divf %logistic3A_158, %logistic3A_159 : vector<1024x10xf32>
    %slice3A_161 = vector.extract_strided_slice %add3A_138 {offsets = [0, 20], sizes = [1024, 10], strides = [1, 1]} : vector<1024x30xf32> to vector<1024x10xf32>
    %slice3A_162 = vector.extract_strided_slice %add3A_142 {offsets = [0, 20], sizes = [1024, 10], strides = [1, 1]} : vector<1024x30xf32> to vector<1024x10xf32>
    %mul3A_163 = arith.mulf %logistic3A_151, %slice3A_162 : vector<1024x10xf32>
    %add3A_164 = arith.addf %slice3A_161, %mul3A_163 : vector<1024x10xf32>
    %tanh3A_165 = math.tanh %add3A_164 : vector<1024x10xf32>
    %sub3A_166 = arith.constant 1.000000e+00 : f32
    %sub3A_167 = vector.broadcast %sub3A_166 : f32 to vector<1024x10xf32>
    %sub3A_168 = arith.subf %sub3A_167, %logistic3A_160 : vector<1024x10xf32>
    %mul3A_169 = arith.mulf %sub3A_168, %tanh3A_165 : vector<1024x10xf32>
    %mul3A_170 = arith.mulf %logistic3A_160, %add3A_117 : vector<1024x10xf32>
    %add3A_171 = arith.addf %mul3A_169, %mul3A_170 : vector<1024x10xf32>
    %swap3A_172 = arith.constant 0 : index
    %swap3A_173 = arith.constant 0 : index
    %swap3A_174 = arith.constant 0 : index
    %swap3A_175 = arith.constant 20 : index
    %swap3A_176 = vector.load %arg7[%swap3A_172, %swap3A_173, %swap3A_174, %swap3A_175] : memref<1024x1x1x200xf32, #tpu.memory_space<vmem>>, vector<1024x1x1x10xf32>
    %swap3A_177 = vector.shape_cast %swap3A_176 : vector<1024x1x1x10xf32> to vector<1024x10xf32>
    %swap3A_178 = vector.shape_cast %add3A_171 : vector<1024x10xf32> to vector<1024x1x1x10xf32>
    tpu.vector_store %arg7[%swap3A_172, %swap3A_173, %swap3A_174, %swap3A_175], %swap3A_178 {strides = array<i32>} : memref<1024x1x1x200xf32, #tpu.memory_space<vmem>>, vector<1024x1x1x10xf32>,
    %get3A_179 = arith.constant 0 : index
    %get3A_180 = arith.constant 0 : index
    %get3A_181 = arith.constant 3 : index
    %get3A_182 = vector.load %arg1[%get3A_179, %get3A_180, %get3A_181] : memref<1x1024x20xi32, #tpu.memory_space<vmem>>, vector<1x1024x1xi32>
    %get3A_183 = vector.shape_cast %get3A_182 : vector<1x1024x1xi32> to vector<1024xi32>
    %broadcast_in_dim3A_184 = vector.shape_cast %get3A_183 : vector<1024xi32> to vector<1024x1xi32>
    %eq3A_185 = vector.broadcast %broadcast_in_dim3A_184 : vector<1024x1xi32> to vector<1024x96xi32>
    %eq3A_186 = arith.cmpi eq, %eq3A_185, %iota3A : vector<1024x96xi32>
    %convert_element_type3A_187 = arith.extui %eq3A_186 : vector<1024x96xi1> to vector<1024x96xi32>
    %convert_element_type3A_188 = arith.sitofp %convert_element_type3A_187 : vector<1024x96xi32> to vector<1024x96xf32>
    %dot_general3A_189 = arith.constant dense<0.000000e+00> : vector<1024x30xf32>
    %dot_general3A_190 = tpu.matmul %convert_element_type3A_188, %dot_general3A_24, %dot_general3A_189 {dimension_numbers = #tpu.dot_dimension_numbers<[1], [0], [0], [1], [0, 0, 1, 1], [], []>, transpose_lhs_hint = false} : vector<1024x96xf32>, vector<96x30xf32>, vector<1024x30xf32> -> vector<1024x30xf32>
    %add3A_191 = vector.broadcast %get3A_13 : vector<1x30xf32> to vector<1024x30xf32>
    %add3A_192 = arith.addf %dot_general3A_190, %add3A_191 : vector<1024x30xf32>
    %dot_general3A_193 = arith.constant dense<0.000000e+00> : vector<1024x30xf32>
    %dot_general3A_194 = tpu.matmul %add3A_171, %get3A_8, %dot_general3A_193 {dimension_numbers = #tpu.dot_dimension_numbers<[1], [1], [0], [0], [0, 0, 1, 0], [], []>, transpose_lhs_hint = false} : vector<1024x10xf32>, vector<30x10xf32>, vector<1024x30xf32> -> vector<1024x30xf32>
    %add3A_195 = vector.broadcast %get3A_18 : vector<1x30xf32> to vector<1024x30xf32>
    %add3A_196 = arith.addf %dot_general3A_194, %add3A_195 : vector<1024x30xf32>
    %slice3A_197 = vector.extract_strided_slice %add3A_192 {offsets = [0, 0], sizes = [1024, 10], strides = [1, 1]} : vector<1024x30xf32> to vector<1024x10xf32>
    %slice3A_198 = vector.extract_strided_slice %add3A_196 {offsets = [0, 0], sizes = [1024, 10], strides = [1, 1]} : vector<1024x30xf32> to vector<1024x10xf32>
    %add3A_199 = arith.addf %slice3A_197, %slice3A_198 : vector<1024x10xf32>
    %logistic3A_200 = arith.negf %add3A_199 : vector<1024x10xf32>
    %logistic3A_201 = math.exp %logistic3A_200 : vector<1024x10xf32>
    %logistic3A_202 = arith.constant 1.000000e+00 : f32
    %logistic3A_203 = vector.broadcast %logistic3A_202 : f32 to vector<1024x10xf32>
    %logistic3A_204 = arith.addf %logistic3A_203, %logistic3A_201 : vector<1024x10xf32>
    %logistic3A_205 = arith.divf %logistic3A_203, %logistic3A_204 : vector<1024x10xf32>
    %slice3A_206 = vector.extract_strided_slice %add3A_192 {offsets = [0, 10], sizes = [1024, 10], strides = [1, 1]} : vector<1024x30xf32> to vector<1024x10xf32>
    %slice3A_207 = vector.extract_strided_slice %add3A_196 {offsets = [0, 10], sizes = [1024, 10], strides = [1, 1]} : vector<1024x30xf32> to vector<1024x10xf32>
    %add3A_208 = arith.addf %slice3A_206, %slice3A_207 : vector<1024x10xf32>
    %logistic3A_209 = arith.negf %add3A_208 : vector<1024x10xf32>
    %logistic3A_210 = math.exp %logistic3A_209 : vector<1024x10xf32>
    %logistic3A_211 = arith.constant 1.000000e+00 : f32
    %logistic3A_212 = vector.broadcast %logistic3A_211 : f32 to vector<1024x10xf32>
    %logistic3A_213 = arith.addf %logistic3A_212, %logistic3A_210 : vector<1024x10xf32>
    %logistic3A_214 = arith.divf %logistic3A_212, %logistic3A_213 : vector<1024x10xf32>
    %slice3A_215 = vector.extract_strided_slice %add3A_192 {offsets = [0, 20], sizes = [1024, 10], strides = [1, 1]} : vector<1024x30xf32> to vector<1024x10xf32>
    %slice3A_216 = vector.extract_strided_slice %add3A_196 {offsets = [0, 20], sizes = [1024, 10], strides = [1, 1]} : vector<1024x30xf32> to vector<1024x10xf32>
    %mul3A_217 = arith.mulf %logistic3A_205, %slice3A_216 : vector<1024x10xf32>
    %add3A_218 = arith.addf %slice3A_215, %mul3A_217 : vector<1024x10xf32>
    %tanh3A_219 = math.tanh %add3A_218 : vector<1024x10xf32>
    %sub3A_220 = arith.constant 1.000000e+00 : f32
    %sub3A_221 = vector.broadcast %sub3A_220 : f32 to vector<1024x10xf32>
    %sub3A_222 = arith.subf %sub3A_221, %logistic3A_214 : vector<1024x10xf32>
    %mul3A_223 = arith.mulf %sub3A_222, %tanh3A_219 : vector<1024x10xf32>
    %mul3A_224 = arith.mulf %logistic3A_214, %add3A_171 : vector<1024x10xf32>
    %add3A_225 = arith.addf %mul3A_223, %mul3A_224 : vector<1024x10xf32>
    %swap3A_226 = arith.constant 0 : index
    %swap3A_227 = arith.constant 0 : index
    %swap3A_228 = arith.constant 0 : index
    %swap3A_229 = arith.constant 30 : index
    %swap3A_230 = vector.load %arg7[%swap3A_226, %swap3A_227, %swap3A_228, %swap3A_229] : memref<1024x1x1x200xf32, #tpu.memory_space<vmem>>, vector<1024x1x1x10xf32>
    %swap3A_231 = vector.shape_cast %swap3A_230 : vector<1024x1x1x10xf32> to vector<1024x10xf32>
    %swap3A_232 = vector.shape_cast %add3A_225 : vector<1024x10xf32> to vector<1024x1x1x10xf32>
    tpu.vector_store %arg7[%swap3A_226, %swap3A_227, %swap3A_228, %swap3A_229], %swap3A_232 {strides = array<i32>} : memref<1024x1x1x200xf32, #tpu.memory_space<vmem>>, vector<1024x1x1x10xf32>,
    %get3A_233 = arith.constant 0 : index
    %get3A_234 = arith.constant 0 : index
    %get3A_235 = arith.constant 4 : index
    %get3A_236 = vector.load %arg1[%get3A_233, %get3A_234, %get3A_235] : memref<1x1024x20xi32, #tpu.memory_space<vmem>>, vector<1x1024x1xi32>
    %get3A_237 = vector.shape_cast %get3A_236 : vector<1x1024x1xi32> to vector<1024xi32>
    %broadcast_in_dim3A_238 = vector.shape_cast %get3A_237 : vector<1024xi32> to vector<1024x1xi32>
    %eq3A_239 = vector.broadcast %broadcast_in_dim3A_238 : vector<1024x1xi32> to vector<1024x96xi32>
    %eq3A_240 = arith.cmpi eq, %eq3A_239, %iota3A : vector<1024x96xi32>
    %convert_element_type3A_241 = arith.extui %eq3A_240 : vector<1024x96xi1> to vector<1024x96xi32>
    %convert_element_type3A_242 = arith.sitofp %convert_element_type3A_241 : vector<1024x96xi32> to vector<1024x96xf32>
    %dot_general3A_243 = arith.constant dense<0.000000e+00> : vector<1024x30xf32>
    %dot_general3A_244 = tpu.matmul %convert_element_type3A_242, %dot_general3A_24, %dot_general3A_243 {dimension_numbers = #tpu.dot_dimension_numbers<[1], [0], [0], [1], [0, 0, 1, 1], [], []>, transpose_lhs_hint = false} : vector<1024x96xf32>, vector<96x30xf32>, vector<1024x30xf32> -> vector<1024x30xf32>
    %add3A_245 = vector.broadcast %get3A_13 : vector<1x30xf32> to vector<1024x30xf32>
    %add3A_246 = arith.addf %dot_general3A_244, %add3A_245 : vector<1024x30xf32>
    %dot_general3A_247 = arith.constant dense<0.000000e+00> : vector<1024x30xf32>
    %dot_general3A_248 = tpu.matmul %add3A_225, %get3A_8, %dot_general3A_247 {dimension_numbers = #tpu.dot_dimension_numbers<[1], [1], [0], [0], [0, 0, 1, 0], [], []>, transpose_lhs_hint = false} : vector<1024x10xf32>, vector<30x10xf32>, vector<1024x30xf32> -> vector<1024x30xf32>
    %add3A_249 = vector.broadcast %get3A_18 : vector<1x30xf32> to vector<1024x30xf32>
    %add3A_250 = arith.addf %dot_general3A_248, %add3A_249 : vector<1024x30xf32>
    %slice3A_251 = vector.extract_strided_slice %add3A_246 {offsets = [0, 0], sizes = [1024, 10], strides = [1, 1]} : vector<1024x30xf32> to vector<1024x10xf32>
    %slice3A_252 = vector.extract_strided_slice %add3A_250 {offsets = [0, 0], sizes = [1024, 10], strides = [1, 1]} : vector<1024x30xf32> to vector<1024x10xf32>
    %add3A_253 = arith.addf %slice3A_251, %slice3A_252 : vector<1024x10xf32>
    %logistic3A_254 = arith.negf %add3A_253 : vector<1024x10xf32>
    %logistic3A_255 = math.exp %logistic3A_254 : vector<1024x10xf32>
    %logistic3A_256 = arith.constant 1.000000e+00 : f32
    %logistic3A_257 = vector.broadcast %logistic3A_256 : f32 to vector<1024x10xf32>
    %logistic3A_258 = arith.addf %logistic3A_257, %logistic3A_255 : vector<1024x10xf32>
    %logistic3A_259 = arith.divf %logistic3A_257, %logistic3A_258 : vector<1024x10xf32>
    %slice3A_260 = vector.extract_strided_slice %add3A_246 {offsets = [0, 10], sizes = [1024, 10], strides = [1, 1]} : vector<1024x30xf32> to vector<1024x10xf32>
    %slice3A_261 = vector.extract_strided_slice %add3A_250 {offsets = [0, 10], sizes = [1024, 10], strides = [1, 1]} : vector<1024x30xf32> to vector<1024x10xf32>
    %add3A_262 = arith.addf %slice3A_260, %slice3A_261 : vector<1024x10xf32>
    %logistic3A_263 = arith.negf %add3A_262 : vector<1024x10xf32>
    %logistic3A_264 = math.exp %logistic3A_263 : vector<1024x10xf32>
    %logistic3A_265 = arith.constant 1.000000e+00 : f32
    %logistic3A_266 = vector.broadcast %logistic3A_265 : f32 to vector<1024x10xf32>
    %logistic3A_267 = arith.addf %logistic3A_266, %logistic3A_264 : vector<1024x10xf32>
    %logistic3A_268 = arith.divf %logistic3A_266, %logistic3A_267 : vector<1024x10xf32>
    %slice3A_269 = vector.extract_strided_slice %add3A_246 {offsets = [0, 20], sizes = [1024, 10], strides = [1, 1]} : vector<1024x30xf32> to vector<1024x10xf32>
    %slice3A_270 = vector.extract_strided_slice %add3A_250 {offsets = [0, 20], sizes = [1024, 10], strides = [1, 1]} : vector<1024x30xf32> to vector<1024x10xf32>
    %mul3A_271 = arith.mulf %logistic3A_259, %slice3A_270 : vector<1024x10xf32>
    %add3A_272 = arith.addf %slice3A_269, %mul3A_271 : vector<1024x10xf32>
    %tanh3A_273 = math.tanh %add3A_272 : vector<1024x10xf32>
    %sub3A_274 = arith.constant 1.000000e+00 : f32
    %sub3A_275 = vector.broadcast %sub3A_274 : f32 to vector<1024x10xf32>
    %sub3A_276 = arith.subf %sub3A_275, %logistic3A_268 : vector<1024x10xf32>
    %mul3A_277 = arith.mulf %sub3A_276, %tanh3A_273 : vector<1024x10xf32>
    %mul3A_278 = arith.mulf %logistic3A_268, %add3A_225 : vector<1024x10xf32>
    %add3A_279 = arith.addf %mul3A_277, %mul3A_278 : vector<1024x10xf32>
    %swap3A_280 = arith.constant 0 : index
    %swap3A_281 = arith.constant 0 : index
    %swap3A_282 = arith.constant 0 : index
    %swap3A_283 = arith.constant 40 : index
    %swap3A_284 = vector.load %arg7[%swap3A_280, %swap3A_281, %swap3A_282, %swap3A_283] : memref<1024x1x1x200xf32, #tpu.memory_space<vmem>>, vector<1024x1x1x10xf32>
    %swap3A_285 = vector.shape_cast %swap3A_284 : vector<1024x1x1x10xf32> to vector<1024x10xf32>
    %swap3A_286 = vector.shape_cast %add3A_279 : vector<1024x10xf32> to vector<1024x1x1x10xf32>
    tpu.vector_store %arg7[%swap3A_280, %swap3A_281, %swap3A_282, %swap3A_283], %swap3A_286 {strides = array<i32>} : memref<1024x1x1x200xf32, #tpu.memory_space<vmem>>, vector<1024x1x1x10xf32>,
    %get3A_287 = arith.constant 0 : index
    %get3A_288 = arith.constant 0 : index
    %get3A_289 = arith.constant 5 : index
    %get3A_290 = vector.load %arg1[%get3A_287, %get3A_288, %get3A_289] : memref<1x1024x20xi32, #tpu.memory_space<vmem>>, vector<1x1024x1xi32>
    %get3A_291 = vector.shape_cast %get3A_290 : vector<1x1024x1xi32> to vector<1024xi32>
    %broadcast_in_dim3A_292 = vector.shape_cast %get3A_291 : vector<1024xi32> to vector<1024x1xi32>
    %eq3A_293 = vector.broadcast %broadcast_in_dim3A_292 : vector<1024x1xi32> to vector<1024x96xi32>
    %eq3A_294 = arith.cmpi eq, %eq3A_293, %iota3A : vector<1024x96xi32>
    %convert_element_type3A_295 = arith.extui %eq3A_294 : vector<1024x96xi1> to vector<1024x96xi32>
    %convert_element_type3A_296 = arith.sitofp %convert_element_type3A_295 : vector<1024x96xi32> to vector<1024x96xf32>
    %dot_general3A_297 = arith.constant dense<0.000000e+00> : vector<1024x30xf32>
    %dot_general3A_298 = tpu.matmul %convert_element_type3A_296, %dot_general3A_24, %dot_general3A_297 {dimension_numbers = #tpu.dot_dimension_numbers<[1], [0], [0], [1], [0, 0, 1, 1], [], []>, transpose_lhs_hint = false} : vector<1024x96xf32>, vector<96x30xf32>, vector<1024x30xf32> -> vector<1024x30xf32>
    %add3A_299 = vector.broadcast %get3A_13 : vector<1x30xf32> to vector<1024x30xf32>
    %add3A_300 = arith.addf %dot_general3A_298, %add3A_299 : vector<1024x30xf32>
    %dot_general3A_301 = arith.constant dense<0.000000e+00> : vector<1024x30xf32>
    %dot_general3A_302 = tpu.matmul %add3A_279, %get3A_8, %dot_general3A_301 {dimension_numbers = #tpu.dot_dimension_numbers<[1], [1], [0], [0], [0, 0, 1, 0], [], []>, transpose_lhs_hint = false} : vector<1024x10xf32>, vector<30x10xf32>, vector<1024x30xf32> -> vector<1024x30xf32>
    %add3A_303 = vector.broadcast %get3A_18 : vector<1x30xf32> to vector<1024x30xf32>
    %add3A_304 = arith.addf %dot_general3A_302, %add3A_303 : vector<1024x30xf32>
    %slice3A_305 = vector.extract_strided_slice %add3A_300 {offsets = [0, 0], sizes = [1024, 10], strides = [1, 1]} : vector<1024x30xf32> to vector<1024x10xf32>
    %slice3A_306 = vector.extract_strided_slice %add3A_304 {offsets = [0, 0], sizes = [1024, 10], strides = [1, 1]} : vector<1024x30xf32> to vector<1024x10xf32>
    %add3A_307 = arith.addf %slice3A_305, %slice3A_306 : vector<1024x10xf32>
    %logistic3A_308 = arith.negf %add3A_307 : vector<1024x10xf32>
    %logistic3A_309 = math.exp %logistic3A_308 : vector<1024x10xf32>
    %logistic3A_310 = arith.constant 1.000000e+00 : f32
    %logistic3A_311 = vector.broadcast %logistic3A_310 : f32 to vector<1024x10xf32>
    %logistic3A_312 = arith.addf %logistic3A_311, %logistic3A_309 : vector<1024x10xf32>
    %logistic3A_313 = arith.divf %logistic3A_311, %logistic3A_312 : vector<1024x10xf32>
    %slice3A_314 = vector.extract_strided_slice %add3A_300 {offsets = [0, 10], sizes = [1024, 10], strides = [1, 1]} : vector<1024x30xf32> to vector<1024x10xf32>
    %slice3A_315 = vector.extract_strided_slice %add3A_304 {offsets = [0, 10], sizes = [1024, 10], strides = [1, 1]} : vector<1024x30xf32> to vector<1024x10xf32>
    %add3A_316 = arith.addf %slice3A_314, %slice3A_315 : vector<1024x10xf32>
    %logistic3A_317 = arith.negf %add3A_316 : vector<1024x10xf32>
    %logistic3A_318 = math.exp %logistic3A_317 : vector<1024x10xf32>
    %logistic3A_319 = arith.constant 1.000000e+00 : f32
    %logistic3A_320 = vector.broadcast %logistic3A_319 : f32 to vector<1024x10xf32>
    %logistic3A_321 = arith.addf %logistic3A_320, %logistic3A_318 : vector<1024x10xf32>
    %logistic3A_322 = arith.divf %logistic3A_320, %logistic3A_321 : vector<1024x10xf32>
    %slice3A_323 = vector.extract_strided_slice %add3A_300 {offsets = [0, 20], sizes = [1024, 10], strides = [1, 1]} : vector<1024x30xf32> to vector<1024x10xf32>
    %slice3A_324 = vector.extract_strided_slice %add3A_304 {offsets = [0, 20], sizes = [1024, 10], strides = [1, 1]} : vector<1024x30xf32> to vector<1024x10xf32>
    %mul3A_325 = arith.mulf %logistic3A_313, %slice3A_324 : vector<1024x10xf32>
    %add3A_326 = arith.addf %slice3A_323, %mul3A_325 : vector<1024x10xf32>
    %tanh3A_327 = math.tanh %add3A_326 : vector<1024x10xf32>
    %sub3A_328 = arith.constant 1.000000e+00 : f32
    %sub3A_329 = vector.broadcast %sub3A_328 : f32 to vector<1024x10xf32>
    %sub3A_330 = arith.subf %sub3A_329, %logistic3A_322 : vector<1024x10xf32>
    %mul3A_331 = arith.mulf %sub3A_330, %tanh3A_327 : vector<1024x10xf32>
    %mul3A_332 = arith.mulf %logistic3A_322, %add3A_279 : vector<1024x10xf32>
    %add3A_333 = arith.addf %mul3A_331, %mul3A_332 : vector<1024x10xf32>
    %swap3A_334 = arith.constant 0 : index
    %swap3A_335 = arith.constant 0 : index
    %swap3A_336 = arith.constant 0 : index
    %swap3A_337 = arith.constant 50 : index
    %swap3A_338 = vector.load %arg7[%swap3A_334, %swap3A_335, %swap3A_336, %swap3A_337] : memref<1024x1x1x200xf32, #tpu.memory_space<vmem>>, vector<1024x1x1x10xf32>
    %swap3A_339 = vector.shape_cast %swap3A_338 : vector<1024x1x1x10xf32> to vector<1024x10xf32>
    %swap3A_340 = vector.shape_cast %add3A_333 : vector<1024x10xf32> to vector<1024x1x1x10xf32>
    tpu.vector_store %arg7[%swap3A_334, %swap3A_335, %swap3A_336, %swap3A_337], %swap3A_340 {strides = array<i32>} : memref<1024x1x1x200xf32, #tpu.memory_space<vmem>>, vector<1024x1x1x10xf32>,
    %get3A_341 = arith.constant 0 : index
    %get3A_342 = arith.constant 0 : index
    %get3A_343 = arith.constant 6 : index
    %get3A_344 = vector.load %arg1[%get3A_341, %get3A_342, %get3A_343] : memref<1x1024x20xi32, #tpu.memory_space<vmem>>, vector<1x1024x1xi32>
    %get3A_345 = vector.shape_cast %get3A_344 : vector<1x1024x1xi32> to vector<1024xi32>
    %broadcast_in_dim3A_346 = vector.shape_cast %get3A_345 : vector<1024xi32> to vector<1024x1xi32>
    %eq3A_347 = vector.broadcast %broadcast_in_dim3A_346 : vector<1024x1xi32> to vector<1024x96xi32>
    %eq3A_348 = arith.cmpi eq, %eq3A_347, %iota3A : vector<1024x96xi32>
    %convert_element_type3A_349 = arith.extui %eq3A_348 : vector<1024x96xi1> to vector<1024x96xi32>
    %convert_element_type3A_350 = arith.sitofp %convert_element_type3A_349 : vector<1024x96xi32> to vector<1024x96xf32>
    %dot_general3A_351 = arith.constant dense<0.000000e+00> : vector<1024x30xf32>
    %dot_general3A_352 = tpu.matmul %convert_element_type3A_350, %dot_general3A_24, %dot_general3A_351 {dimension_numbers = #tpu.dot_dimension_numbers<[1], [0], [0], [1], [0, 0, 1, 1], [], []>, transpose_lhs_hint = false} : vector<1024x96xf32>, vector<96x30xf32>, vector<1024x30xf32> -> vector<1024x30xf32>
    %add3A_353 = vector.broadcast %get3A_13 : vector<1x30xf32> to vector<1024x30xf32>
    %add3A_354 = arith.addf %dot_general3A_352, %add3A_353 : vector<1024x30xf32>
    %dot_general3A_355 = arith.constant dense<0.000000e+00> : vector<1024x30xf32>
    %dot_general3A_356 = tpu.matmul %add3A_333, %get3A_8, %dot_general3A_355 {dimension_numbers = #tpu.dot_dimension_numbers<[1], [1], [0], [0], [0, 0, 1, 0], [], []>, transpose_lhs_hint = false} : vector<1024x10xf32>, vector<30x10xf32>, vector<1024x30xf32> -> vector<1024x30xf32>
    %add3A_357 = vector.broadcast %get3A_18 : vector<1x30xf32> to vector<1024x30xf32>
    %add3A_358 = arith.addf %dot_general3A_356, %add3A_357 : vector<1024x30xf32>
    %slice3A_359 = vector.extract_strided_slice %add3A_354 {offsets = [0, 0], sizes = [1024, 10], strides = [1, 1]} : vector<1024x30xf32> to vector<1024x10xf32>
    %slice3A_360 = vector.extract_strided_slice %add3A_358 {offsets = [0, 0], sizes = [1024, 10], strides = [1, 1]} : vector<1024x30xf32> to vector<1024x10xf32>
    %add3A_361 = arith.addf %slice3A_359, %slice3A_360 : vector<1024x10xf32>
    %logistic3A_362 = arith.negf %add3A_361 : vector<1024x10xf32>
    %logistic3A_363 = math.exp %logistic3A_362 : vector<1024x10xf32>
    %logistic3A_364 = arith.constant 1.000000e+00 : f32
    %logistic3A_365 = vector.broadcast %logistic3A_364 : f32 to vector<1024x10xf32>
    %logistic3A_366 = arith.addf %logistic3A_365, %logistic3A_363 : vector<1024x10xf32>
    %logistic3A_367 = arith.divf %logistic3A_365, %logistic3A_366 : vector<1024x10xf32>
    %slice3A_368 = vector.extract_strided_slice %add3A_354 {offsets = [0, 10], sizes = [1024, 10], strides = [1, 1]} : vector<1024x30xf32> to vector<1024x10xf32>
    %slice3A_369 = vector.extract_strided_slice %add3A_358 {offsets = [0, 10], sizes = [1024, 10], strides = [1, 1]} : vector<1024x30xf32> to vector<1024x10xf32>
    %add3A_370 = arith.addf %slice3A_368, %slice3A_369 : vector<1024x10xf32>
    %logistic3A_371 = arith.negf %add3A_370 : vector<1024x10xf32>
    %logistic3A_372 = math.exp %logistic3A_371 : vector<1024x10xf32>
    %logistic3A_373 = arith.constant 1.000000e+00 : f32
    %logistic3A_374 = vector.broadcast %logistic3A_373 : f32 to vector<1024x10xf32>
    %logistic3A_375 = arith.addf %logistic3A_374, %logistic3A_372 : vector<1024x10xf32>
    %logistic3A_376 = arith.divf %logistic3A_374, %logistic3A_375 : vector<1024x10xf32>
    %slice3A_377 = vector.extract_strided_slice %add3A_354 {offsets = [0, 20], sizes = [1024, 10], strides = [1, 1]} : vector<1024x30xf32> to vector<1024x10xf32>
    %slice3A_378 = vector.extract_strided_slice %add3A_358 {offsets = [0, 20], sizes = [1024, 10], strides = [1, 1]} : vector<1024x30xf32> to vector<1024x10xf32>
    %mul3A_379 = arith.mulf %logistic3A_367, %slice3A_378 : vector<1024x10xf32>
    %add3A_380 = arith.addf %slice3A_377, %mul3A_379 : vector<1024x10xf32>
    %tanh3A_381 = math.tanh %add3A_380 : vector<1024x10xf32>
    %sub3A_382 = arith.constant 1.000000e+00 : f32
    %sub3A_383 = vector.broadcast %sub3A_382 : f32 to vector<1024x10xf32>
    %sub3A_384 = arith.subf %sub3A_383, %logistic3A_376 : vector<1024x10xf32>
    %mul3A_385 = arith.mulf %sub3A_384, %tanh3A_381 : vector<1024x10xf32>
    %mul3A_386 = arith.mulf %logistic3A_376, %add3A_333 : vector<1024x10xf32>
    %add3A_387 = arith.addf %mul3A_385, %mul3A_386 : vector<1024x10xf32>
    %swap3A_388 = arith.constant 0 : index
    %swap3A_389 = arith.constant 0 : index
    %swap3A_390 = arith.constant 0 : index
    %swap3A_391 = arith.constant 60 : index
    %swap3A_392 = vector.load %arg7[%swap3A_388, %swap3A_389, %swap3A_390, %swap3A_391] : memref<1024x1x1x200xf32, #tpu.memory_space<vmem>>, vector<1024x1x1x10xf32>
    %swap3A_393 = vector.shape_cast %swap3A_392 : vector<1024x1x1x10xf32> to vector<1024x10xf32>
    %swap3A_394 = vector.shape_cast %add3A_387 : vector<1024x10xf32> to vector<1024x1x1x10xf32>
    tpu.vector_store %arg7[%swap3A_388, %swap3A_389, %swap3A_390, %swap3A_391], %swap3A_394 {strides = array<i32>} : memref<1024x1x1x200xf32, #tpu.memory_space<vmem>>, vector<1024x1x1x10xf32>,
    %get3A_395 = arith.constant 0 : index
    %get3A_396 = arith.constant 0 : index
    %get3A_397 = arith.constant 7 : index
    %get3A_398 = vector.load %arg1[%get3A_395, %get3A_396, %get3A_397] : memref<1x1024x20xi32, #tpu.memory_space<vmem>>, vector<1x1024x1xi32>
    %get3A_399 = vector.shape_cast %get3A_398 : vector<1x1024x1xi32> to vector<1024xi32>
    %broadcast_in_dim3A_400 = vector.shape_cast %get3A_399 : vector<1024xi32> to vector<1024x1xi32>
    %eq3A_401 = vector.broadcast %broadcast_in_dim3A_400 : vector<1024x1xi32> to vector<1024x96xi32>
    %eq3A_402 = arith.cmpi eq, %eq3A_401, %iota3A : vector<1024x96xi32>
    %convert_element_type3A_403 = arith.extui %eq3A_402 : vector<1024x96xi1> to vector<1024x96xi32>
    %convert_element_type3A_404 = arith.sitofp %convert_element_type3A_403 : vector<1024x96xi32> to vector<1024x96xf32>
    %dot_general3A_405 = arith.constant dense<0.000000e+00> : vector<1024x30xf32>
    %dot_general3A_406 = tpu.matmul %convert_element_type3A_404, %dot_general3A_24, %dot_general3A_405 {dimension_numbers = #tpu.dot_dimension_numbers<[1], [0], [0], [1], [0, 0, 1, 1], [], []>, transpose_lhs_hint = false} : vector<1024x96xf32>, vector<96x30xf32>, vector<1024x30xf32> -> vector<1024x30xf32>
    %add3A_407 = vector.broadcast %get3A_13 : vector<1x30xf32> to vector<1024x30xf32>
    %add3A_408 = arith.addf %dot_general3A_406, %add3A_407 : vector<1024x30xf32>
    %dot_general3A_409 = arith.constant dense<0.000000e+00> : vector<1024x30xf32>
    %dot_general3A_410 = tpu.matmul %add3A_387, %get3A_8, %dot_general3A_409 {dimension_numbers = #tpu.dot_dimension_numbers<[1], [1], [0], [0], [0, 0, 1, 0], [], []>, transpose_lhs_hint = false} : vector<1024x10xf32>, vector<30x10xf32>, vector<1024x30xf32> -> vector<1024x30xf32>
    %add3A_411 = vector.broadcast %get3A_18 : vector<1x30xf32> to vector<1024x30xf32>
    %add3A_412 = arith.addf %dot_general3A_410, %add3A_411 : vector<1024x30xf32>
    %slice3A_413 = vector.extract_strided_slice %add3A_408 {offsets = [0, 0], sizes = [1024, 10], strides = [1, 1]} : vector<1024x30xf32> to vector<1024x10xf32>
    %slice3A_414 = vector.extract_strided_slice %add3A_412 {offsets = [0, 0], sizes = [1024, 10], strides = [1, 1]} : vector<1024x30xf32> to vector<1024x10xf32>
    %add3A_415 = arith.addf %slice3A_413, %slice3A_414 : vector<1024x10xf32>
    %logistic3A_416 = arith.negf %add3A_415 : vector<1024x10xf32>
    %logistic3A_417 = math.exp %logistic3A_416 : vector<1024x10xf32>
    %logistic3A_418 = arith.constant 1.000000e+00 : f32
    %logistic3A_419 = vector.broadcast %logistic3A_418 : f32 to vector<1024x10xf32>
    %logistic3A_420 = arith.addf %logistic3A_419, %logistic3A_417 : vector<1024x10xf32>
    %logistic3A_421 = arith.divf %logistic3A_419, %logistic3A_420 : vector<1024x10xf32>
    %slice3A_422 = vector.extract_strided_slice %add3A_408 {offsets = [0, 10], sizes = [1024, 10], strides = [1, 1]} : vector<1024x30xf32> to vector<1024x10xf32>
    %slice3A_423 = vector.extract_strided_slice %add3A_412 {offsets = [0, 10], sizes = [1024, 10], strides = [1, 1]} : vector<1024x30xf32> to vector<1024x10xf32>
    %add3A_424 = arith.addf %slice3A_422, %slice3A_423 : vector<1024x10xf32>
    %logistic3A_425 = arith.negf %add3A_424 : vector<1024x10xf32>
    %logistic3A_426 = math.exp %logistic3A_425 : vector<1024x10xf32>
    %logistic3A_427 = arith.constant 1.000000e+00 : f32
    %logistic3A_428 = vector.broadcast %logistic3A_427 : f32 to vector<1024x10xf32>
    %logistic3A_429 = arith.addf %logistic3A_428, %logistic3A_426 : vector<1024x10xf32>
    %logistic3A_430 = arith.divf %logistic3A_428, %logistic3A_429 : vector<1024x10xf32>
    %slice3A_431 = vector.extract_strided_slice %add3A_408 {offsets = [0, 20], sizes = [1024, 10], strides = [1, 1]} : vector<1024x30xf32> to vector<1024x10xf32>
    %slice3A_432 = vector.extract_strided_slice %add3A_412 {offsets = [0, 20], sizes = [1024, 10], strides = [1, 1]} : vector<1024x30xf32> to vector<1024x10xf32>
    %mul3A_433 = arith.mulf %logistic3A_421, %slice3A_432 : vector<1024x10xf32>
    %add3A_434 = arith.addf %slice3A_431, %mul3A_433 : vector<1024x10xf32>
    %tanh3A_435 = math.tanh %add3A_434 : vector<1024x10xf32>
    %sub3A_436 = arith.constant 1.000000e+00 : f32
    %sub3A_437 = vector.broadcast %sub3A_436 : f32 to vector<1024x10xf32>
    %sub3A_438 = arith.subf %sub3A_437, %logistic3A_430 : vector<1024x10xf32>
    %mul3A_439 = arith.mulf %sub3A_438, %tanh3A_435 : vector<1024x10xf32>
    %mul3A_440 = arith.mulf %logistic3A_430, %add3A_387 : vector<1024x10xf32>
    %add3A_441 = arith.addf %mul3A_439, %mul3A_440 : vector<1024x10xf32>
    %swap3A_442 = arith.constant 0 : index
    %swap3A_443 = arith.constant 0 : index
    %swap3A_444 = arith.constant 0 : index
    %swap3A_445 = arith.constant 70 : index
    %swap3A_446 = vector.load %arg7[%swap3A_442, %swap3A_443, %swap3A_444, %swap3A_445] : memref<1024x1x1x200xf32, #tpu.memory_space<vmem>>, vector<1024x1x1x10xf32>
    %swap3A_447 = vector.shape_cast %swap3A_446 : vector<1024x1x1x10xf32> to vector<1024x10xf32>
    %swap3A_448 = vector.shape_cast %add3A_441 : vector<1024x10xf32> to vector<1024x1x1x10xf32>
    tpu.vector_store %arg7[%swap3A_442, %swap3A_443, %swap3A_444, %swap3A_445], %swap3A_448 {strides = array<i32>} : memref<1024x1x1x200xf32, #tpu.memory_space<vmem>>, vector<1024x1x1x10xf32>,
    %get3A_449 = arith.constant 0 : index
    %get3A_450 = arith.constant 0 : index
    %get3A_451 = arith.constant 8 : index
    %get3A_452 = vector.load %arg1[%get3A_449, %get3A_450, %get3A_451] : memref<1x1024x20xi32, #tpu.memory_space<vmem>>, vector<1x1024x1xi32>
    %get3A_453 = vector.shape_cast %get3A_452 : vector<1x1024x1xi32> to vector<1024xi32>
    %broadcast_in_dim3A_454 = vector.shape_cast %get3A_453 : vector<1024xi32> to vector<1024x1xi32>
    %eq3A_455 = vector.broadcast %broadcast_in_dim3A_454 : vector<1024x1xi32> to vector<1024x96xi32>
    %eq3A_456 = arith.cmpi eq, %eq3A_455, %iota3A : vector<1024x96xi32>
    %convert_element_type3A_457 = arith.extui %eq3A_456 : vector<1024x96xi1> to vector<1024x96xi32>
    %convert_element_type3A_458 = arith.sitofp %convert_element_type3A_457 : vector<1024x96xi32> to vector<1024x96xf32>
    %dot_general3A_459 = arith.constant dense<0.000000e+00> : vector<1024x30xf32>
    %dot_general3A_460 = tpu.matmul %convert_element_type3A_458, %dot_general3A_24, %dot_general3A_459 {dimension_numbers = #tpu.dot_dimension_numbers<[1], [0], [0], [1], [0, 0, 1, 1], [], []>, transpose_lhs_hint = false} : vector<1024x96xf32>, vector<96x30xf32>, vector<1024x30xf32> -> vector<1024x30xf32>
    %add3A_461 = vector.broadcast %get3A_13 : vector<1x30xf32> to vector<1024x30xf32>
    %add3A_462 = arith.addf %dot_general3A_460, %add3A_461 : vector<1024x30xf32>
    %dot_general3A_463 = arith.constant dense<0.000000e+00> : vector<1024x30xf32>
    %dot_general3A_464 = tpu.matmul %add3A_441, %get3A_8, %dot_general3A_463 {dimension_numbers = #tpu.dot_dimension_numbers<[1], [1], [0], [0], [0, 0, 1, 0], [], []>, transpose_lhs_hint = false} : vector<1024x10xf32>, vector<30x10xf32>, vector<1024x30xf32> -> vector<1024x30xf32>
    %add3A_465 = vector.broadcast %get3A_18 : vector<1x30xf32> to vector<1024x30xf32>
    %add3A_466 = arith.addf %dot_general3A_464, %add3A_465 : vector<1024x30xf32>
    %slice3A_467 = vector.extract_strided_slice %add3A_462 {offsets = [0, 0], sizes = [1024, 10], strides = [1, 1]} : vector<1024x30xf32> to vector<1024x10xf32>
    %slice3A_468 = vector.extract_strided_slice %add3A_466 {offsets = [0, 0], sizes = [1024, 10], strides = [1, 1]} : vector<1024x30xf32> to vector<1024x10xf32>
    %add3A_469 = arith.addf %slice3A_467, %slice3A_468 : vector<1024x10xf32>
    %logistic3A_470 = arith.negf %add3A_469 : vector<1024x10xf32>
    %logistic3A_471 = math.exp %logistic3A_470 : vector<1024x10xf32>
    %logistic3A_472 = arith.constant 1.000000e+00 : f32
    %logistic3A_473 = vector.broadcast %logistic3A_472 : f32 to vector<1024x10xf32>
    %logistic3A_474 = arith.addf %logistic3A_473, %logistic3A_471 : vector<1024x10xf32>
    %logistic3A_475 = arith.divf %logistic3A_473, %logistic3A_474 : vector<1024x10xf32>
    %slice3A_476 = vector.extract_strided_slice %add3A_462 {offsets = [0, 10], sizes = [1024, 10], strides = [1, 1]} : vector<1024x30xf32> to vector<1024x10xf32>
    %slice3A_477 = vector.extract_strided_slice %add3A_466 {offsets = [0, 10], sizes = [1024, 10], strides = [1, 1]} : vector<1024x30xf32> to vector<1024x10xf32>
    %add3A_478 = arith.addf %slice3A_476, %slice3A_477 : vector<1024x10xf32>
    %logistic3A_479 = arith.negf %add3A_478 : vector<1024x10xf32>
    %logistic3A_480 = math.exp %logistic3A_479 : vector<1024x10xf32>
    %logistic3A_481 = arith.constant 1.000000e+00 : f32
    %logistic3A_482 = vector.broadcast %logistic3A_481 : f32 to vector<1024x10xf32>
    %logistic3A_483 = arith.addf %logistic3A_482, %logistic3A_480 : vector<1024x10xf32>
    %logistic3A_484 = arith.divf %logistic3A_482, %logistic3A_483 : vector<1024x10xf32>
    %slice3A_485 = vector.extract_strided_slice %add3A_462 {offsets = [0, 20], sizes = [1024, 10], strides = [1, 1]} : vector<1024x30xf32> to vector<1024x10xf32>
    %slice3A_486 = vector.extract_strided_slice %add3A_466 {offsets = [0, 20], sizes = [1024, 10], strides = [1, 1]} : vector<1024x30xf32> to vector<1024x10xf32>
    %mul3A_487 = arith.mulf %logistic3A_475, %slice3A_486 : vector<1024x10xf32>
    %add3A_488 = arith.addf %slice3A_485, %mul3A_487 : vector<1024x10xf32>
    %tanh3A_489 = math.tanh %add3A_488 : vector<1024x10xf32>
    %sub3A_490 = arith.constant 1.000000e+00 : f32
    %sub3A_491 = vector.broadcast %sub3A_490 : f32 to vector<1024x10xf32>
    %sub3A_492 = arith.subf %sub3A_491, %logistic3A_484 : vector<1024x10xf32>
    %mul3A_493 = arith.mulf %sub3A_492, %tanh3A_489 : vector<1024x10xf32>
    %mul3A_494 = arith.mulf %logistic3A_484, %add3A_441 : vector<1024x10xf32>
    %add3A_495 = arith.addf %mul3A_493, %mul3A_494 : vector<1024x10xf32>
    %swap3A_496 = arith.constant 0 : index
    %swap3A_497 = arith.constant 0 : index
    %swap3A_498 = arith.constant 0 : index
    %swap3A_499 = arith.constant 80 : index
    %swap3A_500 = vector.load %arg7[%swap3A_496, %swap3A_497, %swap3A_498, %swap3A_499] : memref<1024x1x1x200xf32, #tpu.memory_space<vmem>>, vector<1024x1x1x10xf32>
    %swap3A_501 = vector.shape_cast %swap3A_500 : vector<1024x1x1x10xf32> to vector<1024x10xf32>
    %swap3A_502 = vector.shape_cast %add3A_495 : vector<1024x10xf32> to vector<1024x1x1x10xf32>
    tpu.vector_store %arg7[%swap3A_496, %swap3A_497, %swap3A_498, %swap3A_499], %swap3A_502 {strides = array<i32>} : memref<1024x1x1x200xf32, #tpu.memory_space<vmem>>, vector<1024x1x1x10xf32>,
    %get3A_503 = arith.constant 0 : index
    %get3A_504 = arith.constant 0 : index
    %get3A_505 = arith.constant 9 : index
    %get3A_506 = vector.load %arg1[%get3A_503, %get3A_504, %get3A_505] : memref<1x1024x20xi32, #tpu.memory_space<vmem>>, vector<1x1024x1xi32>
    %get3A_507 = vector.shape_cast %get3A_506 : vector<1x1024x1xi32> to vector<1024xi32>
    %broadcast_in_dim3A_508 = vector.shape_cast %get3A_507 : vector<1024xi32> to vector<1024x1xi32>
    %eq3A_509 = vector.broadcast %broadcast_in_dim3A_508 : vector<1024x1xi32> to vector<1024x96xi32>
    %eq3A_510 = arith.cmpi eq, %eq3A_509, %iota3A : vector<1024x96xi32>
    %convert_element_type3A_511 = arith.extui %eq3A_510 : vector<1024x96xi1> to vector<1024x96xi32>
    %convert_element_type3A_512 = arith.sitofp %convert_element_type3A_511 : vector<1024x96xi32> to vector<1024x96xf32>
    %dot_general3A_513 = arith.constant dense<0.000000e+00> : vector<1024x30xf32>
    %dot_general3A_514 = tpu.matmul %convert_element_type3A_512, %dot_general3A_24, %dot_general3A_513 {dimension_numbers = #tpu.dot_dimension_numbers<[1], [0], [0], [1], [0, 0, 1, 1], [], []>, transpose_lhs_hint = false} : vector<1024x96xf32>, vector<96x30xf32>, vector<1024x30xf32> -> vector<1024x30xf32>
    %add3A_515 = vector.broadcast %get3A_13 : vector<1x30xf32> to vector<1024x30xf32>
    %add3A_516 = arith.addf %dot_general3A_514, %add3A_515 : vector<1024x30xf32>
    %dot_general3A_517 = arith.constant dense<0.000000e+00> : vector<1024x30xf32>
    %dot_general3A_518 = tpu.matmul %add3A_495, %get3A_8, %dot_general3A_517 {dimension_numbers = #tpu.dot_dimension_numbers<[1], [1], [0], [0], [0, 0, 1, 0], [], []>, transpose_lhs_hint = false} : vector<1024x10xf32>, vector<30x10xf32>, vector<1024x30xf32> -> vector<1024x30xf32>
    %add3A_519 = vector.broadcast %get3A_18 : vector<1x30xf32> to vector<1024x30xf32>
    %add3A_520 = arith.addf %dot_general3A_518, %add3A_519 : vector<1024x30xf32>
    %slice3A_521 = vector.extract_strided_slice %add3A_516 {offsets = [0, 0], sizes = [1024, 10], strides = [1, 1]} : vector<1024x30xf32> to vector<1024x10xf32>
    %slice3A_522 = vector.extract_strided_slice %add3A_520 {offsets = [0, 0], sizes = [1024, 10], strides = [1, 1]} : vector<1024x30xf32> to vector<1024x10xf32>
    %add3A_523 = arith.addf %slice3A_521, %slice3A_522 : vector<1024x10xf32>
    %logistic3A_524 = arith.negf %add3A_523 : vector<1024x10xf32>
    %logistic3A_525 = math.exp %logistic3A_524 : vector<1024x10xf32>
    %logistic3A_526 = arith.constant 1.000000e+00 : f32
    %logistic3A_527 = vector.broadcast %logistic3A_526 : f32 to vector<1024x10xf32>
    %logistic3A_528 = arith.addf %logistic3A_527, %logistic3A_525 : vector<1024x10xf32>
    %logistic3A_529 = arith.divf %logistic3A_527, %logistic3A_528 : vector<1024x10xf32>
    %slice3A_530 = vector.extract_strided_slice %add3A_516 {offsets = [0, 10], sizes = [1024, 10], strides = [1, 1]} : vector<1024x30xf32> to vector<1024x10xf32>
    %slice3A_531 = vector.extract_strided_slice %add3A_520 {offsets = [0, 10], sizes = [1024, 10], strides = [1, 1]} : vector<1024x30xf32> to vector<1024x10xf32>
    %add3A_532 = arith.addf %slice3A_530, %slice3A_531 : vector<1024x10xf32>
    %logistic3A_533 = arith.negf %add3A_532 : vector<1024x10xf32>
    %logistic3A_534 = math.exp %logistic3A_533 : vector<1024x10xf32>
    %logistic3A_535 = arith.constant 1.000000e+00 : f32
    %logistic3A_536 = vector.broadcast %logistic3A_535 : f32 to vector<1024x10xf32>
    %logistic3A_537 = arith.addf %logistic3A_536, %logistic3A_534 : vector<1024x10xf32>
    %logistic3A_538 = arith.divf %logistic3A_536, %logistic3A_537 : vector<1024x10xf32>
    %slice3A_539 = vector.extract_strided_slice %add3A_516 {offsets = [0, 20], sizes = [1024, 10], strides = [1, 1]} : vector<1024x30xf32> to vector<1024x10xf32>
    %slice3A_540 = vector.extract_strided_slice %add3A_520 {offsets = [0, 20], sizes = [1024, 10], strides = [1, 1]} : vector<1024x30xf32> to vector<1024x10xf32>
    %mul3A_541 = arith.mulf %logistic3A_529, %slice3A_540 : vector<1024x10xf32>
    %add3A_542 = arith.addf %slice3A_539, %mul3A_541 : vector<1024x10xf32>
    %tanh3A_543 = math.tanh %add3A_542 : vector<1024x10xf32>
    %sub3A_544 = arith.constant 1.000000e+00 : f32
    %sub3A_545 = vector.broadcast %sub3A_544 : f32 to vector<1024x10xf32>
    %sub3A_546 = arith.subf %sub3A_545, %logistic3A_538 : vector<1024x10xf32>
    %mul3A_547 = arith.mulf %sub3A_546, %tanh3A_543 : vector<1024x10xf32>
    %mul3A_548 = arith.mulf %logistic3A_538, %add3A_495 : vector<1024x10xf32>
    %add3A_549 = arith.addf %mul3A_547, %mul3A_548 : vector<1024x10xf32>
    %swap3A_550 = arith.constant 0 : index
    %swap3A_551 = arith.constant 0 : index
    %swap3A_552 = arith.constant 0 : index
    %swap3A_553 = arith.constant 90 : index
    %swap3A_554 = vector.load %arg7[%swap3A_550, %swap3A_551, %swap3A_552, %swap3A_553] : memref<1024x1x1x200xf32, #tpu.memory_space<vmem>>, vector<1024x1x1x10xf32>
    %swap3A_555 = vector.shape_cast %swap3A_554 : vector<1024x1x1x10xf32> to vector<1024x10xf32>
    %swap3A_556 = vector.shape_cast %add3A_549 : vector<1024x10xf32> to vector<1024x1x1x10xf32>
    tpu.vector_store %arg7[%swap3A_550, %swap3A_551, %swap3A_552, %swap3A_553], %swap3A_556 {strides = array<i32>} : memref<1024x1x1x200xf32, #tpu.memory_space<vmem>>, vector<1024x1x1x10xf32>,
    %get3A_557 = arith.constant 0 : index
    %get3A_558 = arith.constant 0 : index
    %get3A_559 = arith.constant 10 : index
    %get3A_560 = vector.load %arg1[%get3A_557, %get3A_558, %get3A_559] : memref<1x1024x20xi32, #tpu.memory_space<vmem>>, vector<1x1024x1xi32>
    %get3A_561 = vector.shape_cast %get3A_560 : vector<1x1024x1xi32> to vector<1024xi32>
    %broadcast_in_dim3A_562 = vector.shape_cast %get3A_561 : vector<1024xi32> to vector<1024x1xi32>
    %eq3A_563 = vector.broadcast %broadcast_in_dim3A_562 : vector<1024x1xi32> to vector<1024x96xi32>
    %eq3A_564 = arith.cmpi eq, %eq3A_563, %iota3A : vector<1024x96xi32>
    %convert_element_type3A_565 = arith.extui %eq3A_564 : vector<1024x96xi1> to vector<1024x96xi32>
    %convert_element_type3A_566 = arith.sitofp %convert_element_type3A_565 : vector<1024x96xi32> to vector<1024x96xf32>
    %dot_general3A_567 = arith.constant dense<0.000000e+00> : vector<1024x30xf32>
    %dot_general3A_568 = tpu.matmul %convert_element_type3A_566, %dot_general3A_24, %dot_general3A_567 {dimension_numbers = #tpu.dot_dimension_numbers<[1], [0], [0], [1], [0, 0, 1, 1], [], []>, transpose_lhs_hint = false} : vector<1024x96xf32>, vector<96x30xf32>, vector<1024x30xf32> -> vector<1024x30xf32>
    %add3A_569 = vector.broadcast %get3A_13 : vector<1x30xf32> to vector<1024x30xf32>
    %add3A_570 = arith.addf %dot_general3A_568, %add3A_569 : vector<1024x30xf32>
    %dot_general3A_571 = arith.constant dense<0.000000e+00> : vector<1024x30xf32>
    %dot_general3A_572 = tpu.matmul %add3A_549, %get3A_8, %dot_general3A_571 {dimension_numbers = #tpu.dot_dimension_numbers<[1], [1], [0], [0], [0, 0, 1, 0], [], []>, transpose_lhs_hint = false} : vector<1024x10xf32>, vector<30x10xf32>, vector<1024x30xf32> -> vector<1024x30xf32>
    %add3A_573 = vector.broadcast %get3A_18 : vector<1x30xf32> to vector<1024x30xf32>
    %add3A_574 = arith.addf %dot_general3A_572, %add3A_573 : vector<1024x30xf32>
    %slice3A_575 = vector.extract_strided_slice %add3A_570 {offsets = [0, 0], sizes = [1024, 10], strides = [1, 1]} : vector<1024x30xf32> to vector<1024x10xf32>
    %slice3A_576 = vector.extract_strided_slice %add3A_574 {offsets = [0, 0], sizes = [1024, 10], strides = [1, 1]} : vector<1024x30xf32> to vector<1024x10xf32>
    %add3A_577 = arith.addf %slice3A_575, %slice3A_576 : vector<1024x10xf32>
    %logistic3A_578 = arith.negf %add3A_577 : vector<1024x10xf32>
    %logistic3A_579 = math.exp %logistic3A_578 : vector<1024x10xf32>
    %logistic3A_580 = arith.constant 1.000000e+00 : f32
    %logistic3A_581 = vector.broadcast %logistic3A_580 : f32 to vector<1024x10xf32>
    %logistic3A_582 = arith.addf %logistic3A_581, %logistic3A_579 : vector<1024x10xf32>
    %logistic3A_583 = arith.divf %logistic3A_581, %logistic3A_582 : vector<1024x10xf32>
    %slice3A_584 = vector.extract_strided_slice %add3A_570 {offsets = [0, 10], sizes = [1024, 10], strides = [1, 1]} : vector<1024x30xf32> to vector<1024x10xf32>
    %slice3A_585 = vector.extract_strided_slice %add3A_574 {offsets = [0, 10], sizes = [1024, 10], strides = [1, 1]} : vector<1024x30xf32> to vector<1024x10xf32>
    %add3A_586 = arith.addf %slice3A_584, %slice3A_585 : vector<1024x10xf32>
    %logistic3A_587 = arith.negf %add3A_586 : vector<1024x10xf32>
    %logistic3A_588 = math.exp %logistic3A_587 : vector<1024x10xf32>
    %logistic3A_589 = arith.constant 1.000000e+00 : f32
    %logistic3A_590 = vector.broadcast %logistic3A_589 : f32 to vector<1024x10xf32>
    %logistic3A_591 = arith.addf %logistic3A_590, %logistic3A_588 : vector<1024x10xf32>
    %logistic3A_592 = arith.divf %logistic3A_590, %logistic3A_591 : vector<1024x10xf32>
    %slice3A_593 = vector.extract_strided_slice %add3A_570 {offsets = [0, 20], sizes = [1024, 10], strides = [1, 1]} : vector<1024x30xf32> to vector<1024x10xf32>
    %slice3A_594 = vector.extract_strided_slice %add3A_574 {offsets = [0, 20], sizes = [1024, 10], strides = [1, 1]} : vector<1024x30xf32> to vector<1024x10xf32>
    %mul3A_595 = arith.mulf %logistic3A_583, %slice3A_594 : vector<1024x10xf32>
    %add3A_596 = arith.addf %slice3A_593, %mul3A_595 : vector<1024x10xf32>
    %tanh3A_597 = math.tanh %add3A_596 : vector<1024x10xf32>
    %sub3A_598 = arith.constant 1.000000e+00 : f32
    %sub3A_599 = vector.broadcast %sub3A_598 : f32 to vector<1024x10xf32>
    %sub3A_600 = arith.subf %sub3A_599, %logistic3A_592 : vector<1024x10xf32>
    %mul3A_601 = arith.mulf %sub3A_600, %tanh3A_597 : vector<1024x10xf32>
    %mul3A_602 = arith.mulf %logistic3A_592, %add3A_549 : vector<1024x10xf32>
    %add3A_603 = arith.addf %mul3A_601, %mul3A_602 : vector<1024x10xf32>
    %swap3A_604 = arith.constant 0 : index
    %swap3A_605 = arith.constant 0 : index
    %swap3A_606 = arith.constant 0 : index
    %swap3A_607 = arith.constant 100 : index
    %swap3A_608 = vector.load %arg7[%swap3A_604, %swap3A_605, %swap3A_606, %swap3A_607] : memref<1024x1x1x200xf32, #tpu.memory_space<vmem>>, vector<1024x1x1x10xf32>
    %swap3A_609 = vector.shape_cast %swap3A_608 : vector<1024x1x1x10xf32> to vector<1024x10xf32>
    %swap3A_610 = vector.shape_cast %add3A_603 : vector<1024x10xf32> to vector<1024x1x1x10xf32>
    tpu.vector_store %arg7[%swap3A_604, %swap3A_605, %swap3A_606, %swap3A_607], %swap3A_610 {strides = array<i32>} : memref<1024x1x1x200xf32, #tpu.memory_space<vmem>>, vector<1024x1x1x10xf32>,
    %get3A_611 = arith.constant 0 : index
    %get3A_612 = arith.constant 0 : index
    %get3A_613 = arith.constant 11 : index
    %get3A_614 = vector.load %arg1[%get3A_611, %get3A_612, %get3A_613] : memref<1x1024x20xi32, #tpu.memory_space<vmem>>, vector<1x1024x1xi32>
    %get3A_615 = vector.shape_cast %get3A_614 : vector<1x1024x1xi32> to vector<1024xi32>
    %broadcast_in_dim3A_616 = vector.shape_cast %get3A_615 : vector<1024xi32> to vector<1024x1xi32>
    %eq3A_617 = vector.broadcast %broadcast_in_dim3A_616 : vector<1024x1xi32> to vector<1024x96xi32>
    %eq3A_618 = arith.cmpi eq, %eq3A_617, %iota3A : vector<1024x96xi32>
    %convert_element_type3A_619 = arith.extui %eq3A_618 : vector<1024x96xi1> to vector<1024x96xi32>
    %convert_element_type3A_620 = arith.sitofp %convert_element_type3A_619 : vector<1024x96xi32> to vector<1024x96xf32>
    %dot_general3A_621 = arith.constant dense<0.000000e+00> : vector<1024x30xf32>
    %dot_general3A_622 = tpu.matmul %convert_element_type3A_620, %dot_general3A_24, %dot_general3A_621 {dimension_numbers = #tpu.dot_dimension_numbers<[1], [0], [0], [1], [0, 0, 1, 1], [], []>, transpose_lhs_hint = false} : vector<1024x96xf32>, vector<96x30xf32>, vector<1024x30xf32> -> vector<1024x30xf32>
    %add3A_623 = vector.broadcast %get3A_13 : vector<1x30xf32> to vector<1024x30xf32>
    %add3A_624 = arith.addf %dot_general3A_622, %add3A_623 : vector<1024x30xf32>
    %dot_general3A_625 = arith.constant dense<0.000000e+00> : vector<1024x30xf32>
    %dot_general3A_626 = tpu.matmul %add3A_603, %get3A_8, %dot_general3A_625 {dimension_numbers = #tpu.dot_dimension_numbers<[1], [1], [0], [0], [0, 0, 1, 0], [], []>, transpose_lhs_hint = false} : vector<1024x10xf32>, vector<30x10xf32>, vector<1024x30xf32> -> vector<1024x30xf32>
    %add3A_627 = vector.broadcast %get3A_18 : vector<1x30xf32> to vector<1024x30xf32>
    %add3A_628 = arith.addf %dot_general3A_626, %add3A_627 : vector<1024x30xf32>
    %slice3A_629 = vector.extract_strided_slice %add3A_624 {offsets = [0, 0], sizes = [1024, 10], strides = [1, 1]} : vector<1024x30xf32> to vector<1024x10xf32>
    %slice3A_630 = vector.extract_strided_slice %add3A_628 {offsets = [0, 0], sizes = [1024, 10], strides = [1, 1]} : vector<1024x30xf32> to vector<1024x10xf32>
    %add3A_631 = arith.addf %slice3A_629, %slice3A_630 : vector<1024x10xf32>
    %logistic3A_632 = arith.negf %add3A_631 : vector<1024x10xf32>
    %logistic3A_633 = math.exp %logistic3A_632 : vector<1024x10xf32>
    %logistic3A_634 = arith.constant 1.000000e+00 : f32
    %logistic3A_635 = vector.broadcast %logistic3A_634 : f32 to vector<1024x10xf32>
    %logistic3A_636 = arith.addf %logistic3A_635, %logistic3A_633 : vector<1024x10xf32>
    %logistic3A_637 = arith.divf %logistic3A_635, %logistic3A_636 : vector<1024x10xf32>
    %slice3A_638 = vector.extract_strided_slice %add3A_624 {offsets = [0, 10], sizes = [1024, 10], strides = [1, 1]} : vector<1024x30xf32> to vector<1024x10xf32>
    %slice3A_639 = vector.extract_strided_slice %add3A_628 {offsets = [0, 10], sizes = [1024, 10], strides = [1, 1]} : vector<1024x30xf32> to vector<1024x10xf32>
    %add3A_640 = arith.addf %slice3A_638, %slice3A_639 : vector<1024x10xf32>
    %logistic3A_641 = arith.negf %add3A_640 : vector<1024x10xf32>
    %logistic3A_642 = math.exp %logistic3A_641 : vector<1024x10xf32>
    %logistic3A_643 = arith.constant 1.000000e+00 : f32
    %logistic3A_644 = vector.broadcast %logistic3A_643 : f32 to vector<1024x10xf32>
    %logistic3A_645 = arith.addf %logistic3A_644, %logistic3A_642 : vector<1024x10xf32>
    %logistic3A_646 = arith.divf %logistic3A_644, %logistic3A_645 : vector<1024x10xf32>
    %slice3A_647 = vector.extract_strided_slice %add3A_624 {offsets = [0, 20], sizes = [1024, 10], strides = [1, 1]} : vector<1024x30xf32> to vector<1024x10xf32>
    %slice3A_648 = vector.extract_strided_slice %add3A_628 {offsets = [0, 20], sizes = [1024, 10], strides = [1, 1]} : vector<1024x30xf32> to vector<1024x10xf32>
    %mul3A_649 = arith.mulf %logistic3A_637, %slice3A_648 : vector<1024x10xf32>
    %add3A_650 = arith.addf %slice3A_647, %mul3A_649 : vector<1024x10xf32>
    %tanh3A_651 = math.tanh %add3A_650 : vector<1024x10xf32>
    %sub3A_652 = arith.constant 1.000000e+00 : f32
    %sub3A_653 = vector.broadcast %sub3A_652 : f32 to vector<1024x10xf32>
    %sub3A_654 = arith.subf %sub3A_653, %logistic3A_646 : vector<1024x10xf32>
    %mul3A_655 = arith.mulf %sub3A_654, %tanh3A_651 : vector<1024x10xf32>
    %mul3A_656 = arith.mulf %logistic3A_646, %add3A_603 : vector<1024x10xf32>
    %add3A_657 = arith.addf %mul3A_655, %mul3A_656 : vector<1024x10xf32>
    %swap3A_658 = arith.constant 0 : index
    %swap3A_659 = arith.constant 0 : index
    %swap3A_660 = arith.constant 0 : index
    %swap3A_661 = arith.constant 110 : index
    %swap3A_662 = vector.load %arg7[%swap3A_658, %swap3A_659, %swap3A_660, %swap3A_661] : memref<1024x1x1x200xf32, #tpu.memory_space<vmem>>, vector<1024x1x1x10xf32>
    %swap3A_663 = vector.shape_cast %swap3A_662 : vector<1024x1x1x10xf32> to vector<1024x10xf32>
    %swap3A_664 = vector.shape_cast %add3A_657 : vector<1024x10xf32> to vector<1024x1x1x10xf32>
    tpu.vector_store %arg7[%swap3A_658, %swap3A_659, %swap3A_660, %swap3A_661], %swap3A_664 {strides = array<i32>} : memref<1024x1x1x200xf32, #tpu.memory_space<vmem>>, vector<1024x1x1x10xf32>,
    %get3A_665 = arith.constant 0 : index
    %get3A_666 = arith.constant 0 : index
    %get3A_667 = arith.constant 12 : index
    %get3A_668 = vector.load %arg1[%get3A_665, %get3A_666, %get3A_667] : memref<1x1024x20xi32, #tpu.memory_space<vmem>>, vector<1x1024x1xi32>
    %get3A_669 = vector.shape_cast %get3A_668 : vector<1x1024x1xi32> to vector<1024xi32>
    %broadcast_in_dim3A_670 = vector.shape_cast %get3A_669 : vector<1024xi32> to vector<1024x1xi32>
    %eq3A_671 = vector.broadcast %broadcast_in_dim3A_670 : vector<1024x1xi32> to vector<1024x96xi32>
    %eq3A_672 = arith.cmpi eq, %eq3A_671, %iota3A : vector<1024x96xi32>
    %convert_element_type3A_673 = arith.extui %eq3A_672 : vector<1024x96xi1> to vector<1024x96xi32>
    %convert_element_type3A_674 = arith.sitofp %convert_element_type3A_673 : vector<1024x96xi32> to vector<1024x96xf32>
    %dot_general3A_675 = arith.constant dense<0.000000e+00> : vector<1024x30xf32>
    %dot_general3A_676 = tpu.matmul %convert_element_type3A_674, %dot_general3A_24, %dot_general3A_675 {dimension_numbers = #tpu.dot_dimension_numbers<[1], [0], [0], [1], [0, 0, 1, 1], [], []>, transpose_lhs_hint = false} : vector<1024x96xf32>, vector<96x30xf32>, vector<1024x30xf32> -> vector<1024x30xf32>
    %add3A_677 = vector.broadcast %get3A_13 : vector<1x30xf32> to vector<1024x30xf32>
    %add3A_678 = arith.addf %dot_general3A_676, %add3A_677 : vector<1024x30xf32>
    %dot_general3A_679 = arith.constant dense<0.000000e+00> : vector<1024x30xf32>
    %dot_general3A_680 = tpu.matmul %add3A_657, %get3A_8, %dot_general3A_679 {dimension_numbers = #tpu.dot_dimension_numbers<[1], [1], [0], [0], [0, 0, 1, 0], [], []>, transpose_lhs_hint = false} : vector<1024x10xf32>, vector<30x10xf32>, vector<1024x30xf32> -> vector<1024x30xf32>
    %add3A_681 = vector.broadcast %get3A_18 : vector<1x30xf32> to vector<1024x30xf32>
    %add3A_682 = arith.addf %dot_general3A_680, %add3A_681 : vector<1024x30xf32>
    %slice3A_683 = vector.extract_strided_slice %add3A_678 {offsets = [0, 0], sizes = [1024, 10], strides = [1, 1]} : vector<1024x30xf32> to vector<1024x10xf32>
    %slice3A_684 = vector.extract_strided_slice %add3A_682 {offsets = [0, 0], sizes = [1024, 10], strides = [1, 1]} : vector<1024x30xf32> to vector<1024x10xf32>
    %add3A_685 = arith.addf %slice3A_683, %slice3A_684 : vector<1024x10xf32>
    %logistic3A_686 = arith.negf %add3A_685 : vector<1024x10xf32>
    %logistic3A_687 = math.exp %logistic3A_686 : vector<1024x10xf32>
    %logistic3A_688 = arith.constant 1.000000e+00 : f32
    %logistic3A_689 = vector.broadcast %logistic3A_688 : f32 to vector<1024x10xf32>
    %logistic3A_690 = arith.addf %logistic3A_689, %logistic3A_687 : vector<1024x10xf32>
    %logistic3A_691 = arith.divf %logistic3A_689, %logistic3A_690 : vector<1024x10xf32>
    %slice3A_692 = vector.extract_strided_slice %add3A_678 {offsets = [0, 10], sizes = [1024, 10], strides = [1, 1]} : vector<1024x30xf32> to vector<1024x10xf32>
    %slice3A_693 = vector.extract_strided_slice %add3A_682 {offsets = [0, 10], sizes = [1024, 10], strides = [1, 1]} : vector<1024x30xf32> to vector<1024x10xf32>
    %add3A_694 = arith.addf %slice3A_692, %slice3A_693 : vector<1024x10xf32>
    %logistic3A_695 = arith.negf %add3A_694 : vector<1024x10xf32>
    %logistic3A_696 = math.exp %logistic3A_695 : vector<1024x10xf32>
    %logistic3A_697 = arith.constant 1.000000e+00 : f32
    %logistic3A_698 = vector.broadcast %logistic3A_697 : f32 to vector<1024x10xf32>
    %logistic3A_699 = arith.addf %logistic3A_698, %logistic3A_696 : vector<1024x10xf32>
    %logistic3A_700 = arith.divf %logistic3A_698, %logistic3A_699 : vector<1024x10xf32>
    %slice3A_701 = vector.extract_strided_slice %add3A_678 {offsets = [0, 20], sizes = [1024, 10], strides = [1, 1]} : vector<1024x30xf32> to vector<1024x10xf32>
    %slice3A_702 = vector.extract_strided_slice %add3A_682 {offsets = [0, 20], sizes = [1024, 10], strides = [1, 1]} : vector<1024x30xf32> to vector<1024x10xf32>
    %mul3A_703 = arith.mulf %logistic3A_691, %slice3A_702 : vector<1024x10xf32>
    %add3A_704 = arith.addf %slice3A_701, %mul3A_703 : vector<1024x10xf32>
    %tanh3A_705 = math.tanh %add3A_704 : vector<1024x10xf32>
    %sub3A_706 = arith.constant 1.000000e+00 : f32
    %sub3A_707 = vector.broadcast %sub3A_706 : f32 to vector<1024x10xf32>
    %sub3A_708 = arith.subf %sub3A_707, %logistic3A_700 : vector<1024x10xf32>
    %mul3A_709 = arith.mulf %sub3A_708, %tanh3A_705 : vector<1024x10xf32>
    %mul3A_710 = arith.mulf %logistic3A_700, %add3A_657 : vector<1024x10xf32>
    %add3A_711 = arith.addf %mul3A_709, %mul3A_710 : vector<1024x10xf32>
    %swap3A_712 = arith.constant 0 : index
    %swap3A_713 = arith.constant 0 : index
    %swap3A_714 = arith.constant 0 : index
    %swap3A_715 = arith.constant 120 : index
    %swap3A_716 = vector.load %arg7[%swap3A_712, %swap3A_713, %swap3A_714, %swap3A_715] : memref<1024x1x1x200xf32, #tpu.memory_space<vmem>>, vector<1024x1x1x10xf32>
    %swap3A_717 = vector.shape_cast %swap3A_716 : vector<1024x1x1x10xf32> to vector<1024x10xf32>
    %swap3A_718 = vector.shape_cast %add3A_711 : vector<1024x10xf32> to vector<1024x1x1x10xf32>
    tpu.vector_store %arg7[%swap3A_712, %swap3A_713, %swap3A_714, %swap3A_715], %swap3A_718 {strides = array<i32>} : memref<1024x1x1x200xf32, #tpu.memory_space<vmem>>, vector<1024x1x1x10xf32>,
    %get3A_719 = arith.constant 0 : index
    %get3A_720 = arith.constant 0 : index
    %get3A_721 = arith.constant 13 : index
    %get3A_722 = vector.load %arg1[%get3A_719, %get3A_720, %get3A_721] : memref<1x1024x20xi32, #tpu.memory_space<vmem>>, vector<1x1024x1xi32>
    %get3A_723 = vector.shape_cast %get3A_722 : vector<1x1024x1xi32> to vector<1024xi32>
    %broadcast_in_dim3A_724 = vector.shape_cast %get3A_723 : vector<1024xi32> to vector<1024x1xi32>
    %eq3A_725 = vector.broadcast %broadcast_in_dim3A_724 : vector<1024x1xi32> to vector<1024x96xi32>
    %eq3A_726 = arith.cmpi eq, %eq3A_725, %iota3A : vector<1024x96xi32>
    %convert_element_type3A_727 = arith.extui %eq3A_726 : vector<1024x96xi1> to vector<1024x96xi32>
    %convert_element_type3A_728 = arith.sitofp %convert_element_type3A_727 : vector<1024x96xi32> to vector<1024x96xf32>
    %dot_general3A_729 = arith.constant dense<0.000000e+00> : vector<1024x30xf32>
    %dot_general3A_730 = tpu.matmul %convert_element_type3A_728, %dot_general3A_24, %dot_general3A_729 {dimension_numbers = #tpu.dot_dimension_numbers<[1], [0], [0], [1], [0, 0, 1, 1], [], []>, transpose_lhs_hint = false} : vector<1024x96xf32>, vector<96x30xf32>, vector<1024x30xf32> -> vector<1024x30xf32>
    %add3A_731 = vector.broadcast %get3A_13 : vector<1x30xf32> to vector<1024x30xf32>
    %add3A_732 = arith.addf %dot_general3A_730, %add3A_731 : vector<1024x30xf32>
    %dot_general3A_733 = arith.constant dense<0.000000e+00> : vector<1024x30xf32>
    %dot_general3A_734 = tpu.matmul %add3A_711, %get3A_8, %dot_general3A_733 {dimension_numbers = #tpu.dot_dimension_numbers<[1], [1], [0], [0], [0, 0, 1, 0], [], []>, transpose_lhs_hint = false} : vector<1024x10xf32>, vector<30x10xf32>, vector<1024x30xf32> -> vector<1024x30xf32>
    %add3A_735 = vector.broadcast %get3A_18 : vector<1x30xf32> to vector<1024x30xf32>
    %add3A_736 = arith.addf %dot_general3A_734, %add3A_735 : vector<1024x30xf32>
    %slice3A_737 = vector.extract_strided_slice %add3A_732 {offsets = [0, 0], sizes = [1024, 10], strides = [1, 1]} : vector<1024x30xf32> to vector<1024x10xf32>
    %slice3A_738 = vector.extract_strided_slice %add3A_736 {offsets = [0, 0], sizes = [1024, 10], strides = [1, 1]} : vector<1024x30xf32> to vector<1024x10xf32>
    %add3A_739 = arith.addf %slice3A_737, %slice3A_738 : vector<1024x10xf32>
    %logistic3A_740 = arith.negf %add3A_739 : vector<1024x10xf32>
    %logistic3A_741 = math.exp %logistic3A_740 : vector<1024x10xf32>
    %logistic3A_742 = arith.constant 1.000000e+00 : f32
    %logistic3A_743 = vector.broadcast %logistic3A_742 : f32 to vector<1024x10xf32>
    %logistic3A_744 = arith.addf %logistic3A_743, %logistic3A_741 : vector<1024x10xf32>
    %logistic3A_745 = arith.divf %logistic3A_743, %logistic3A_744 : vector<1024x10xf32>
    %slice3A_746 = vector.extract_strided_slice %add3A_732 {offsets = [0, 10], sizes = [1024, 10], strides = [1, 1]} : vector<1024x30xf32> to vector<1024x10xf32>
    %slice3A_747 = vector.extract_strided_slice %add3A_736 {offsets = [0, 10], sizes = [1024, 10], strides = [1, 1]} : vector<1024x30xf32> to vector<1024x10xf32>
    %add3A_748 = arith.addf %slice3A_746, %slice3A_747 : vector<1024x10xf32>
    %logistic3A_749 = arith.negf %add3A_748 : vector<1024x10xf32>
    %logistic3A_750 = math.exp %logistic3A_749 : vector<1024x10xf32>
    %logistic3A_751 = arith.constant 1.000000e+00 : f32
    %logistic3A_752 = vector.broadcast %logistic3A_751 : f32 to vector<1024x10xf32>
    %logistic3A_753 = arith.addf %logistic3A_752, %logistic3A_750 : vector<1024x10xf32>
    %logistic3A_754 = arith.divf %logistic3A_752, %logistic3A_753 : vector<1024x10xf32>
    %slice3A_755 = vector.extract_strided_slice %add3A_732 {offsets = [0, 20], sizes = [1024, 10], strides = [1, 1]} : vector<1024x30xf32> to vector<1024x10xf32>
    %slice3A_756 = vector.extract_strided_slice %add3A_736 {offsets = [0, 20], sizes = [1024, 10], strides = [1, 1]} : vector<1024x30xf32> to vector<1024x10xf32>
    %mul3A_757 = arith.mulf %logistic3A_745, %slice3A_756 : vector<1024x10xf32>
    %add3A_758 = arith.addf %slice3A_755, %mul3A_757 : vector<1024x10xf32>
    %tanh3A_759 = math.tanh %add3A_758 : vector<1024x10xf32>
    %sub3A_760 = arith.constant 1.000000e+00 : f32
    %sub3A_761 = vector.broadcast %sub3A_760 : f32 to vector<1024x10xf32>
    %sub3A_762 = arith.subf %sub3A_761, %logistic3A_754 : vector<1024x10xf32>
    %mul3A_763 = arith.mulf %sub3A_762, %tanh3A_759 : vector<1024x10xf32>
    %mul3A_764 = arith.mulf %logistic3A_754, %add3A_711 : vector<1024x10xf32>
    %add3A_765 = arith.addf %mul3A_763, %mul3A_764 : vector<1024x10xf32>
    %swap3A_766 = arith.constant 0 : index
    %swap3A_767 = arith.constant 0 : index
    %swap3A_768 = arith.constant 0 : index
    %swap3A_769 = arith.constant 130 : index
    %swap3A_770 = vector.load %arg7[%swap3A_766, %swap3A_767, %swap3A_768, %swap3A_769] : memref<1024x1x1x200xf32, #tpu.memory_space<vmem>>, vector<1024x1x1x10xf32>
    %swap3A_771 = vector.shape_cast %swap3A_770 : vector<1024x1x1x10xf32> to vector<1024x10xf32>
    %swap3A_772 = vector.shape_cast %add3A_765 : vector<1024x10xf32> to vector<1024x1x1x10xf32>
    tpu.vector_store %arg7[%swap3A_766, %swap3A_767, %swap3A_768, %swap3A_769], %swap3A_772 {strides = array<i32>} : memref<1024x1x1x200xf32, #tpu.memory_space<vmem>>, vector<1024x1x1x10xf32>,
    %get3A_773 = arith.constant 0 : index
    %get3A_774 = arith.constant 0 : index
    %get3A_775 = arith.constant 14 : index
    %get3A_776 = vector.load %arg1[%get3A_773, %get3A_774, %get3A_775] : memref<1x1024x20xi32, #tpu.memory_space<vmem>>, vector<1x1024x1xi32>
    %get3A_777 = vector.shape_cast %get3A_776 : vector<1x1024x1xi32> to vector<1024xi32>
    %broadcast_in_dim3A_778 = vector.shape_cast %get3A_777 : vector<1024xi32> to vector<1024x1xi32>
    %eq3A_779 = vector.broadcast %broadcast_in_dim3A_778 : vector<1024x1xi32> to vector<1024x96xi32>
    %eq3A_780 = arith.cmpi eq, %eq3A_779, %iota3A : vector<1024x96xi32>
    %convert_element_type3A_781 = arith.extui %eq3A_780 : vector<1024x96xi1> to vector<1024x96xi32>
    %convert_element_type3A_782 = arith.sitofp %convert_element_type3A_781 : vector<1024x96xi32> to vector<1024x96xf32>
    %dot_general3A_783 = arith.constant dense<0.000000e+00> : vector<1024x30xf32>
    %dot_general3A_784 = tpu.matmul %convert_element_type3A_782, %dot_general3A_24, %dot_general3A_783 {dimension_numbers = #tpu.dot_dimension_numbers<[1], [0], [0], [1], [0, 0, 1, 1], [], []>, transpose_lhs_hint = false} : vector<1024x96xf32>, vector<96x30xf32>, vector<1024x30xf32> -> vector<1024x30xf32>
    %add3A_785 = vector.broadcast %get3A_13 : vector<1x30xf32> to vector<1024x30xf32>
    %add3A_786 = arith.addf %dot_general3A_784, %add3A_785 : vector<1024x30xf32>
    %dot_general3A_787 = arith.constant dense<0.000000e+00> : vector<1024x30xf32>
    %dot_general3A_788 = tpu.matmul %add3A_765, %get3A_8, %dot_general3A_787 {dimension_numbers = #tpu.dot_dimension_numbers<[1], [1], [0], [0], [0, 0, 1, 0], [], []>, transpose_lhs_hint = false} : vector<1024x10xf32>, vector<30x10xf32>, vector<1024x30xf32> -> vector<1024x30xf32>
    %add3A_789 = vector.broadcast %get3A_18 : vector<1x30xf32> to vector<1024x30xf32>
    %add3A_790 = arith.addf %dot_general3A_788, %add3A_789 : vector<1024x30xf32>
    %slice3A_791 = vector.extract_strided_slice %add3A_786 {offsets = [0, 0], sizes = [1024, 10], strides = [1, 1]} : vector<1024x30xf32> to vector<1024x10xf32>
    %slice3A_792 = vector.extract_strided_slice %add3A_790 {offsets = [0, 0], sizes = [1024, 10], strides = [1, 1]} : vector<1024x30xf32> to vector<1024x10xf32>
    %add3A_793 = arith.addf %slice3A_791, %slice3A_792 : vector<1024x10xf32>
    %logistic3A_794 = arith.negf %add3A_793 : vector<1024x10xf32>
    %logistic3A_795 = math.exp %logistic3A_794 : vector<1024x10xf32>
    %logistic3A_796 = arith.constant 1.000000e+00 : f32
    %logistic3A_797 = vector.broadcast %logistic3A_796 : f32 to vector<1024x10xf32>
    %logistic3A_798 = arith.addf %logistic3A_797, %logistic3A_795 : vector<1024x10xf32>
    %logistic3A_799 = arith.divf %logistic3A_797, %logistic3A_798 : vector<1024x10xf32>
    %slice3A_800 = vector.extract_strided_slice %add3A_786 {offsets = [0, 10], sizes = [1024, 10], strides = [1, 1]} : vector<1024x30xf32> to vector<1024x10xf32>
    %slice3A_801 = vector.extract_strided_slice %add3A_790 {offsets = [0, 10], sizes = [1024, 10], strides = [1, 1]} : vector<1024x30xf32> to vector<1024x10xf32>
    %add3A_802 = arith.addf %slice3A_800, %slice3A_801 : vector<1024x10xf32>
    %logistic3A_803 = arith.negf %add3A_802 : vector<1024x10xf32>
    %logistic3A_804 = math.exp %logistic3A_803 : vector<1024x10xf32>
    %logistic3A_805 = arith.constant 1.000000e+00 : f32
    %logistic3A_806 = vector.broadcast %logistic3A_805 : f32 to vector<1024x10xf32>
    %logistic3A_807 = arith.addf %logistic3A_806, %logistic3A_804 : vector<1024x10xf32>
    %logistic3A_808 = arith.divf %logistic3A_806, %logistic3A_807 : vector<1024x10xf32>
    %slice3A_809 = vector.extract_strided_slice %add3A_786 {offsets = [0, 20], sizes = [1024, 10], strides = [1, 1]} : vector<1024x30xf32> to vector<1024x10xf32>
    %slice3A_810 = vector.extract_strided_slice %add3A_790 {offsets = [0, 20], sizes = [1024, 10], strides = [1, 1]} : vector<1024x30xf32> to vector<1024x10xf32>
    %mul3A_811 = arith.mulf %logistic3A_799, %slice3A_810 : vector<1024x10xf32>
    %add3A_812 = arith.addf %slice3A_809, %mul3A_811 : vector<1024x10xf32>
    %tanh3A_813 = math.tanh %add3A_812 : vector<1024x10xf32>
    %sub3A_814 = arith.constant 1.000000e+00 : f32
    %sub3A_815 = vector.broadcast %sub3A_814 : f32 to vector<1024x10xf32>
    %sub3A_816 = arith.subf %sub3A_815, %logistic3A_808 : vector<1024x10xf32>
    %mul3A_817 = arith.mulf %sub3A_816, %tanh3A_813 : vector<1024x10xf32>
    %mul3A_818 = arith.mulf %logistic3A_808, %add3A_765 : vector<1024x10xf32>
    %add3A_819 = arith.addf %mul3A_817, %mul3A_818 : vector<1024x10xf32>
    %swap3A_820 = arith.constant 0 : index
    %swap3A_821 = arith.constant 0 : index
    %swap3A_822 = arith.constant 0 : index
    %swap3A_823 = arith.constant 140 : index
    %swap3A_824 = vector.load %arg7[%swap3A_820, %swap3A_821, %swap3A_822, %swap3A_823] : memref<1024x1x1x200xf32, #tpu.memory_space<vmem>>, vector<1024x1x1x10xf32>
    %swap3A_825 = vector.shape_cast %swap3A_824 : vector<1024x1x1x10xf32> to vector<1024x10xf32>
    %swap3A_826 = vector.shape_cast %add3A_819 : vector<1024x10xf32> to vector<1024x1x1x10xf32>
    tpu.vector_store %arg7[%swap3A_820, %swap3A_821, %swap3A_822, %swap3A_823], %swap3A_826 {strides = array<i32>} : memref<1024x1x1x200xf32, #tpu.memory_space<vmem>>, vector<1024x1x1x10xf32>,
    %get3A_827 = arith.constant 0 : index
    %get3A_828 = arith.constant 0 : index
    %get3A_829 = arith.constant 15 : index
    %get3A_830 = vector.load %arg1[%get3A_827, %get3A_828, %get3A_829] : memref<1x1024x20xi32, #tpu.memory_space<vmem>>, vector<1x1024x1xi32>
    %get3A_831 = vector.shape_cast %get3A_830 : vector<1x1024x1xi32> to vector<1024xi32>
    %broadcast_in_dim3A_832 = vector.shape_cast %get3A_831 : vector<1024xi32> to vector<1024x1xi32>
    %eq3A_833 = vector.broadcast %broadcast_in_dim3A_832 : vector<1024x1xi32> to vector<1024x96xi32>
    %eq3A_834 = arith.cmpi eq, %eq3A_833, %iota3A : vector<1024x96xi32>
    %convert_element_type3A_835 = arith.extui %eq3A_834 : vector<1024x96xi1> to vector<1024x96xi32>
    %convert_element_type3A_836 = arith.sitofp %convert_element_type3A_835 : vector<1024x96xi32> to vector<1024x96xf32>
    %dot_general3A_837 = arith.constant dense<0.000000e+00> : vector<1024x30xf32>
    %dot_general3A_838 = tpu.matmul %convert_element_type3A_836, %dot_general3A_24, %dot_general3A_837 {dimension_numbers = #tpu.dot_dimension_numbers<[1], [0], [0], [1], [0, 0, 1, 1], [], []>, transpose_lhs_hint = false} : vector<1024x96xf32>, vector<96x30xf32>, vector<1024x30xf32> -> vector<1024x30xf32>
    %add3A_839 = vector.broadcast %get3A_13 : vector<1x30xf32> to vector<1024x30xf32>
    %add3A_840 = arith.addf %dot_general3A_838, %add3A_839 : vector<1024x30xf32>
    %dot_general3A_841 = arith.constant dense<0.000000e+00> : vector<1024x30xf32>
    %dot_general3A_842 = tpu.matmul %add3A_819, %get3A_8, %dot_general3A_841 {dimension_numbers = #tpu.dot_dimension_numbers<[1], [1], [0], [0], [0, 0, 1, 0], [], []>, transpose_lhs_hint = false} : vector<1024x10xf32>, vector<30x10xf32>, vector<1024x30xf32> -> vector<1024x30xf32>
    %add3A_843 = vector.broadcast %get3A_18 : vector<1x30xf32> to vector<1024x30xf32>
    %add3A_844 = arith.addf %dot_general3A_842, %add3A_843 : vector<1024x30xf32>
    %slice3A_845 = vector.extract_strided_slice %add3A_840 {offsets = [0, 0], sizes = [1024, 10], strides = [1, 1]} : vector<1024x30xf32> to vector<1024x10xf32>
    %slice3A_846 = vector.extract_strided_slice %add3A_844 {offsets = [0, 0], sizes = [1024, 10], strides = [1, 1]} : vector<1024x30xf32> to vector<1024x10xf32>
    %add3A_847 = arith.addf %slice3A_845, %slice3A_846 : vector<1024x10xf32>
    %logistic3A_848 = arith.negf %add3A_847 : vector<1024x10xf32>
    %logistic3A_849 = math.exp %logistic3A_848 : vector<1024x10xf32>
    %logistic3A_850 = arith.constant 1.000000e+00 : f32
    %logistic3A_851 = vector.broadcast %logistic3A_850 : f32 to vector<1024x10xf32>
    %logistic3A_852 = arith.addf %logistic3A_851, %logistic3A_849 : vector<1024x10xf32>
    %logistic3A_853 = arith.divf %logistic3A_851, %logistic3A_852 : vector<1024x10xf32>
    %slice3A_854 = vector.extract_strided_slice %add3A_840 {offsets = [0, 10], sizes = [1024, 10], strides = [1, 1]} : vector<1024x30xf32> to vector<1024x10xf32>
    %slice3A_855 = vector.extract_strided_slice %add3A_844 {offsets = [0, 10], sizes = [1024, 10], strides = [1, 1]} : vector<1024x30xf32> to vector<1024x10xf32>
    %add3A_856 = arith.addf %slice3A_854, %slice3A_855 : vector<1024x10xf32>
    %logistic3A_857 = arith.negf %add3A_856 : vector<1024x10xf32>
    %logistic3A_858 = math.exp %logistic3A_857 : vector<1024x10xf32>
    %logistic3A_859 = arith.constant 1.000000e+00 : f32
    %logistic3A_860 = vector.broadcast %logistic3A_859 : f32 to vector<1024x10xf32>
    %logistic3A_861 = arith.addf %logistic3A_860, %logistic3A_858 : vector<1024x10xf32>
    %logistic3A_862 = arith.divf %logistic3A_860, %logistic3A_861 : vector<1024x10xf32>
    %slice3A_863 = vector.extract_strided_slice %add3A_840 {offsets = [0, 20], sizes = [1024, 10], strides = [1, 1]} : vector<1024x30xf32> to vector<1024x10xf32>
    %slice3A_864 = vector.extract_strided_slice %add3A_844 {offsets = [0, 20], sizes = [1024, 10], strides = [1, 1]} : vector<1024x30xf32> to vector<1024x10xf32>
    %mul3A_865 = arith.mulf %logistic3A_853, %slice3A_864 : vector<1024x10xf32>
    %add3A_866 = arith.addf %slice3A_863, %mul3A_865 : vector<1024x10xf32>
    %tanh3A_867 = math.tanh %add3A_866 : vector<1024x10xf32>
    %sub3A_868 = arith.constant 1.000000e+00 : f32
    %sub3A_869 = vector.broadcast %sub3A_868 : f32 to vector<1024x10xf32>
    %sub3A_870 = arith.subf %sub3A_869, %logistic3A_862 : vector<1024x10xf32>
    %mul3A_871 = arith.mulf %sub3A_870, %tanh3A_867 : vector<1024x10xf32>
    %mul3A_872 = arith.mulf %logistic3A_862, %add3A_819 : vector<1024x10xf32>
    %add3A_873 = arith.addf %mul3A_871, %mul3A_872 : vector<1024x10xf32>
    %swap3A_874 = arith.constant 0 : index
    %swap3A_875 = arith.constant 0 : index
    %swap3A_876 = arith.constant 0 : index
    %swap3A_877 = arith.constant 150 : index
    %swap3A_878 = vector.load %arg7[%swap3A_874, %swap3A_875, %swap3A_876, %swap3A_877] : memref<1024x1x1x200xf32, #tpu.memory_space<vmem>>, vector<1024x1x1x10xf32>
    %swap3A_879 = vector.shape_cast %swap3A_878 : vector<1024x1x1x10xf32> to vector<1024x10xf32>
    %swap3A_880 = vector.shape_cast %add3A_873 : vector<1024x10xf32> to vector<1024x1x1x10xf32>
    tpu.vector_store %arg7[%swap3A_874, %swap3A_875, %swap3A_876, %swap3A_877], %swap3A_880 {strides = array<i32>} : memref<1024x1x1x200xf32, #tpu.memory_space<vmem>>, vector<1024x1x1x10xf32>,
    %get3A_881 = arith.constant 0 : index
    %get3A_882 = arith.constant 0 : index
    %get3A_883 = arith.constant 16 : index
    %get3A_884 = vector.load %arg1[%get3A_881, %get3A_882, %get3A_883] : memref<1x1024x20xi32, #tpu.memory_space<vmem>>, vector<1x1024x1xi32>
    %get3A_885 = vector.shape_cast %get3A_884 : vector<1x1024x1xi32> to vector<1024xi32>
    %broadcast_in_dim3A_886 = vector.shape_cast %get3A_885 : vector<1024xi32> to vector<1024x1xi32>
    %eq3A_887 = vector.broadcast %broadcast_in_dim3A_886 : vector<1024x1xi32> to vector<1024x96xi32>
    %eq3A_888 = arith.cmpi eq, %eq3A_887, %iota3A : vector<1024x96xi32>
    %convert_element_type3A_889 = arith.extui %eq3A_888 : vector<1024x96xi1> to vector<1024x96xi32>
    %convert_element_type3A_890 = arith.sitofp %convert_element_type3A_889 : vector<1024x96xi32> to vector<1024x96xf32>
    %dot_general3A_891 = arith.constant dense<0.000000e+00> : vector<1024x30xf32>
    %dot_general3A_892 = tpu.matmul %convert_element_type3A_890, %dot_general3A_24, %dot_general3A_891 {dimension_numbers = #tpu.dot_dimension_numbers<[1], [0], [0], [1], [0, 0, 1, 1], [], []>, transpose_lhs_hint = false} : vector<1024x96xf32>, vector<96x30xf32>, vector<1024x30xf32> -> vector<1024x30xf32>
    %add3A_893 = vector.broadcast %get3A_13 : vector<1x30xf32> to vector<1024x30xf32>
    %add3A_894 = arith.addf %dot_general3A_892, %add3A_893 : vector<1024x30xf32>
    %dot_general3A_895 = arith.constant dense<0.000000e+00> : vector<1024x30xf32>
    %dot_general3A_896 = tpu.matmul %add3A_873, %get3A_8, %dot_general3A_895 {dimension_numbers = #tpu.dot_dimension_numbers<[1], [1], [0], [0], [0, 0, 1, 0], [], []>, transpose_lhs_hint = false} : vector<1024x10xf32>, vector<30x10xf32>, vector<1024x30xf32> -> vector<1024x30xf32>
    %add3A_897 = vector.broadcast %get3A_18 : vector<1x30xf32> to vector<1024x30xf32>
    %add3A_898 = arith.addf %dot_general3A_896, %add3A_897 : vector<1024x30xf32>
    %slice3A_899 = vector.extract_strided_slice %add3A_894 {offsets = [0, 0], sizes = [1024, 10], strides = [1, 1]} : vector<1024x30xf32> to vector<1024x10xf32>
    %slice3A_900 = vector.extract_strided_slice %add3A_898 {offsets = [0, 0], sizes = [1024, 10], strides = [1, 1]} : vector<1024x30xf32> to vector<1024x10xf32>
    %add3A_901 = arith.addf %slice3A_899, %slice3A_900 : vector<1024x10xf32>
    %logistic3A_902 = arith.negf %add3A_901 : vector<1024x10xf32>
    %logistic3A_903 = math.exp %logistic3A_902 : vector<1024x10xf32>
    %logistic3A_904 = arith.constant 1.000000e+00 : f32
    %logistic3A_905 = vector.broadcast %logistic3A_904 : f32 to vector<1024x10xf32>
    %logistic3A_906 = arith.addf %logistic3A_905, %logistic3A_903 : vector<1024x10xf32>
    %logistic3A_907 = arith.divf %logistic3A_905, %logistic3A_906 : vector<1024x10xf32>
    %slice3A_908 = vector.extract_strided_slice %add3A_894 {offsets = [0, 10], sizes = [1024, 10], strides = [1, 1]} : vector<1024x30xf32> to vector<1024x10xf32>
    %slice3A_909 = vector.extract_strided_slice %add3A_898 {offsets = [0, 10], sizes = [1024, 10], strides = [1, 1]} : vector<1024x30xf32> to vector<1024x10xf32>
    %add3A_910 = arith.addf %slice3A_908, %slice3A_909 : vector<1024x10xf32>
    %logistic3A_911 = arith.negf %add3A_910 : vector<1024x10xf32>
    %logistic3A_912 = math.exp %logistic3A_911 : vector<1024x10xf32>
    %logistic3A_913 = arith.constant 1.000000e+00 : f32
    %logistic3A_914 = vector.broadcast %logistic3A_913 : f32 to vector<1024x10xf32>
    %logistic3A_915 = arith.addf %logistic3A_914, %logistic3A_912 : vector<1024x10xf32>
    %logistic3A_916 = arith.divf %logistic3A_914, %logistic3A_915 : vector<1024x10xf32>
    %slice3A_917 = vector.extract_strided_slice %add3A_894 {offsets = [0, 20], sizes = [1024, 10], strides = [1, 1]} : vector<1024x30xf32> to vector<1024x10xf32>
    %slice3A_918 = vector.extract_strided_slice %add3A_898 {offsets = [0, 20], sizes = [1024, 10], strides = [1, 1]} : vector<1024x30xf32> to vector<1024x10xf32>
    %mul3A_919 = arith.mulf %logistic3A_907, %slice3A_918 : vector<1024x10xf32>
    %add3A_920 = arith.addf %slice3A_917, %mul3A_919 : vector<1024x10xf32>
    %tanh3A_921 = math.tanh %add3A_920 : vector<1024x10xf32>
    %sub3A_922 = arith.constant 1.000000e+00 : f32
    %sub3A_923 = vector.broadcast %sub3A_922 : f32 to vector<1024x10xf32>
    %sub3A_924 = arith.subf %sub3A_923, %logistic3A_916 : vector<1024x10xf32>
    %mul3A_925 = arith.mulf %sub3A_924, %tanh3A_921 : vector<1024x10xf32>
    %mul3A_926 = arith.mulf %logistic3A_916, %add3A_873 : vector<1024x10xf32>
    %add3A_927 = arith.addf %mul3A_925, %mul3A_926 : vector<1024x10xf32>
    %swap3A_928 = arith.constant 0 : index
    %swap3A_929 = arith.constant 0 : index
    %swap3A_930 = arith.constant 0 : index
    %swap3A_931 = arith.constant 160 : index
    %swap3A_932 = vector.load %arg7[%swap3A_928, %swap3A_929, %swap3A_930, %swap3A_931] : memref<1024x1x1x200xf32, #tpu.memory_space<vmem>>, vector<1024x1x1x10xf32>
    %swap3A_933 = vector.shape_cast %swap3A_932 : vector<1024x1x1x10xf32> to vector<1024x10xf32>
    %swap3A_934 = vector.shape_cast %add3A_927 : vector<1024x10xf32> to vector<1024x1x1x10xf32>
    tpu.vector_store %arg7[%swap3A_928, %swap3A_929, %swap3A_930, %swap3A_931], %swap3A_934 {strides = array<i32>} : memref<1024x1x1x200xf32, #tpu.memory_space<vmem>>, vector<1024x1x1x10xf32>,
    %get3A_935 = arith.constant 0 : index
    %get3A_936 = arith.constant 0 : index
    %get3A_937 = arith.constant 17 : index
    %get3A_938 = vector.load %arg1[%get3A_935, %get3A_936, %get3A_937] : memref<1x1024x20xi32, #tpu.memory_space<vmem>>, vector<1x1024x1xi32>
    %get3A_939 = vector.shape_cast %get3A_938 : vector<1x1024x1xi32> to vector<1024xi32>
    %broadcast_in_dim3A_940 = vector.shape_cast %get3A_939 : vector<1024xi32> to vector<1024x1xi32>
    %eq3A_941 = vector.broadcast %broadcast_in_dim3A_940 : vector<1024x1xi32> to vector<1024x96xi32>
    %eq3A_942 = arith.cmpi eq, %eq3A_941, %iota3A : vector<1024x96xi32>
    %convert_element_type3A_943 = arith.extui %eq3A_942 : vector<1024x96xi1> to vector<1024x96xi32>
    %convert_element_type3A_944 = arith.sitofp %convert_element_type3A_943 : vector<1024x96xi32> to vector<1024x96xf32>
    %dot_general3A_945 = arith.constant dense<0.000000e+00> : vector<1024x30xf32>
    %dot_general3A_946 = tpu.matmul %convert_element_type3A_944, %dot_general3A_24, %dot_general3A_945 {dimension_numbers = #tpu.dot_dimension_numbers<[1], [0], [0], [1], [0, 0, 1, 1], [], []>, transpose_lhs_hint = false} : vector<1024x96xf32>, vector<96x30xf32>, vector<1024x30xf32> -> vector<1024x30xf32>
    %add3A_947 = vector.broadcast %get3A_13 : vector<1x30xf32> to vector<1024x30xf32>
    %add3A_948 = arith.addf %dot_general3A_946, %add3A_947 : vector<1024x30xf32>
    %dot_general3A_949 = arith.constant dense<0.000000e+00> : vector<1024x30xf32>
    %dot_general3A_950 = tpu.matmul %add3A_927, %get3A_8, %dot_general3A_949 {dimension_numbers = #tpu.dot_dimension_numbers<[1], [1], [0], [0], [0, 0, 1, 0], [], []>, transpose_lhs_hint = false} : vector<1024x10xf32>, vector<30x10xf32>, vector<1024x30xf32> -> vector<1024x30xf32>
    %add3A_951 = vector.broadcast %get3A_18 : vector<1x30xf32> to vector<1024x30xf32>
    %add3A_952 = arith.addf %dot_general3A_950, %add3A_951 : vector<1024x30xf32>
    %slice3A_953 = vector.extract_strided_slice %add3A_948 {offsets = [0, 0], sizes = [1024, 10], strides = [1, 1]} : vector<1024x30xf32> to vector<1024x10xf32>
    %slice3A_954 = vector.extract_strided_slice %add3A_952 {offsets = [0, 0], sizes = [1024, 10], strides = [1, 1]} : vector<1024x30xf32> to vector<1024x10xf32>
    %add3A_955 = arith.addf %slice3A_953, %slice3A_954 : vector<1024x10xf32>
    %logistic3A_956 = arith.negf %add3A_955 : vector<1024x10xf32>
    %logistic3A_957 = math.exp %logistic3A_956 : vector<1024x10xf32>
    %logistic3A_958 = arith.constant 1.000000e+00 : f32
    %logistic3A_959 = vector.broadcast %logistic3A_958 : f32 to vector<1024x10xf32>
    %logistic3A_960 = arith.addf %logistic3A_959, %logistic3A_957 : vector<1024x10xf32>
    %logistic3A_961 = arith.divf %logistic3A_959, %logistic3A_960 : vector<1024x10xf32>
    %slice3A_962 = vector.extract_strided_slice %add3A_948 {offsets = [0, 10], sizes = [1024, 10], strides = [1, 1]} : vector<1024x30xf32> to vector<1024x10xf32>
    %slice3A_963 = vector.extract_strided_slice %add3A_952 {offsets = [0, 10], sizes = [1024, 10], strides = [1, 1]} : vector<1024x30xf32> to vector<1024x10xf32>
    %add3A_964 = arith.addf %slice3A_962, %slice3A_963 : vector<1024x10xf32>
    %logistic3A_965 = arith.negf %add3A_964 : vector<1024x10xf32>
    %logistic3A_966 = math.exp %logistic3A_965 : vector<1024x10xf32>
    %logistic3A_967 = arith.constant 1.000000e+00 : f32
    %logistic3A_968 = vector.broadcast %logistic3A_967 : f32 to vector<1024x10xf32>
    %logistic3A_969 = arith.addf %logistic3A_968, %logistic3A_966 : vector<1024x10xf32>
    %logistic3A_970 = arith.divf %logistic3A_968, %logistic3A_969 : vector<1024x10xf32>
    %slice3A_971 = vector.extract_strided_slice %add3A_948 {offsets = [0, 20], sizes = [1024, 10], strides = [1, 1]} : vector<1024x30xf32> to vector<1024x10xf32>
    %slice3A_972 = vector.extract_strided_slice %add3A_952 {offsets = [0, 20], sizes = [1024, 10], strides = [1, 1]} : vector<1024x30xf32> to vector<1024x10xf32>
    %mul3A_973 = arith.mulf %logistic3A_961, %slice3A_972 : vector<1024x10xf32>
    %add3A_974 = arith.addf %slice3A_971, %mul3A_973 : vector<1024x10xf32>
    %tanh3A_975 = math.tanh %add3A_974 : vector<1024x10xf32>
    %sub3A_976 = arith.constant 1.000000e+00 : f32
    %sub3A_977 = vector.broadcast %sub3A_976 : f32 to vector<1024x10xf32>
    %sub3A_978 = arith.subf %sub3A_977, %logistic3A_970 : vector<1024x10xf32>
    %mul3A_979 = arith.mulf %sub3A_978, %tanh3A_975 : vector<1024x10xf32>
    %mul3A_980 = arith.mulf %logistic3A_970, %add3A_927 : vector<1024x10xf32>
    %add3A_981 = arith.addf %mul3A_979, %mul3A_980 : vector<1024x10xf32>
    %swap3A_982 = arith.constant 0 : index
    %swap3A_983 = arith.constant 0 : index
    %swap3A_984 = arith.constant 0 : index
    %swap3A_985 = arith.constant 170 : index
    %swap3A_986 = vector.load %arg7[%swap3A_982, %swap3A_983, %swap3A_984, %swap3A_985] : memref<1024x1x1x200xf32, #tpu.memory_space<vmem>>, vector<1024x1x1x10xf32>
    %swap3A_987 = vector.shape_cast %swap3A_986 : vector<1024x1x1x10xf32> to vector<1024x10xf32>
    %swap3A_988 = vector.shape_cast %add3A_981 : vector<1024x10xf32> to vector<1024x1x1x10xf32>
    tpu.vector_store %arg7[%swap3A_982, %swap3A_983, %swap3A_984, %swap3A_985], %swap3A_988 {strides = array<i32>} : memref<1024x1x1x200xf32, #tpu.memory_space<vmem>>, vector<1024x1x1x10xf32>,
    %get3A_989 = arith.constant 0 : index
    %get3A_990 = arith.constant 0 : index
    %get3A_991 = arith.constant 18 : index
    %get3A_992 = vector.load %arg1[%get3A_989, %get3A_990, %get3A_991] : memref<1x1024x20xi32, #tpu.memory_space<vmem>>, vector<1x1024x1xi32>
    %get3A_993 = vector.shape_cast %get3A_992 : vector<1x1024x1xi32> to vector<1024xi32>
    %broadcast_in_dim3A_994 = vector.shape_cast %get3A_993 : vector<1024xi32> to vector<1024x1xi32>
    %eq3A_995 = vector.broadcast %broadcast_in_dim3A_994 : vector<1024x1xi32> to vector<1024x96xi32>
    %eq3A_996 = arith.cmpi eq, %eq3A_995, %iota3A : vector<1024x96xi32>
    %convert_element_type3A_997 = arith.extui %eq3A_996 : vector<1024x96xi1> to vector<1024x96xi32>
    %convert_element_type3A_998 = arith.sitofp %convert_element_type3A_997 : vector<1024x96xi32> to vector<1024x96xf32>
    %dot_general3A_999 = arith.constant dense<0.000000e+00> : vector<1024x30xf32>
    %dot_general3A_1000 = tpu.matmul %convert_element_type3A_998, %dot_general3A_24, %dot_general3A_999 {dimension_numbers = #tpu.dot_dimension_numbers<[1], [0], [0], [1], [0, 0, 1, 1], [], []>, transpose_lhs_hint = false} : vector<1024x96xf32>, vector<96x30xf32>, vector<1024x30xf32> -> vector<1024x30xf32>
    %add3A_1001 = vector.broadcast %get3A_13 : vector<1x30xf32> to vector<1024x30xf32>
    %add3A_1002 = arith.addf %dot_general3A_1000, %add3A_1001 : vector<1024x30xf32>
    %dot_general3A_1003 = arith.constant dense<0.000000e+00> : vector<1024x30xf32>
    %dot_general3A_1004 = tpu.matmul %add3A_981, %get3A_8, %dot_general3A_1003 {dimension_numbers = #tpu.dot_dimension_numbers<[1], [1], [0], [0], [0, 0, 1, 0], [], []>, transpose_lhs_hint = false} : vector<1024x10xf32>, vector<30x10xf32>, vector<1024x30xf32> -> vector<1024x30xf32>
    %add3A_1005 = vector.broadcast %get3A_18 : vector<1x30xf32> to vector<1024x30xf32>
    %add3A_1006 = arith.addf %dot_general3A_1004, %add3A_1005 : vector<1024x30xf32>
    %slice3A_1007 = vector.extract_strided_slice %add3A_1002 {offsets = [0, 0], sizes = [1024, 10], strides = [1, 1]} : vector<1024x30xf32> to vector<1024x10xf32>
    %slice3A_1008 = vector.extract_strided_slice %add3A_1006 {offsets = [0, 0], sizes = [1024, 10], strides = [1, 1]} : vector<1024x30xf32> to vector<1024x10xf32>
    %add3A_1009 = arith.addf %slice3A_1007, %slice3A_1008 : vector<1024x10xf32>
    %logistic3A_1010 = arith.negf %add3A_1009 : vector<1024x10xf32>
    %logistic3A_1011 = math.exp %logistic3A_1010 : vector<1024x10xf32>
    %logistic3A_1012 = arith.constant 1.000000e+00 : f32
    %logistic3A_1013 = vector.broadcast %logistic3A_1012 : f32 to vector<1024x10xf32>
    %logistic3A_1014 = arith.addf %logistic3A_1013, %logistic3A_1011 : vector<1024x10xf32>
    %logistic3A_1015 = arith.divf %logistic3A_1013, %logistic3A_1014 : vector<1024x10xf32>
    %slice3A_1016 = vector.extract_strided_slice %add3A_1002 {offsets = [0, 10], sizes = [1024, 10], strides = [1, 1]} : vector<1024x30xf32> to vector<1024x10xf32>
    %slice3A_1017 = vector.extract_strided_slice %add3A_1006 {offsets = [0, 10], sizes = [1024, 10], strides = [1, 1]} : vector<1024x30xf32> to vector<1024x10xf32>
    %add3A_1018 = arith.addf %slice3A_1016, %slice3A_1017 : vector<1024x10xf32>
    %logistic3A_1019 = arith.negf %add3A_1018 : vector<1024x10xf32>
    %logistic3A_1020 = math.exp %logistic3A_1019 : vector<1024x10xf32>
    %logistic3A_1021 = arith.constant 1.000000e+00 : f32
    %logistic3A_1022 = vector.broadcast %logistic3A_1021 : f32 to vector<1024x10xf32>
    %logistic3A_1023 = arith.addf %logistic3A_1022, %logistic3A_1020 : vector<1024x10xf32>
    %logistic3A_1024 = arith.divf %logistic3A_1022, %logistic3A_1023 : vector<1024x10xf32>
    %slice3A_1025 = vector.extract_strided_slice %add3A_1002 {offsets = [0, 20], sizes = [1024, 10], strides = [1, 1]} : vector<1024x30xf32> to vector<1024x10xf32>
    %slice3A_1026 = vector.extract_strided_slice %add3A_1006 {offsets = [0, 20], sizes = [1024, 10], strides = [1, 1]} : vector<1024x30xf32> to vector<1024x10xf32>
    %mul3A_1027 = arith.mulf %logistic3A_1015, %slice3A_1026 : vector<1024x10xf32>
    %add3A_1028 = arith.addf %slice3A_1025, %mul3A_1027 : vector<1024x10xf32>
    %tanh3A_1029 = math.tanh %add3A_1028 : vector<1024x10xf32>
    %sub3A_1030 = arith.constant 1.000000e+00 : f32
    %sub3A_1031 = vector.broadcast %sub3A_1030 : f32 to vector<1024x10xf32>
    %sub3A_1032 = arith.subf %sub3A_1031, %logistic3A_1024 : vector<1024x10xf32>
    %mul3A_1033 = arith.mulf %sub3A_1032, %tanh3A_1029 : vector<1024x10xf32>
    %mul3A_1034 = arith.mulf %logistic3A_1024, %add3A_981 : vector<1024x10xf32>
    %add3A_1035 = arith.addf %mul3A_1033, %mul3A_1034 : vector<1024x10xf32>
    %swap3A_1036 = arith.constant 0 : index
    %swap3A_1037 = arith.constant 0 : index
    %swap3A_1038 = arith.constant 0 : index
    %swap3A_1039 = arith.constant 180 : index
    %swap3A_1040 = vector.load %arg7[%swap3A_1036, %swap3A_1037, %swap3A_1038, %swap3A_1039] : memref<1024x1x1x200xf32, #tpu.memory_space<vmem>>, vector<1024x1x1x10xf32>
    %swap3A_1041 = vector.shape_cast %swap3A_1040 : vector<1024x1x1x10xf32> to vector<1024x10xf32>
    %swap3A_1042 = vector.shape_cast %add3A_1035 : vector<1024x10xf32> to vector<1024x1x1x10xf32>
    tpu.vector_store %arg7[%swap3A_1036, %swap3A_1037, %swap3A_1038, %swap3A_1039], %swap3A_1042 {strides = array<i32>} : memref<1024x1x1x200xf32, #tpu.memory_space<vmem>>, vector<1024x1x1x10xf32>,
    %get3A_1043 = arith.constant 0 : index
    %get3A_1044 = arith.constant 0 : index
    %get3A_1045 = arith.constant 19 : index
    %get3A_1046 = vector.load %arg1[%get3A_1043, %get3A_1044, %get3A_1045] : memref<1x1024x20xi32, #tpu.memory_space<vmem>>, vector<1x1024x1xi32>
    %get3A_1047 = vector.shape_cast %get3A_1046 : vector<1x1024x1xi32> to vector<1024xi32>
    %broadcast_in_dim3A_1048 = vector.shape_cast %get3A_1047 : vector<1024xi32> to vector<1024x1xi32>
    %eq3A_1049 = vector.broadcast %broadcast_in_dim3A_1048 : vector<1024x1xi32> to vector<1024x96xi32>
    %eq3A_1050 = arith.cmpi eq, %eq3A_1049, %iota3A : vector<1024x96xi32>
    %convert_element_type3A_1051 = arith.extui %eq3A_1050 : vector<1024x96xi1> to vector<1024x96xi32>
    %convert_element_type3A_1052 = arith.sitofp %convert_element_type3A_1051 : vector<1024x96xi32> to vector<1024x96xf32>
    %dot_general3A_1053 = arith.constant dense<0.000000e+00> : vector<1024x30xf32>
    %dot_general3A_1054 = tpu.matmul %convert_element_type3A_1052, %dot_general3A_24, %dot_general3A_1053 {dimension_numbers = #tpu.dot_dimension_numbers<[1], [0], [0], [1], [0, 0, 1, 1], [], []>, transpose_lhs_hint = false} : vector<1024x96xf32>, vector<96x30xf32>, vector<1024x30xf32> -> vector<1024x30xf32>
    %add3A_1055 = vector.broadcast %get3A_13 : vector<1x30xf32> to vector<1024x30xf32>
    %add3A_1056 = arith.addf %dot_general3A_1054, %add3A_1055 : vector<1024x30xf32>
    %dot_general3A_1057 = arith.constant dense<0.000000e+00> : vector<1024x30xf32>
    %dot_general3A_1058 = tpu.matmul %add3A_1035, %get3A_8, %dot_general3A_1057 {dimension_numbers = #tpu.dot_dimension_numbers<[1], [1], [0], [0], [0, 0, 1, 0], [], []>, transpose_lhs_hint = false} : vector<1024x10xf32>, vector<30x10xf32>, vector<1024x30xf32> -> vector<1024x30xf32>
    %add3A_1059 = vector.broadcast %get3A_18 : vector<1x30xf32> to vector<1024x30xf32>
    %add3A_1060 = arith.addf %dot_general3A_1058, %add3A_1059 : vector<1024x30xf32>
    %slice3A_1061 = vector.extract_strided_slice %add3A_1056 {offsets = [0, 0], sizes = [1024, 10], strides = [1, 1]} : vector<1024x30xf32> to vector<1024x10xf32>
    %slice3A_1062 = vector.extract_strided_slice %add3A_1060 {offsets = [0, 0], sizes = [1024, 10], strides = [1, 1]} : vector<1024x30xf32> to vector<1024x10xf32>
    %add3A_1063 = arith.addf %slice3A_1061, %slice3A_1062 : vector<1024x10xf32>
    %logistic3A_1064 = arith.negf %add3A_1063 : vector<1024x10xf32>
    %logistic3A_1065 = math.exp %logistic3A_1064 : vector<1024x10xf32>
    %logistic3A_1066 = arith.constant 1.000000e+00 : f32
    %logistic3A_1067 = vector.broadcast %logistic3A_1066 : f32 to vector<1024x10xf32>
    %logistic3A_1068 = arith.addf %logistic3A_1067, %logistic3A_1065 : vector<1024x10xf32>
    %logistic3A_1069 = arith.divf %logistic3A_1067, %logistic3A_1068 : vector<1024x10xf32>
    %slice3A_1070 = vector.extract_strided_slice %add3A_1056 {offsets = [0, 10], sizes = [1024, 10], strides = [1, 1]} : vector<1024x30xf32> to vector<1024x10xf32>
    %slice3A_1071 = vector.extract_strided_slice %add3A_1060 {offsets = [0, 10], sizes = [1024, 10], strides = [1, 1]} : vector<1024x30xf32> to vector<1024x10xf32>
    %add3A_1072 = arith.addf %slice3A_1070, %slice3A_1071 : vector<1024x10xf32>
    %logistic3A_1073 = arith.negf %add3A_1072 : vector<1024x10xf32>
    %logistic3A_1074 = math.exp %logistic3A_1073 : vector<1024x10xf32>
    %logistic3A_1075 = arith.constant 1.000000e+00 : f32
    %logistic3A_1076 = vector.broadcast %logistic3A_1075 : f32 to vector<1024x10xf32>
    %logistic3A_1077 = arith.addf %logistic3A_1076, %logistic3A_1074 : vector<1024x10xf32>
    %logistic3A_1078 = arith.divf %logistic3A_1076, %logistic3A_1077 : vector<1024x10xf32>
    %slice3A_1079 = vector.extract_strided_slice %add3A_1056 {offsets = [0, 20], sizes = [1024, 10], strides = [1, 1]} : vector<1024x30xf32> to vector<1024x10xf32>
    %slice3A_1080 = vector.extract_strided_slice %add3A_1060 {offsets = [0, 20], sizes = [1024, 10], strides = [1, 1]} : vector<1024x30xf32> to vector<1024x10xf32>
    %mul3A_1081 = arith.mulf %logistic3A_1069, %slice3A_1080 : vector<1024x10xf32>
    %add3A_1082 = arith.addf %slice3A_1079, %mul3A_1081 : vector<1024x10xf32>
    %tanh3A_1083 = math.tanh %add3A_1082 : vector<1024x10xf32>
    %sub3A_1084 = arith.constant 1.000000e+00 : f32
    %sub3A_1085 = vector.broadcast %sub3A_1084 : f32 to vector<1024x10xf32>
    %sub3A_1086 = arith.subf %sub3A_1085, %logistic3A_1078 : vector<1024x10xf32>
    %mul3A_1087 = arith.mulf %sub3A_1086, %tanh3A_1083 : vector<1024x10xf32>
    %mul3A_1088 = arith.mulf %logistic3A_1078, %add3A_1035 : vector<1024x10xf32>
    %add3A_1089 = arith.addf %mul3A_1087, %mul3A_1088 : vector<1024x10xf32>
    %swap3A_1090 = arith.constant 0 : index
    %swap3A_1091 = arith.constant 0 : index
    %swap3A_1092 = arith.constant 0 : index
    %swap3A_1093 = arith.constant 190 : index
    %swap3A_1094 = vector.load %arg7[%swap3A_1090, %swap3A_1091, %swap3A_1092, %swap3A_1093] : memref<1024x1x1x200xf32, #tpu.memory_space<vmem>>, vector<1024x1x1x10xf32>
    %swap3A_1095 = vector.shape_cast %swap3A_1094 : vector<1024x1x1x10xf32> to vector<1024x10xf32>
    %swap3A_1096 = vector.shape_cast %add3A_1089 : vector<1024x10xf32> to vector<1024x1x1x10xf32>
    tpu.vector_store %arg7[%swap3A_1090, %swap3A_1091, %swap3A_1092, %swap3A_1093], %swap3A_1096 {strides = array<i32>} : memref<1024x1x1x200xf32, #tpu.memory_space<vmem>>, vector<1024x1x1x10xf32>,
    return
  }
  func.func @transform_0(%arg0: i32) -> (i32, i32, i32) {
    %c0_i32 = arith.constant 0 : i32
    %c0_i32_0 = arith.constant 0 : i32
    %c0_i32_1 = arith.constant 0 : i32
    return %arg0, %c0_i32, %c0_i32_0 : i32, i32, i32
  }
  func.func @transform_1(%arg0: i32) -> (i32, i32, i32) {
    %c0_i32 = arith.constant 0 : i32
    %c0_i32_0 = arith.constant 0 : i32
    %c0_i32_1 = arith.constant 0 : i32
    return %arg0, %c0_i32, %c0_i32_0 : i32, i32, i32
  }
  func.func @transform_2(%arg0: i32) -> (i32, i32, i32) {
    %c0_i32 = arith.constant 0 : i32
    %c0_i32_0 = arith.constant 0 : i32
    %c0_i32_1 = arith.constant 0 : i32
    return %arg0, %c0_i32, %c0_i32_0 : i32, i32, i32
  }
  func.func @transform_3(%arg0: i32) -> (i32, i32, i32) {
    %c0_i32 = arith.constant 0 : i32
    %c0_i32_0 = arith.constant 0 : i32
    %c0_i32_1 = arith.constant 0 : i32
    return %arg0, %c0_i32, %c0_i32_0 : i32, i32, i32
  }
  func.func @transform_4(%arg0: i32) -> (i32, i32, i32) {
    %c0_i32 = arith.constant 0 : i32
    %c0_i32_0 = arith.constant 0 : i32
    %c0_i32_1 = arith.constant 0 : i32
    return %arg0, %c0_i32, %c0_i32_0 : i32, i32, i32
  }
  func.func @transform_5(%arg0: i32) -> (i32, i32, i32) {
    %c0_i32 = arith.constant 0 : i32
    %c0_i32_0 = arith.constant 0 : i32
    %c0_i32_1 = arith.constant 0 : i32
    return %arg0, %c0_i32, %c0_i32_0 : i32, i32, i32
  }
  func.func @transform_6(%arg0: i32) -> (i32, i32, i32, i32) {
    %c0_i32 = arith.constant 0 : i32
    %c0_i32_0 = arith.constant 0 : i32
    %c0_i32_1 = arith.constant 0 : i32
    %c0_i32_2 = arith.constant 0 : i32
    return %c0_i32, %arg0, %c0_i32_0, %c0_i32_1 : i32, i32, i32, i32
  }
}

module attributes {stable_mosaic.version = 14 : i64} {
  func.func @_gru_item_body(%arg0: i32, %arg1: memref<1x1024x20x128xf32, #tpu.memory_space<vmem>>, %arg2: memref<1x30x128xf32, #tpu.memory_space<vmem>>, %arg3: memref<1x30x10xf32, #tpu.memory_space<vmem>>, %arg4: memref<1x1x30xf32, #tpu.memory_space<vmem>>, %arg5: memref<1x1x30xf32, #tpu.memory_space<vmem>>, %arg6: memref<1024x1x1x200xf32, #tpu.memory_space<vmem>>) attributes {dimension_semantics = [#tpu.dimension_semantics<arbitrary>], iteration_bounds = array<i64: 6>, scalar_prefetch = 0 : i64, scratch_operands = 0 : i64, tpu.core_type = #tpu.core_type<tc>, window_params = [{transform_indices = @transform_0, window_bounds = array<i64: 1, 1024, 20, 128>}, {transform_indices = @transform_1, window_bounds = array<i64: 1, 30, 128>}, {transform_indices = @transform_2, window_bounds = array<i64: 1, 30, 10>}, {transform_indices = @transform_3, window_bounds = array<i64: 1, 1, 30>}, {transform_indices = @transform_4, window_bounds = array<i64: 1, 1, 30>}, {transform_indices = @transform_5, window_bounds = array<i64: 1024, 1, 1, 200>}]} {
    %get3A = arith.constant 0 : index
    %get3A_0 = arith.constant 0 : index
    %get3A_1 = arith.constant 0 : index
    %get3A_2 = vector.load %arg2[%get3A, %get3A_0, %get3A_1] : memref<1x30x128xf32, #tpu.memory_space<vmem>>, vector<1x30x128xf32>
    %get3A_3 = vector.shape_cast %get3A_2 : vector<1x30x128xf32> to vector<30x128xf32>
    %get3A_4 = arith.constant 0 : index
    %get3A_5 = arith.constant 0 : index
    %get3A_6 = arith.constant 0 : index
    %get3A_7 = vector.load %arg3[%get3A_4, %get3A_5, %get3A_6] : memref<1x30x10xf32, #tpu.memory_space<vmem>>, vector<1x30x10xf32>
    %get3A_8 = vector.shape_cast %get3A_7 : vector<1x30x10xf32> to vector<30x10xf32>
    %get3A_9 = arith.constant 0 : index
    %get3A_10 = arith.constant 0 : index
    %get3A_11 = arith.constant 0 : index
    %get3A_12 = vector.load %arg4[%get3A_9, %get3A_10, %get3A_11] : memref<1x1x30xf32, #tpu.memory_space<vmem>>, vector<1x1x30xf32>
    %get3A_13 = vector.shape_cast %get3A_12 : vector<1x1x30xf32> to vector<1x30xf32>
    %get3A_14 = arith.constant 0 : index
    %get3A_15 = arith.constant 0 : index
    %get3A_16 = arith.constant 0 : index
    %get3A_17 = vector.load %arg5[%get3A_14, %get3A_15, %get3A_16] : memref<1x1x30xf32, #tpu.memory_space<vmem>>, vector<1x1x30xf32>
    %get3A_18 = vector.shape_cast %get3A_17 : vector<1x1x30xf32> to vector<1x30xf32>
    %broadcast_in_dim3A = arith.constant 0.000000e+00 : f32
    %broadcast_in_dim3A_19 = vector.broadcast %broadcast_in_dim3A : f32 to vector<1024x10xf32>
    %get3A_20 = arith.constant 0 : index
    %get3A_21 = arith.constant 0 : index
    %get3A_22 = arith.constant 0 : index
    %get3A_23 = arith.constant 0 : index
    %get3A_24 = vector.load %arg1[%get3A_20, %get3A_21, %get3A_22, %get3A_23] : memref<1x1024x20x128xf32, #tpu.memory_space<vmem>>, vector<1x1024x1x128xf32>
    %get3A_25 = vector.shape_cast %get3A_24 : vector<1x1024x1x128xf32> to vector<1024x128xf32>
    %dot_general3A = arith.constant dense<0.000000e+00> : vector<1024x30xf32>
    %dot_general3A_26 = tpu.matmul %get3A_25, %get3A_3, %dot_general3A {dimension_numbers = #tpu.dot_dimension_numbers<[1], [1], [0], [0], [0, 0, 1, 0], [], []>, transpose_lhs_hint = false} : vector<1024x128xf32>, vector<30x128xf32>, vector<1024x30xf32> -> vector<1024x30xf32>
    %add3A = vector.broadcast %get3A_13 : vector<1x30xf32> to vector<1024x30xf32>
    %add3A_27 = arith.addf %dot_general3A_26, %add3A : vector<1024x30xf32>
    %dot_general3A_28 = arith.constant dense<0.000000e+00> : vector<1024x30xf32>
    %dot_general3A_29 = tpu.matmul %broadcast_in_dim3A_19, %get3A_8, %dot_general3A_28 {dimension_numbers = #tpu.dot_dimension_numbers<[1], [1], [0], [0], [0, 0, 1, 0], [], []>, transpose_lhs_hint = false} : vector<1024x10xf32>, vector<30x10xf32>, vector<1024x30xf32> -> vector<1024x30xf32>
    %add3A_30 = vector.broadcast %get3A_18 : vector<1x30xf32> to vector<1024x30xf32>
    %add3A_31 = arith.addf %dot_general3A_29, %add3A_30 : vector<1024x30xf32>
    %slice3A = vector.extract_strided_slice %add3A_27 {offsets = [0, 0], sizes = [1024, 10], strides = [1, 1]} : vector<1024x30xf32> to vector<1024x10xf32>
    %slice3A_32 = vector.extract_strided_slice %add3A_31 {offsets = [0, 0], sizes = [1024, 10], strides = [1, 1]} : vector<1024x30xf32> to vector<1024x10xf32>
    %add3A_33 = arith.addf %slice3A, %slice3A_32 : vector<1024x10xf32>
    %logistic3A = arith.negf %add3A_33 : vector<1024x10xf32>
    %logistic3A_34 = math.exp %logistic3A : vector<1024x10xf32>
    %logistic3A_35 = arith.constant 1.000000e+00 : f32
    %logistic3A_36 = vector.broadcast %logistic3A_35 : f32 to vector<1024x10xf32>
    %logistic3A_37 = arith.addf %logistic3A_36, %logistic3A_34 : vector<1024x10xf32>
    %logistic3A_38 = arith.divf %logistic3A_36, %logistic3A_37 : vector<1024x10xf32>
    %slice3A_39 = vector.extract_strided_slice %add3A_27 {offsets = [0, 10], sizes = [1024, 10], strides = [1, 1]} : vector<1024x30xf32> to vector<1024x10xf32>
    %slice3A_40 = vector.extract_strided_slice %add3A_31 {offsets = [0, 10], sizes = [1024, 10], strides = [1, 1]} : vector<1024x30xf32> to vector<1024x10xf32>
    %add3A_41 = arith.addf %slice3A_39, %slice3A_40 : vector<1024x10xf32>
    %logistic3A_42 = arith.negf %add3A_41 : vector<1024x10xf32>
    %logistic3A_43 = math.exp %logistic3A_42 : vector<1024x10xf32>
    %logistic3A_44 = arith.constant 1.000000e+00 : f32
    %logistic3A_45 = vector.broadcast %logistic3A_44 : f32 to vector<1024x10xf32>
    %logistic3A_46 = arith.addf %logistic3A_45, %logistic3A_43 : vector<1024x10xf32>
    %logistic3A_47 = arith.divf %logistic3A_45, %logistic3A_46 : vector<1024x10xf32>
    %slice3A_48 = vector.extract_strided_slice %add3A_27 {offsets = [0, 20], sizes = [1024, 10], strides = [1, 1]} : vector<1024x30xf32> to vector<1024x10xf32>
    %slice3A_49 = vector.extract_strided_slice %add3A_31 {offsets = [0, 20], sizes = [1024, 10], strides = [1, 1]} : vector<1024x30xf32> to vector<1024x10xf32>
    %mul3A = arith.mulf %logistic3A_38, %slice3A_49 : vector<1024x10xf32>
    %add3A_50 = arith.addf %slice3A_48, %mul3A : vector<1024x10xf32>
    %tanh3A = math.tanh %add3A_50 : vector<1024x10xf32>
    %sub3A = arith.constant 1.000000e+00 : f32
    %sub3A_51 = vector.broadcast %sub3A : f32 to vector<1024x10xf32>
    %sub3A_52 = arith.subf %sub3A_51, %logistic3A_47 : vector<1024x10xf32>
    %mul3A_53 = arith.mulf %sub3A_52, %tanh3A : vector<1024x10xf32>
    %mul3A_54 = arith.mulf %logistic3A_47, %broadcast_in_dim3A_19 : vector<1024x10xf32>
    %add3A_55 = arith.addf %mul3A_53, %mul3A_54 : vector<1024x10xf32>
    %swap3A = arith.constant 0 : index
    %swap3A_56 = arith.constant 0 : index
    %swap3A_57 = arith.constant 0 : index
    %swap3A_58 = arith.constant 0 : index
    %swap3A_59 = vector.load %arg6[%swap3A, %swap3A_56, %swap3A_57, %swap3A_58] : memref<1024x1x1x200xf32, #tpu.memory_space<vmem>>, vector<1024x1x1x10xf32>
    %swap3A_60 = vector.shape_cast %swap3A_59 : vector<1024x1x1x10xf32> to vector<1024x10xf32>
    %swap3A_61 = vector.shape_cast %add3A_55 : vector<1024x10xf32> to vector<1024x1x1x10xf32>
    tpu.vector_store %arg6[%swap3A, %swap3A_56, %swap3A_57, %swap3A_58], %swap3A_61 {strides = array<i32>} : memref<1024x1x1x200xf32, #tpu.memory_space<vmem>>, vector<1024x1x1x10xf32>,
    %get3A_62 = arith.constant 0 : index
    %get3A_63 = arith.constant 0 : index
    %get3A_64 = arith.constant 1 : index
    %get3A_65 = arith.constant 0 : index
    %get3A_66 = vector.load %arg1[%get3A_62, %get3A_63, %get3A_64, %get3A_65] : memref<1x1024x20x128xf32, #tpu.memory_space<vmem>>, vector<1x1024x1x128xf32>
    %get3A_67 = vector.shape_cast %get3A_66 : vector<1x1024x1x128xf32> to vector<1024x128xf32>
    %dot_general3A_68 = arith.constant dense<0.000000e+00> : vector<1024x30xf32>
    %dot_general3A_69 = tpu.matmul %get3A_67, %get3A_3, %dot_general3A_68 {dimension_numbers = #tpu.dot_dimension_numbers<[1], [1], [0], [0], [0, 0, 1, 0], [], []>, transpose_lhs_hint = false} : vector<1024x128xf32>, vector<30x128xf32>, vector<1024x30xf32> -> vector<1024x30xf32>
    %add3A_70 = vector.broadcast %get3A_13 : vector<1x30xf32> to vector<1024x30xf32>
    %add3A_71 = arith.addf %dot_general3A_69, %add3A_70 : vector<1024x30xf32>
    %dot_general3A_72 = arith.constant dense<0.000000e+00> : vector<1024x30xf32>
    %dot_general3A_73 = tpu.matmul %add3A_55, %get3A_8, %dot_general3A_72 {dimension_numbers = #tpu.dot_dimension_numbers<[1], [1], [0], [0], [0, 0, 1, 0], [], []>, transpose_lhs_hint = false} : vector<1024x10xf32>, vector<30x10xf32>, vector<1024x30xf32> -> vector<1024x30xf32>
    %add3A_74 = vector.broadcast %get3A_18 : vector<1x30xf32> to vector<1024x30xf32>
    %add3A_75 = arith.addf %dot_general3A_73, %add3A_74 : vector<1024x30xf32>
    %slice3A_76 = vector.extract_strided_slice %add3A_71 {offsets = [0, 0], sizes = [1024, 10], strides = [1, 1]} : vector<1024x30xf32> to vector<1024x10xf32>
    %slice3A_77 = vector.extract_strided_slice %add3A_75 {offsets = [0, 0], sizes = [1024, 10], strides = [1, 1]} : vector<1024x30xf32> to vector<1024x10xf32>
    %add3A_78 = arith.addf %slice3A_76, %slice3A_77 : vector<1024x10xf32>
    %logistic3A_79 = arith.negf %add3A_78 : vector<1024x10xf32>
    %logistic3A_80 = math.exp %logistic3A_79 : vector<1024x10xf32>
    %logistic3A_81 = arith.constant 1.000000e+00 : f32
    %logistic3A_82 = vector.broadcast %logistic3A_81 : f32 to vector<1024x10xf32>
    %logistic3A_83 = arith.addf %logistic3A_82, %logistic3A_80 : vector<1024x10xf32>
    %logistic3A_84 = arith.divf %logistic3A_82, %logistic3A_83 : vector<1024x10xf32>
    %slice3A_85 = vector.extract_strided_slice %add3A_71 {offsets = [0, 10], sizes = [1024, 10], strides = [1, 1]} : vector<1024x30xf32> to vector<1024x10xf32>
    %slice3A_86 = vector.extract_strided_slice %add3A_75 {offsets = [0, 10], sizes = [1024, 10], strides = [1, 1]} : vector<1024x30xf32> to vector<1024x10xf32>
    %add3A_87 = arith.addf %slice3A_85, %slice3A_86 : vector<1024x10xf32>
    %logistic3A_88 = arith.negf %add3A_87 : vector<1024x10xf32>
    %logistic3A_89 = math.exp %logistic3A_88 : vector<1024x10xf32>
    %logistic3A_90 = arith.constant 1.000000e+00 : f32
    %logistic3A_91 = vector.broadcast %logistic3A_90 : f32 to vector<1024x10xf32>
    %logistic3A_92 = arith.addf %logistic3A_91, %logistic3A_89 : vector<1024x10xf32>
    %logistic3A_93 = arith.divf %logistic3A_91, %logistic3A_92 : vector<1024x10xf32>
    %slice3A_94 = vector.extract_strided_slice %add3A_71 {offsets = [0, 20], sizes = [1024, 10], strides = [1, 1]} : vector<1024x30xf32> to vector<1024x10xf32>
    %slice3A_95 = vector.extract_strided_slice %add3A_75 {offsets = [0, 20], sizes = [1024, 10], strides = [1, 1]} : vector<1024x30xf32> to vector<1024x10xf32>
    %mul3A_96 = arith.mulf %logistic3A_84, %slice3A_95 : vector<1024x10xf32>
    %add3A_97 = arith.addf %slice3A_94, %mul3A_96 : vector<1024x10xf32>
    %tanh3A_98 = math.tanh %add3A_97 : vector<1024x10xf32>
    %sub3A_99 = arith.constant 1.000000e+00 : f32
    %sub3A_100 = vector.broadcast %sub3A_99 : f32 to vector<1024x10xf32>
    %sub3A_101 = arith.subf %sub3A_100, %logistic3A_93 : vector<1024x10xf32>
    %mul3A_102 = arith.mulf %sub3A_101, %tanh3A_98 : vector<1024x10xf32>
    %mul3A_103 = arith.mulf %logistic3A_93, %add3A_55 : vector<1024x10xf32>
    %add3A_104 = arith.addf %mul3A_102, %mul3A_103 : vector<1024x10xf32>
    %swap3A_105 = arith.constant 0 : index
    %swap3A_106 = arith.constant 0 : index
    %swap3A_107 = arith.constant 0 : index
    %swap3A_108 = arith.constant 10 : index
    %swap3A_109 = vector.load %arg6[%swap3A_105, %swap3A_106, %swap3A_107, %swap3A_108] : memref<1024x1x1x200xf32, #tpu.memory_space<vmem>>, vector<1024x1x1x10xf32>
    %swap3A_110 = vector.shape_cast %swap3A_109 : vector<1024x1x1x10xf32> to vector<1024x10xf32>
    %swap3A_111 = vector.shape_cast %add3A_104 : vector<1024x10xf32> to vector<1024x1x1x10xf32>
    tpu.vector_store %arg6[%swap3A_105, %swap3A_106, %swap3A_107, %swap3A_108], %swap3A_111 {strides = array<i32>} : memref<1024x1x1x200xf32, #tpu.memory_space<vmem>>, vector<1024x1x1x10xf32>,
    %get3A_112 = arith.constant 0 : index
    %get3A_113 = arith.constant 0 : index
    %get3A_114 = arith.constant 2 : index
    %get3A_115 = arith.constant 0 : index
    %get3A_116 = vector.load %arg1[%get3A_112, %get3A_113, %get3A_114, %get3A_115] : memref<1x1024x20x128xf32, #tpu.memory_space<vmem>>, vector<1x1024x1x128xf32>
    %get3A_117 = vector.shape_cast %get3A_116 : vector<1x1024x1x128xf32> to vector<1024x128xf32>
    %dot_general3A_118 = arith.constant dense<0.000000e+00> : vector<1024x30xf32>
    %dot_general3A_119 = tpu.matmul %get3A_117, %get3A_3, %dot_general3A_118 {dimension_numbers = #tpu.dot_dimension_numbers<[1], [1], [0], [0], [0, 0, 1, 0], [], []>, transpose_lhs_hint = false} : vector<1024x128xf32>, vector<30x128xf32>, vector<1024x30xf32> -> vector<1024x30xf32>
    %add3A_120 = vector.broadcast %get3A_13 : vector<1x30xf32> to vector<1024x30xf32>
    %add3A_121 = arith.addf %dot_general3A_119, %add3A_120 : vector<1024x30xf32>
    %dot_general3A_122 = arith.constant dense<0.000000e+00> : vector<1024x30xf32>
    %dot_general3A_123 = tpu.matmul %add3A_104, %get3A_8, %dot_general3A_122 {dimension_numbers = #tpu.dot_dimension_numbers<[1], [1], [0], [0], [0, 0, 1, 0], [], []>, transpose_lhs_hint = false} : vector<1024x10xf32>, vector<30x10xf32>, vector<1024x30xf32> -> vector<1024x30xf32>
    %add3A_124 = vector.broadcast %get3A_18 : vector<1x30xf32> to vector<1024x30xf32>
    %add3A_125 = arith.addf %dot_general3A_123, %add3A_124 : vector<1024x30xf32>
    %slice3A_126 = vector.extract_strided_slice %add3A_121 {offsets = [0, 0], sizes = [1024, 10], strides = [1, 1]} : vector<1024x30xf32> to vector<1024x10xf32>
    %slice3A_127 = vector.extract_strided_slice %add3A_125 {offsets = [0, 0], sizes = [1024, 10], strides = [1, 1]} : vector<1024x30xf32> to vector<1024x10xf32>
    %add3A_128 = arith.addf %slice3A_126, %slice3A_127 : vector<1024x10xf32>
    %logistic3A_129 = arith.negf %add3A_128 : vector<1024x10xf32>
    %logistic3A_130 = math.exp %logistic3A_129 : vector<1024x10xf32>
    %logistic3A_131 = arith.constant 1.000000e+00 : f32
    %logistic3A_132 = vector.broadcast %logistic3A_131 : f32 to vector<1024x10xf32>
    %logistic3A_133 = arith.addf %logistic3A_132, %logistic3A_130 : vector<1024x10xf32>
    %logistic3A_134 = arith.divf %logistic3A_132, %logistic3A_133 : vector<1024x10xf32>
    %slice3A_135 = vector.extract_strided_slice %add3A_121 {offsets = [0, 10], sizes = [1024, 10], strides = [1, 1]} : vector<1024x30xf32> to vector<1024x10xf32>
    %slice3A_136 = vector.extract_strided_slice %add3A_125 {offsets = [0, 10], sizes = [1024, 10], strides = [1, 1]} : vector<1024x30xf32> to vector<1024x10xf32>
    %add3A_137 = arith.addf %slice3A_135, %slice3A_136 : vector<1024x10xf32>
    %logistic3A_138 = arith.negf %add3A_137 : vector<1024x10xf32>
    %logistic3A_139 = math.exp %logistic3A_138 : vector<1024x10xf32>
    %logistic3A_140 = arith.constant 1.000000e+00 : f32
    %logistic3A_141 = vector.broadcast %logistic3A_140 : f32 to vector<1024x10xf32>
    %logistic3A_142 = arith.addf %logistic3A_141, %logistic3A_139 : vector<1024x10xf32>
    %logistic3A_143 = arith.divf %logistic3A_141, %logistic3A_142 : vector<1024x10xf32>
    %slice3A_144 = vector.extract_strided_slice %add3A_121 {offsets = [0, 20], sizes = [1024, 10], strides = [1, 1]} : vector<1024x30xf32> to vector<1024x10xf32>
    %slice3A_145 = vector.extract_strided_slice %add3A_125 {offsets = [0, 20], sizes = [1024, 10], strides = [1, 1]} : vector<1024x30xf32> to vector<1024x10xf32>
    %mul3A_146 = arith.mulf %logistic3A_134, %slice3A_145 : vector<1024x10xf32>
    %add3A_147 = arith.addf %slice3A_144, %mul3A_146 : vector<1024x10xf32>
    %tanh3A_148 = math.tanh %add3A_147 : vector<1024x10xf32>
    %sub3A_149 = arith.constant 1.000000e+00 : f32
    %sub3A_150 = vector.broadcast %sub3A_149 : f32 to vector<1024x10xf32>
    %sub3A_151 = arith.subf %sub3A_150, %logistic3A_143 : vector<1024x10xf32>
    %mul3A_152 = arith.mulf %sub3A_151, %tanh3A_148 : vector<1024x10xf32>
    %mul3A_153 = arith.mulf %logistic3A_143, %add3A_104 : vector<1024x10xf32>
    %add3A_154 = arith.addf %mul3A_152, %mul3A_153 : vector<1024x10xf32>
    %swap3A_155 = arith.constant 0 : index
    %swap3A_156 = arith.constant 0 : index
    %swap3A_157 = arith.constant 0 : index
    %swap3A_158 = arith.constant 20 : index
    %swap3A_159 = vector.load %arg6[%swap3A_155, %swap3A_156, %swap3A_157, %swap3A_158] : memref<1024x1x1x200xf32, #tpu.memory_space<vmem>>, vector<1024x1x1x10xf32>
    %swap3A_160 = vector.shape_cast %swap3A_159 : vector<1024x1x1x10xf32> to vector<1024x10xf32>
    %swap3A_161 = vector.shape_cast %add3A_154 : vector<1024x10xf32> to vector<1024x1x1x10xf32>
    tpu.vector_store %arg6[%swap3A_155, %swap3A_156, %swap3A_157, %swap3A_158], %swap3A_161 {strides = array<i32>} : memref<1024x1x1x200xf32, #tpu.memory_space<vmem>>, vector<1024x1x1x10xf32>,
    %get3A_162 = arith.constant 0 : index
    %get3A_163 = arith.constant 0 : index
    %get3A_164 = arith.constant 3 : index
    %get3A_165 = arith.constant 0 : index
    %get3A_166 = vector.load %arg1[%get3A_162, %get3A_163, %get3A_164, %get3A_165] : memref<1x1024x20x128xf32, #tpu.memory_space<vmem>>, vector<1x1024x1x128xf32>
    %get3A_167 = vector.shape_cast %get3A_166 : vector<1x1024x1x128xf32> to vector<1024x128xf32>
    %dot_general3A_168 = arith.constant dense<0.000000e+00> : vector<1024x30xf32>
    %dot_general3A_169 = tpu.matmul %get3A_167, %get3A_3, %dot_general3A_168 {dimension_numbers = #tpu.dot_dimension_numbers<[1], [1], [0], [0], [0, 0, 1, 0], [], []>, transpose_lhs_hint = false} : vector<1024x128xf32>, vector<30x128xf32>, vector<1024x30xf32> -> vector<1024x30xf32>
    %add3A_170 = vector.broadcast %get3A_13 : vector<1x30xf32> to vector<1024x30xf32>
    %add3A_171 = arith.addf %dot_general3A_169, %add3A_170 : vector<1024x30xf32>
    %dot_general3A_172 = arith.constant dense<0.000000e+00> : vector<1024x30xf32>
    %dot_general3A_173 = tpu.matmul %add3A_154, %get3A_8, %dot_general3A_172 {dimension_numbers = #tpu.dot_dimension_numbers<[1], [1], [0], [0], [0, 0, 1, 0], [], []>, transpose_lhs_hint = false} : vector<1024x10xf32>, vector<30x10xf32>, vector<1024x30xf32> -> vector<1024x30xf32>
    %add3A_174 = vector.broadcast %get3A_18 : vector<1x30xf32> to vector<1024x30xf32>
    %add3A_175 = arith.addf %dot_general3A_173, %add3A_174 : vector<1024x30xf32>
    %slice3A_176 = vector.extract_strided_slice %add3A_171 {offsets = [0, 0], sizes = [1024, 10], strides = [1, 1]} : vector<1024x30xf32> to vector<1024x10xf32>
    %slice3A_177 = vector.extract_strided_slice %add3A_175 {offsets = [0, 0], sizes = [1024, 10], strides = [1, 1]} : vector<1024x30xf32> to vector<1024x10xf32>
    %add3A_178 = arith.addf %slice3A_176, %slice3A_177 : vector<1024x10xf32>
    %logistic3A_179 = arith.negf %add3A_178 : vector<1024x10xf32>
    %logistic3A_180 = math.exp %logistic3A_179 : vector<1024x10xf32>
    %logistic3A_181 = arith.constant 1.000000e+00 : f32
    %logistic3A_182 = vector.broadcast %logistic3A_181 : f32 to vector<1024x10xf32>
    %logistic3A_183 = arith.addf %logistic3A_182, %logistic3A_180 : vector<1024x10xf32>
    %logistic3A_184 = arith.divf %logistic3A_182, %logistic3A_183 : vector<1024x10xf32>
    %slice3A_185 = vector.extract_strided_slice %add3A_171 {offsets = [0, 10], sizes = [1024, 10], strides = [1, 1]} : vector<1024x30xf32> to vector<1024x10xf32>
    %slice3A_186 = vector.extract_strided_slice %add3A_175 {offsets = [0, 10], sizes = [1024, 10], strides = [1, 1]} : vector<1024x30xf32> to vector<1024x10xf32>
    %add3A_187 = arith.addf %slice3A_185, %slice3A_186 : vector<1024x10xf32>
    %logistic3A_188 = arith.negf %add3A_187 : vector<1024x10xf32>
    %logistic3A_189 = math.exp %logistic3A_188 : vector<1024x10xf32>
    %logistic3A_190 = arith.constant 1.000000e+00 : f32
    %logistic3A_191 = vector.broadcast %logistic3A_190 : f32 to vector<1024x10xf32>
    %logistic3A_192 = arith.addf %logistic3A_191, %logistic3A_189 : vector<1024x10xf32>
    %logistic3A_193 = arith.divf %logistic3A_191, %logistic3A_192 : vector<1024x10xf32>
    %slice3A_194 = vector.extract_strided_slice %add3A_171 {offsets = [0, 20], sizes = [1024, 10], strides = [1, 1]} : vector<1024x30xf32> to vector<1024x10xf32>
    %slice3A_195 = vector.extract_strided_slice %add3A_175 {offsets = [0, 20], sizes = [1024, 10], strides = [1, 1]} : vector<1024x30xf32> to vector<1024x10xf32>
    %mul3A_196 = arith.mulf %logistic3A_184, %slice3A_195 : vector<1024x10xf32>
    %add3A_197 = arith.addf %slice3A_194, %mul3A_196 : vector<1024x10xf32>
    %tanh3A_198 = math.tanh %add3A_197 : vector<1024x10xf32>
    %sub3A_199 = arith.constant 1.000000e+00 : f32
    %sub3A_200 = vector.broadcast %sub3A_199 : f32 to vector<1024x10xf32>
    %sub3A_201 = arith.subf %sub3A_200, %logistic3A_193 : vector<1024x10xf32>
    %mul3A_202 = arith.mulf %sub3A_201, %tanh3A_198 : vector<1024x10xf32>
    %mul3A_203 = arith.mulf %logistic3A_193, %add3A_154 : vector<1024x10xf32>
    %add3A_204 = arith.addf %mul3A_202, %mul3A_203 : vector<1024x10xf32>
    %swap3A_205 = arith.constant 0 : index
    %swap3A_206 = arith.constant 0 : index
    %swap3A_207 = arith.constant 0 : index
    %swap3A_208 = arith.constant 30 : index
    %swap3A_209 = vector.load %arg6[%swap3A_205, %swap3A_206, %swap3A_207, %swap3A_208] : memref<1024x1x1x200xf32, #tpu.memory_space<vmem>>, vector<1024x1x1x10xf32>
    %swap3A_210 = vector.shape_cast %swap3A_209 : vector<1024x1x1x10xf32> to vector<1024x10xf32>
    %swap3A_211 = vector.shape_cast %add3A_204 : vector<1024x10xf32> to vector<1024x1x1x10xf32>
    tpu.vector_store %arg6[%swap3A_205, %swap3A_206, %swap3A_207, %swap3A_208], %swap3A_211 {strides = array<i32>} : memref<1024x1x1x200xf32, #tpu.memory_space<vmem>>, vector<1024x1x1x10xf32>,
    %get3A_212 = arith.constant 0 : index
    %get3A_213 = arith.constant 0 : index
    %get3A_214 = arith.constant 4 : index
    %get3A_215 = arith.constant 0 : index
    %get3A_216 = vector.load %arg1[%get3A_212, %get3A_213, %get3A_214, %get3A_215] : memref<1x1024x20x128xf32, #tpu.memory_space<vmem>>, vector<1x1024x1x128xf32>
    %get3A_217 = vector.shape_cast %get3A_216 : vector<1x1024x1x128xf32> to vector<1024x128xf32>
    %dot_general3A_218 = arith.constant dense<0.000000e+00> : vector<1024x30xf32>
    %dot_general3A_219 = tpu.matmul %get3A_217, %get3A_3, %dot_general3A_218 {dimension_numbers = #tpu.dot_dimension_numbers<[1], [1], [0], [0], [0, 0, 1, 0], [], []>, transpose_lhs_hint = false} : vector<1024x128xf32>, vector<30x128xf32>, vector<1024x30xf32> -> vector<1024x30xf32>
    %add3A_220 = vector.broadcast %get3A_13 : vector<1x30xf32> to vector<1024x30xf32>
    %add3A_221 = arith.addf %dot_general3A_219, %add3A_220 : vector<1024x30xf32>
    %dot_general3A_222 = arith.constant dense<0.000000e+00> : vector<1024x30xf32>
    %dot_general3A_223 = tpu.matmul %add3A_204, %get3A_8, %dot_general3A_222 {dimension_numbers = #tpu.dot_dimension_numbers<[1], [1], [0], [0], [0, 0, 1, 0], [], []>, transpose_lhs_hint = false} : vector<1024x10xf32>, vector<30x10xf32>, vector<1024x30xf32> -> vector<1024x30xf32>
    %add3A_224 = vector.broadcast %get3A_18 : vector<1x30xf32> to vector<1024x30xf32>
    %add3A_225 = arith.addf %dot_general3A_223, %add3A_224 : vector<1024x30xf32>
    %slice3A_226 = vector.extract_strided_slice %add3A_221 {offsets = [0, 0], sizes = [1024, 10], strides = [1, 1]} : vector<1024x30xf32> to vector<1024x10xf32>
    %slice3A_227 = vector.extract_strided_slice %add3A_225 {offsets = [0, 0], sizes = [1024, 10], strides = [1, 1]} : vector<1024x30xf32> to vector<1024x10xf32>
    %add3A_228 = arith.addf %slice3A_226, %slice3A_227 : vector<1024x10xf32>
    %logistic3A_229 = arith.negf %add3A_228 : vector<1024x10xf32>
    %logistic3A_230 = math.exp %logistic3A_229 : vector<1024x10xf32>
    %logistic3A_231 = arith.constant 1.000000e+00 : f32
    %logistic3A_232 = vector.broadcast %logistic3A_231 : f32 to vector<1024x10xf32>
    %logistic3A_233 = arith.addf %logistic3A_232, %logistic3A_230 : vector<1024x10xf32>
    %logistic3A_234 = arith.divf %logistic3A_232, %logistic3A_233 : vector<1024x10xf32>
    %slice3A_235 = vector.extract_strided_slice %add3A_221 {offsets = [0, 10], sizes = [1024, 10], strides = [1, 1]} : vector<1024x30xf32> to vector<1024x10xf32>
    %slice3A_236 = vector.extract_strided_slice %add3A_225 {offsets = [0, 10], sizes = [1024, 10], strides = [1, 1]} : vector<1024x30xf32> to vector<1024x10xf32>
    %add3A_237 = arith.addf %slice3A_235, %slice3A_236 : vector<1024x10xf32>
    %logistic3A_238 = arith.negf %add3A_237 : vector<1024x10xf32>
    %logistic3A_239 = math.exp %logistic3A_238 : vector<1024x10xf32>
    %logistic3A_240 = arith.constant 1.000000e+00 : f32
    %logistic3A_241 = vector.broadcast %logistic3A_240 : f32 to vector<1024x10xf32>
    %logistic3A_242 = arith.addf %logistic3A_241, %logistic3A_239 : vector<1024x10xf32>
    %logistic3A_243 = arith.divf %logistic3A_241, %logistic3A_242 : vector<1024x10xf32>
    %slice3A_244 = vector.extract_strided_slice %add3A_221 {offsets = [0, 20], sizes = [1024, 10], strides = [1, 1]} : vector<1024x30xf32> to vector<1024x10xf32>
    %slice3A_245 = vector.extract_strided_slice %add3A_225 {offsets = [0, 20], sizes = [1024, 10], strides = [1, 1]} : vector<1024x30xf32> to vector<1024x10xf32>
    %mul3A_246 = arith.mulf %logistic3A_234, %slice3A_245 : vector<1024x10xf32>
    %add3A_247 = arith.addf %slice3A_244, %mul3A_246 : vector<1024x10xf32>
    %tanh3A_248 = math.tanh %add3A_247 : vector<1024x10xf32>
    %sub3A_249 = arith.constant 1.000000e+00 : f32
    %sub3A_250 = vector.broadcast %sub3A_249 : f32 to vector<1024x10xf32>
    %sub3A_251 = arith.subf %sub3A_250, %logistic3A_243 : vector<1024x10xf32>
    %mul3A_252 = arith.mulf %sub3A_251, %tanh3A_248 : vector<1024x10xf32>
    %mul3A_253 = arith.mulf %logistic3A_243, %add3A_204 : vector<1024x10xf32>
    %add3A_254 = arith.addf %mul3A_252, %mul3A_253 : vector<1024x10xf32>
    %swap3A_255 = arith.constant 0 : index
    %swap3A_256 = arith.constant 0 : index
    %swap3A_257 = arith.constant 0 : index
    %swap3A_258 = arith.constant 40 : index
    %swap3A_259 = vector.load %arg6[%swap3A_255, %swap3A_256, %swap3A_257, %swap3A_258] : memref<1024x1x1x200xf32, #tpu.memory_space<vmem>>, vector<1024x1x1x10xf32>
    %swap3A_260 = vector.shape_cast %swap3A_259 : vector<1024x1x1x10xf32> to vector<1024x10xf32>
    %swap3A_261 = vector.shape_cast %add3A_254 : vector<1024x10xf32> to vector<1024x1x1x10xf32>
    tpu.vector_store %arg6[%swap3A_255, %swap3A_256, %swap3A_257, %swap3A_258], %swap3A_261 {strides = array<i32>} : memref<1024x1x1x200xf32, #tpu.memory_space<vmem>>, vector<1024x1x1x10xf32>,
    %get3A_262 = arith.constant 0 : index
    %get3A_263 = arith.constant 0 : index
    %get3A_264 = arith.constant 5 : index
    %get3A_265 = arith.constant 0 : index
    %get3A_266 = vector.load %arg1[%get3A_262, %get3A_263, %get3A_264, %get3A_265] : memref<1x1024x20x128xf32, #tpu.memory_space<vmem>>, vector<1x1024x1x128xf32>
    %get3A_267 = vector.shape_cast %get3A_266 : vector<1x1024x1x128xf32> to vector<1024x128xf32>
    %dot_general3A_268 = arith.constant dense<0.000000e+00> : vector<1024x30xf32>
    %dot_general3A_269 = tpu.matmul %get3A_267, %get3A_3, %dot_general3A_268 {dimension_numbers = #tpu.dot_dimension_numbers<[1], [1], [0], [0], [0, 0, 1, 0], [], []>, transpose_lhs_hint = false} : vector<1024x128xf32>, vector<30x128xf32>, vector<1024x30xf32> -> vector<1024x30xf32>
    %add3A_270 = vector.broadcast %get3A_13 : vector<1x30xf32> to vector<1024x30xf32>
    %add3A_271 = arith.addf %dot_general3A_269, %add3A_270 : vector<1024x30xf32>
    %dot_general3A_272 = arith.constant dense<0.000000e+00> : vector<1024x30xf32>
    %dot_general3A_273 = tpu.matmul %add3A_254, %get3A_8, %dot_general3A_272 {dimension_numbers = #tpu.dot_dimension_numbers<[1], [1], [0], [0], [0, 0, 1, 0], [], []>, transpose_lhs_hint = false} : vector<1024x10xf32>, vector<30x10xf32>, vector<1024x30xf32> -> vector<1024x30xf32>
    %add3A_274 = vector.broadcast %get3A_18 : vector<1x30xf32> to vector<1024x30xf32>
    %add3A_275 = arith.addf %dot_general3A_273, %add3A_274 : vector<1024x30xf32>
    %slice3A_276 = vector.extract_strided_slice %add3A_271 {offsets = [0, 0], sizes = [1024, 10], strides = [1, 1]} : vector<1024x30xf32> to vector<1024x10xf32>
    %slice3A_277 = vector.extract_strided_slice %add3A_275 {offsets = [0, 0], sizes = [1024, 10], strides = [1, 1]} : vector<1024x30xf32> to vector<1024x10xf32>
    %add3A_278 = arith.addf %slice3A_276, %slice3A_277 : vector<1024x10xf32>
    %logistic3A_279 = arith.negf %add3A_278 : vector<1024x10xf32>
    %logistic3A_280 = math.exp %logistic3A_279 : vector<1024x10xf32>
    %logistic3A_281 = arith.constant 1.000000e+00 : f32
    %logistic3A_282 = vector.broadcast %logistic3A_281 : f32 to vector<1024x10xf32>
    %logistic3A_283 = arith.addf %logistic3A_282, %logistic3A_280 : vector<1024x10xf32>
    %logistic3A_284 = arith.divf %logistic3A_282, %logistic3A_283 : vector<1024x10xf32>
    %slice3A_285 = vector.extract_strided_slice %add3A_271 {offsets = [0, 10], sizes = [1024, 10], strides = [1, 1]} : vector<1024x30xf32> to vector<1024x10xf32>
    %slice3A_286 = vector.extract_strided_slice %add3A_275 {offsets = [0, 10], sizes = [1024, 10], strides = [1, 1]} : vector<1024x30xf32> to vector<1024x10xf32>
    %add3A_287 = arith.addf %slice3A_285, %slice3A_286 : vector<1024x10xf32>
    %logistic3A_288 = arith.negf %add3A_287 : vector<1024x10xf32>
    %logistic3A_289 = math.exp %logistic3A_288 : vector<1024x10xf32>
    %logistic3A_290 = arith.constant 1.000000e+00 : f32
    %logistic3A_291 = vector.broadcast %logistic3A_290 : f32 to vector<1024x10xf32>
    %logistic3A_292 = arith.addf %logistic3A_291, %logistic3A_289 : vector<1024x10xf32>
    %logistic3A_293 = arith.divf %logistic3A_291, %logistic3A_292 : vector<1024x10xf32>
    %slice3A_294 = vector.extract_strided_slice %add3A_271 {offsets = [0, 20], sizes = [1024, 10], strides = [1, 1]} : vector<1024x30xf32> to vector<1024x10xf32>
    %slice3A_295 = vector.extract_strided_slice %add3A_275 {offsets = [0, 20], sizes = [1024, 10], strides = [1, 1]} : vector<1024x30xf32> to vector<1024x10xf32>
    %mul3A_296 = arith.mulf %logistic3A_284, %slice3A_295 : vector<1024x10xf32>
    %add3A_297 = arith.addf %slice3A_294, %mul3A_296 : vector<1024x10xf32>
    %tanh3A_298 = math.tanh %add3A_297 : vector<1024x10xf32>
    %sub3A_299 = arith.constant 1.000000e+00 : f32
    %sub3A_300 = vector.broadcast %sub3A_299 : f32 to vector<1024x10xf32>
    %sub3A_301 = arith.subf %sub3A_300, %logistic3A_293 : vector<1024x10xf32>
    %mul3A_302 = arith.mulf %sub3A_301, %tanh3A_298 : vector<1024x10xf32>
    %mul3A_303 = arith.mulf %logistic3A_293, %add3A_254 : vector<1024x10xf32>
    %add3A_304 = arith.addf %mul3A_302, %mul3A_303 : vector<1024x10xf32>
    %swap3A_305 = arith.constant 0 : index
    %swap3A_306 = arith.constant 0 : index
    %swap3A_307 = arith.constant 0 : index
    %swap3A_308 = arith.constant 50 : index
    %swap3A_309 = vector.load %arg6[%swap3A_305, %swap3A_306, %swap3A_307, %swap3A_308] : memref<1024x1x1x200xf32, #tpu.memory_space<vmem>>, vector<1024x1x1x10xf32>
    %swap3A_310 = vector.shape_cast %swap3A_309 : vector<1024x1x1x10xf32> to vector<1024x10xf32>
    %swap3A_311 = vector.shape_cast %add3A_304 : vector<1024x10xf32> to vector<1024x1x1x10xf32>
    tpu.vector_store %arg6[%swap3A_305, %swap3A_306, %swap3A_307, %swap3A_308], %swap3A_311 {strides = array<i32>} : memref<1024x1x1x200xf32, #tpu.memory_space<vmem>>, vector<1024x1x1x10xf32>,
    %get3A_312 = arith.constant 0 : index
    %get3A_313 = arith.constant 0 : index
    %get3A_314 = arith.constant 6 : index
    %get3A_315 = arith.constant 0 : index
    %get3A_316 = vector.load %arg1[%get3A_312, %get3A_313, %get3A_314, %get3A_315] : memref<1x1024x20x128xf32, #tpu.memory_space<vmem>>, vector<1x1024x1x128xf32>
    %get3A_317 = vector.shape_cast %get3A_316 : vector<1x1024x1x128xf32> to vector<1024x128xf32>
    %dot_general3A_318 = arith.constant dense<0.000000e+00> : vector<1024x30xf32>
    %dot_general3A_319 = tpu.matmul %get3A_317, %get3A_3, %dot_general3A_318 {dimension_numbers = #tpu.dot_dimension_numbers<[1], [1], [0], [0], [0, 0, 1, 0], [], []>, transpose_lhs_hint = false} : vector<1024x128xf32>, vector<30x128xf32>, vector<1024x30xf32> -> vector<1024x30xf32>
    %add3A_320 = vector.broadcast %get3A_13 : vector<1x30xf32> to vector<1024x30xf32>
    %add3A_321 = arith.addf %dot_general3A_319, %add3A_320 : vector<1024x30xf32>
    %dot_general3A_322 = arith.constant dense<0.000000e+00> : vector<1024x30xf32>
    %dot_general3A_323 = tpu.matmul %add3A_304, %get3A_8, %dot_general3A_322 {dimension_numbers = #tpu.dot_dimension_numbers<[1], [1], [0], [0], [0, 0, 1, 0], [], []>, transpose_lhs_hint = false} : vector<1024x10xf32>, vector<30x10xf32>, vector<1024x30xf32> -> vector<1024x30xf32>
    %add3A_324 = vector.broadcast %get3A_18 : vector<1x30xf32> to vector<1024x30xf32>
    %add3A_325 = arith.addf %dot_general3A_323, %add3A_324 : vector<1024x30xf32>
    %slice3A_326 = vector.extract_strided_slice %add3A_321 {offsets = [0, 0], sizes = [1024, 10], strides = [1, 1]} : vector<1024x30xf32> to vector<1024x10xf32>
    %slice3A_327 = vector.extract_strided_slice %add3A_325 {offsets = [0, 0], sizes = [1024, 10], strides = [1, 1]} : vector<1024x30xf32> to vector<1024x10xf32>
    %add3A_328 = arith.addf %slice3A_326, %slice3A_327 : vector<1024x10xf32>
    %logistic3A_329 = arith.negf %add3A_328 : vector<1024x10xf32>
    %logistic3A_330 = math.exp %logistic3A_329 : vector<1024x10xf32>
    %logistic3A_331 = arith.constant 1.000000e+00 : f32
    %logistic3A_332 = vector.broadcast %logistic3A_331 : f32 to vector<1024x10xf32>
    %logistic3A_333 = arith.addf %logistic3A_332, %logistic3A_330 : vector<1024x10xf32>
    %logistic3A_334 = arith.divf %logistic3A_332, %logistic3A_333 : vector<1024x10xf32>
    %slice3A_335 = vector.extract_strided_slice %add3A_321 {offsets = [0, 10], sizes = [1024, 10], strides = [1, 1]} : vector<1024x30xf32> to vector<1024x10xf32>
    %slice3A_336 = vector.extract_strided_slice %add3A_325 {offsets = [0, 10], sizes = [1024, 10], strides = [1, 1]} : vector<1024x30xf32> to vector<1024x10xf32>
    %add3A_337 = arith.addf %slice3A_335, %slice3A_336 : vector<1024x10xf32>
    %logistic3A_338 = arith.negf %add3A_337 : vector<1024x10xf32>
    %logistic3A_339 = math.exp %logistic3A_338 : vector<1024x10xf32>
    %logistic3A_340 = arith.constant 1.000000e+00 : f32
    %logistic3A_341 = vector.broadcast %logistic3A_340 : f32 to vector<1024x10xf32>
    %logistic3A_342 = arith.addf %logistic3A_341, %logistic3A_339 : vector<1024x10xf32>
    %logistic3A_343 = arith.divf %logistic3A_341, %logistic3A_342 : vector<1024x10xf32>
    %slice3A_344 = vector.extract_strided_slice %add3A_321 {offsets = [0, 20], sizes = [1024, 10], strides = [1, 1]} : vector<1024x30xf32> to vector<1024x10xf32>
    %slice3A_345 = vector.extract_strided_slice %add3A_325 {offsets = [0, 20], sizes = [1024, 10], strides = [1, 1]} : vector<1024x30xf32> to vector<1024x10xf32>
    %mul3A_346 = arith.mulf %logistic3A_334, %slice3A_345 : vector<1024x10xf32>
    %add3A_347 = arith.addf %slice3A_344, %mul3A_346 : vector<1024x10xf32>
    %tanh3A_348 = math.tanh %add3A_347 : vector<1024x10xf32>
    %sub3A_349 = arith.constant 1.000000e+00 : f32
    %sub3A_350 = vector.broadcast %sub3A_349 : f32 to vector<1024x10xf32>
    %sub3A_351 = arith.subf %sub3A_350, %logistic3A_343 : vector<1024x10xf32>
    %mul3A_352 = arith.mulf %sub3A_351, %tanh3A_348 : vector<1024x10xf32>
    %mul3A_353 = arith.mulf %logistic3A_343, %add3A_304 : vector<1024x10xf32>
    %add3A_354 = arith.addf %mul3A_352, %mul3A_353 : vector<1024x10xf32>
    %swap3A_355 = arith.constant 0 : index
    %swap3A_356 = arith.constant 0 : index
    %swap3A_357 = arith.constant 0 : index
    %swap3A_358 = arith.constant 60 : index
    %swap3A_359 = vector.load %arg6[%swap3A_355, %swap3A_356, %swap3A_357, %swap3A_358] : memref<1024x1x1x200xf32, #tpu.memory_space<vmem>>, vector<1024x1x1x10xf32>
    %swap3A_360 = vector.shape_cast %swap3A_359 : vector<1024x1x1x10xf32> to vector<1024x10xf32>
    %swap3A_361 = vector.shape_cast %add3A_354 : vector<1024x10xf32> to vector<1024x1x1x10xf32>
    tpu.vector_store %arg6[%swap3A_355, %swap3A_356, %swap3A_357, %swap3A_358], %swap3A_361 {strides = array<i32>} : memref<1024x1x1x200xf32, #tpu.memory_space<vmem>>, vector<1024x1x1x10xf32>,
    %get3A_362 = arith.constant 0 : index
    %get3A_363 = arith.constant 0 : index
    %get3A_364 = arith.constant 7 : index
    %get3A_365 = arith.constant 0 : index
    %get3A_366 = vector.load %arg1[%get3A_362, %get3A_363, %get3A_364, %get3A_365] : memref<1x1024x20x128xf32, #tpu.memory_space<vmem>>, vector<1x1024x1x128xf32>
    %get3A_367 = vector.shape_cast %get3A_366 : vector<1x1024x1x128xf32> to vector<1024x128xf32>
    %dot_general3A_368 = arith.constant dense<0.000000e+00> : vector<1024x30xf32>
    %dot_general3A_369 = tpu.matmul %get3A_367, %get3A_3, %dot_general3A_368 {dimension_numbers = #tpu.dot_dimension_numbers<[1], [1], [0], [0], [0, 0, 1, 0], [], []>, transpose_lhs_hint = false} : vector<1024x128xf32>, vector<30x128xf32>, vector<1024x30xf32> -> vector<1024x30xf32>
    %add3A_370 = vector.broadcast %get3A_13 : vector<1x30xf32> to vector<1024x30xf32>
    %add3A_371 = arith.addf %dot_general3A_369, %add3A_370 : vector<1024x30xf32>
    %dot_general3A_372 = arith.constant dense<0.000000e+00> : vector<1024x30xf32>
    %dot_general3A_373 = tpu.matmul %add3A_354, %get3A_8, %dot_general3A_372 {dimension_numbers = #tpu.dot_dimension_numbers<[1], [1], [0], [0], [0, 0, 1, 0], [], []>, transpose_lhs_hint = false} : vector<1024x10xf32>, vector<30x10xf32>, vector<1024x30xf32> -> vector<1024x30xf32>
    %add3A_374 = vector.broadcast %get3A_18 : vector<1x30xf32> to vector<1024x30xf32>
    %add3A_375 = arith.addf %dot_general3A_373, %add3A_374 : vector<1024x30xf32>
    %slice3A_376 = vector.extract_strided_slice %add3A_371 {offsets = [0, 0], sizes = [1024, 10], strides = [1, 1]} : vector<1024x30xf32> to vector<1024x10xf32>
    %slice3A_377 = vector.extract_strided_slice %add3A_375 {offsets = [0, 0], sizes = [1024, 10], strides = [1, 1]} : vector<1024x30xf32> to vector<1024x10xf32>
    %add3A_378 = arith.addf %slice3A_376, %slice3A_377 : vector<1024x10xf32>
    %logistic3A_379 = arith.negf %add3A_378 : vector<1024x10xf32>
    %logistic3A_380 = math.exp %logistic3A_379 : vector<1024x10xf32>
    %logistic3A_381 = arith.constant 1.000000e+00 : f32
    %logistic3A_382 = vector.broadcast %logistic3A_381 : f32 to vector<1024x10xf32>
    %logistic3A_383 = arith.addf %logistic3A_382, %logistic3A_380 : vector<1024x10xf32>
    %logistic3A_384 = arith.divf %logistic3A_382, %logistic3A_383 : vector<1024x10xf32>
    %slice3A_385 = vector.extract_strided_slice %add3A_371 {offsets = [0, 10], sizes = [1024, 10], strides = [1, 1]} : vector<1024x30xf32> to vector<1024x10xf32>
    %slice3A_386 = vector.extract_strided_slice %add3A_375 {offsets = [0, 10], sizes = [1024, 10], strides = [1, 1]} : vector<1024x30xf32> to vector<1024x10xf32>
    %add3A_387 = arith.addf %slice3A_385, %slice3A_386 : vector<1024x10xf32>
    %logistic3A_388 = arith.negf %add3A_387 : vector<1024x10xf32>
    %logistic3A_389 = math.exp %logistic3A_388 : vector<1024x10xf32>
    %logistic3A_390 = arith.constant 1.000000e+00 : f32
    %logistic3A_391 = vector.broadcast %logistic3A_390 : f32 to vector<1024x10xf32>
    %logistic3A_392 = arith.addf %logistic3A_391, %logistic3A_389 : vector<1024x10xf32>
    %logistic3A_393 = arith.divf %logistic3A_391, %logistic3A_392 : vector<1024x10xf32>
    %slice3A_394 = vector.extract_strided_slice %add3A_371 {offsets = [0, 20], sizes = [1024, 10], strides = [1, 1]} : vector<1024x30xf32> to vector<1024x10xf32>
    %slice3A_395 = vector.extract_strided_slice %add3A_375 {offsets = [0, 20], sizes = [1024, 10], strides = [1, 1]} : vector<1024x30xf32> to vector<1024x10xf32>
    %mul3A_396 = arith.mulf %logistic3A_384, %slice3A_395 : vector<1024x10xf32>
    %add3A_397 = arith.addf %slice3A_394, %mul3A_396 : vector<1024x10xf32>
    %tanh3A_398 = math.tanh %add3A_397 : vector<1024x10xf32>
    %sub3A_399 = arith.constant 1.000000e+00 : f32
    %sub3A_400 = vector.broadcast %sub3A_399 : f32 to vector<1024x10xf32>
    %sub3A_401 = arith.subf %sub3A_400, %logistic3A_393 : vector<1024x10xf32>
    %mul3A_402 = arith.mulf %sub3A_401, %tanh3A_398 : vector<1024x10xf32>
    %mul3A_403 = arith.mulf %logistic3A_393, %add3A_354 : vector<1024x10xf32>
    %add3A_404 = arith.addf %mul3A_402, %mul3A_403 : vector<1024x10xf32>
    %swap3A_405 = arith.constant 0 : index
    %swap3A_406 = arith.constant 0 : index
    %swap3A_407 = arith.constant 0 : index
    %swap3A_408 = arith.constant 70 : index
    %swap3A_409 = vector.load %arg6[%swap3A_405, %swap3A_406, %swap3A_407, %swap3A_408] : memref<1024x1x1x200xf32, #tpu.memory_space<vmem>>, vector<1024x1x1x10xf32>
    %swap3A_410 = vector.shape_cast %swap3A_409 : vector<1024x1x1x10xf32> to vector<1024x10xf32>
    %swap3A_411 = vector.shape_cast %add3A_404 : vector<1024x10xf32> to vector<1024x1x1x10xf32>
    tpu.vector_store %arg6[%swap3A_405, %swap3A_406, %swap3A_407, %swap3A_408], %swap3A_411 {strides = array<i32>} : memref<1024x1x1x200xf32, #tpu.memory_space<vmem>>, vector<1024x1x1x10xf32>,
    %get3A_412 = arith.constant 0 : index
    %get3A_413 = arith.constant 0 : index
    %get3A_414 = arith.constant 8 : index
    %get3A_415 = arith.constant 0 : index
    %get3A_416 = vector.load %arg1[%get3A_412, %get3A_413, %get3A_414, %get3A_415] : memref<1x1024x20x128xf32, #tpu.memory_space<vmem>>, vector<1x1024x1x128xf32>
    %get3A_417 = vector.shape_cast %get3A_416 : vector<1x1024x1x128xf32> to vector<1024x128xf32>
    %dot_general3A_418 = arith.constant dense<0.000000e+00> : vector<1024x30xf32>
    %dot_general3A_419 = tpu.matmul %get3A_417, %get3A_3, %dot_general3A_418 {dimension_numbers = #tpu.dot_dimension_numbers<[1], [1], [0], [0], [0, 0, 1, 0], [], []>, transpose_lhs_hint = false} : vector<1024x128xf32>, vector<30x128xf32>, vector<1024x30xf32> -> vector<1024x30xf32>
    %add3A_420 = vector.broadcast %get3A_13 : vector<1x30xf32> to vector<1024x30xf32>
    %add3A_421 = arith.addf %dot_general3A_419, %add3A_420 : vector<1024x30xf32>
    %dot_general3A_422 = arith.constant dense<0.000000e+00> : vector<1024x30xf32>
    %dot_general3A_423 = tpu.matmul %add3A_404, %get3A_8, %dot_general3A_422 {dimension_numbers = #tpu.dot_dimension_numbers<[1], [1], [0], [0], [0, 0, 1, 0], [], []>, transpose_lhs_hint = false} : vector<1024x10xf32>, vector<30x10xf32>, vector<1024x30xf32> -> vector<1024x30xf32>
    %add3A_424 = vector.broadcast %get3A_18 : vector<1x30xf32> to vector<1024x30xf32>
    %add3A_425 = arith.addf %dot_general3A_423, %add3A_424 : vector<1024x30xf32>
    %slice3A_426 = vector.extract_strided_slice %add3A_421 {offsets = [0, 0], sizes = [1024, 10], strides = [1, 1]} : vector<1024x30xf32> to vector<1024x10xf32>
    %slice3A_427 = vector.extract_strided_slice %add3A_425 {offsets = [0, 0], sizes = [1024, 10], strides = [1, 1]} : vector<1024x30xf32> to vector<1024x10xf32>
    %add3A_428 = arith.addf %slice3A_426, %slice3A_427 : vector<1024x10xf32>
    %logistic3A_429 = arith.negf %add3A_428 : vector<1024x10xf32>
    %logistic3A_430 = math.exp %logistic3A_429 : vector<1024x10xf32>
    %logistic3A_431 = arith.constant 1.000000e+00 : f32
    %logistic3A_432 = vector.broadcast %logistic3A_431 : f32 to vector<1024x10xf32>
    %logistic3A_433 = arith.addf %logistic3A_432, %logistic3A_430 : vector<1024x10xf32>
    %logistic3A_434 = arith.divf %logistic3A_432, %logistic3A_433 : vector<1024x10xf32>
    %slice3A_435 = vector.extract_strided_slice %add3A_421 {offsets = [0, 10], sizes = [1024, 10], strides = [1, 1]} : vector<1024x30xf32> to vector<1024x10xf32>
    %slice3A_436 = vector.extract_strided_slice %add3A_425 {offsets = [0, 10], sizes = [1024, 10], strides = [1, 1]} : vector<1024x30xf32> to vector<1024x10xf32>
    %add3A_437 = arith.addf %slice3A_435, %slice3A_436 : vector<1024x10xf32>
    %logistic3A_438 = arith.negf %add3A_437 : vector<1024x10xf32>
    %logistic3A_439 = math.exp %logistic3A_438 : vector<1024x10xf32>
    %logistic3A_440 = arith.constant 1.000000e+00 : f32
    %logistic3A_441 = vector.broadcast %logistic3A_440 : f32 to vector<1024x10xf32>
    %logistic3A_442 = arith.addf %logistic3A_441, %logistic3A_439 : vector<1024x10xf32>
    %logistic3A_443 = arith.divf %logistic3A_441, %logistic3A_442 : vector<1024x10xf32>
    %slice3A_444 = vector.extract_strided_slice %add3A_421 {offsets = [0, 20], sizes = [1024, 10], strides = [1, 1]} : vector<1024x30xf32> to vector<1024x10xf32>
    %slice3A_445 = vector.extract_strided_slice %add3A_425 {offsets = [0, 20], sizes = [1024, 10], strides = [1, 1]} : vector<1024x30xf32> to vector<1024x10xf32>
    %mul3A_446 = arith.mulf %logistic3A_434, %slice3A_445 : vector<1024x10xf32>
    %add3A_447 = arith.addf %slice3A_444, %mul3A_446 : vector<1024x10xf32>
    %tanh3A_448 = math.tanh %add3A_447 : vector<1024x10xf32>
    %sub3A_449 = arith.constant 1.000000e+00 : f32
    %sub3A_450 = vector.broadcast %sub3A_449 : f32 to vector<1024x10xf32>
    %sub3A_451 = arith.subf %sub3A_450, %logistic3A_443 : vector<1024x10xf32>
    %mul3A_452 = arith.mulf %sub3A_451, %tanh3A_448 : vector<1024x10xf32>
    %mul3A_453 = arith.mulf %logistic3A_443, %add3A_404 : vector<1024x10xf32>
    %add3A_454 = arith.addf %mul3A_452, %mul3A_453 : vector<1024x10xf32>
    %swap3A_455 = arith.constant 0 : index
    %swap3A_456 = arith.constant 0 : index
    %swap3A_457 = arith.constant 0 : index
    %swap3A_458 = arith.constant 80 : index
    %swap3A_459 = vector.load %arg6[%swap3A_455, %swap3A_456, %swap3A_457, %swap3A_458] : memref<1024x1x1x200xf32, #tpu.memory_space<vmem>>, vector<1024x1x1x10xf32>
    %swap3A_460 = vector.shape_cast %swap3A_459 : vector<1024x1x1x10xf32> to vector<1024x10xf32>
    %swap3A_461 = vector.shape_cast %add3A_454 : vector<1024x10xf32> to vector<1024x1x1x10xf32>
    tpu.vector_store %arg6[%swap3A_455, %swap3A_456, %swap3A_457, %swap3A_458], %swap3A_461 {strides = array<i32>} : memref<1024x1x1x200xf32, #tpu.memory_space<vmem>>, vector<1024x1x1x10xf32>,
    %get3A_462 = arith.constant 0 : index
    %get3A_463 = arith.constant 0 : index
    %get3A_464 = arith.constant 9 : index
    %get3A_465 = arith.constant 0 : index
    %get3A_466 = vector.load %arg1[%get3A_462, %get3A_463, %get3A_464, %get3A_465] : memref<1x1024x20x128xf32, #tpu.memory_space<vmem>>, vector<1x1024x1x128xf32>
    %get3A_467 = vector.shape_cast %get3A_466 : vector<1x1024x1x128xf32> to vector<1024x128xf32>
    %dot_general3A_468 = arith.constant dense<0.000000e+00> : vector<1024x30xf32>
    %dot_general3A_469 = tpu.matmul %get3A_467, %get3A_3, %dot_general3A_468 {dimension_numbers = #tpu.dot_dimension_numbers<[1], [1], [0], [0], [0, 0, 1, 0], [], []>, transpose_lhs_hint = false} : vector<1024x128xf32>, vector<30x128xf32>, vector<1024x30xf32> -> vector<1024x30xf32>
    %add3A_470 = vector.broadcast %get3A_13 : vector<1x30xf32> to vector<1024x30xf32>
    %add3A_471 = arith.addf %dot_general3A_469, %add3A_470 : vector<1024x30xf32>
    %dot_general3A_472 = arith.constant dense<0.000000e+00> : vector<1024x30xf32>
    %dot_general3A_473 = tpu.matmul %add3A_454, %get3A_8, %dot_general3A_472 {dimension_numbers = #tpu.dot_dimension_numbers<[1], [1], [0], [0], [0, 0, 1, 0], [], []>, transpose_lhs_hint = false} : vector<1024x10xf32>, vector<30x10xf32>, vector<1024x30xf32> -> vector<1024x30xf32>
    %add3A_474 = vector.broadcast %get3A_18 : vector<1x30xf32> to vector<1024x30xf32>
    %add3A_475 = arith.addf %dot_general3A_473, %add3A_474 : vector<1024x30xf32>
    %slice3A_476 = vector.extract_strided_slice %add3A_471 {offsets = [0, 0], sizes = [1024, 10], strides = [1, 1]} : vector<1024x30xf32> to vector<1024x10xf32>
    %slice3A_477 = vector.extract_strided_slice %add3A_475 {offsets = [0, 0], sizes = [1024, 10], strides = [1, 1]} : vector<1024x30xf32> to vector<1024x10xf32>
    %add3A_478 = arith.addf %slice3A_476, %slice3A_477 : vector<1024x10xf32>
    %logistic3A_479 = arith.negf %add3A_478 : vector<1024x10xf32>
    %logistic3A_480 = math.exp %logistic3A_479 : vector<1024x10xf32>
    %logistic3A_481 = arith.constant 1.000000e+00 : f32
    %logistic3A_482 = vector.broadcast %logistic3A_481 : f32 to vector<1024x10xf32>
    %logistic3A_483 = arith.addf %logistic3A_482, %logistic3A_480 : vector<1024x10xf32>
    %logistic3A_484 = arith.divf %logistic3A_482, %logistic3A_483 : vector<1024x10xf32>
    %slice3A_485 = vector.extract_strided_slice %add3A_471 {offsets = [0, 10], sizes = [1024, 10], strides = [1, 1]} : vector<1024x30xf32> to vector<1024x10xf32>
    %slice3A_486 = vector.extract_strided_slice %add3A_475 {offsets = [0, 10], sizes = [1024, 10], strides = [1, 1]} : vector<1024x30xf32> to vector<1024x10xf32>
    %add3A_487 = arith.addf %slice3A_485, %slice3A_486 : vector<1024x10xf32>
    %logistic3A_488 = arith.negf %add3A_487 : vector<1024x10xf32>
    %logistic3A_489 = math.exp %logistic3A_488 : vector<1024x10xf32>
    %logistic3A_490 = arith.constant 1.000000e+00 : f32
    %logistic3A_491 = vector.broadcast %logistic3A_490 : f32 to vector<1024x10xf32>
    %logistic3A_492 = arith.addf %logistic3A_491, %logistic3A_489 : vector<1024x10xf32>
    %logistic3A_493 = arith.divf %logistic3A_491, %logistic3A_492 : vector<1024x10xf32>
    %slice3A_494 = vector.extract_strided_slice %add3A_471 {offsets = [0, 20], sizes = [1024, 10], strides = [1, 1]} : vector<1024x30xf32> to vector<1024x10xf32>
    %slice3A_495 = vector.extract_strided_slice %add3A_475 {offsets = [0, 20], sizes = [1024, 10], strides = [1, 1]} : vector<1024x30xf32> to vector<1024x10xf32>
    %mul3A_496 = arith.mulf %logistic3A_484, %slice3A_495 : vector<1024x10xf32>
    %add3A_497 = arith.addf %slice3A_494, %mul3A_496 : vector<1024x10xf32>
    %tanh3A_498 = math.tanh %add3A_497 : vector<1024x10xf32>
    %sub3A_499 = arith.constant 1.000000e+00 : f32
    %sub3A_500 = vector.broadcast %sub3A_499 : f32 to vector<1024x10xf32>
    %sub3A_501 = arith.subf %sub3A_500, %logistic3A_493 : vector<1024x10xf32>
    %mul3A_502 = arith.mulf %sub3A_501, %tanh3A_498 : vector<1024x10xf32>
    %mul3A_503 = arith.mulf %logistic3A_493, %add3A_454 : vector<1024x10xf32>
    %add3A_504 = arith.addf %mul3A_502, %mul3A_503 : vector<1024x10xf32>
    %swap3A_505 = arith.constant 0 : index
    %swap3A_506 = arith.constant 0 : index
    %swap3A_507 = arith.constant 0 : index
    %swap3A_508 = arith.constant 90 : index
    %swap3A_509 = vector.load %arg6[%swap3A_505, %swap3A_506, %swap3A_507, %swap3A_508] : memref<1024x1x1x200xf32, #tpu.memory_space<vmem>>, vector<1024x1x1x10xf32>
    %swap3A_510 = vector.shape_cast %swap3A_509 : vector<1024x1x1x10xf32> to vector<1024x10xf32>
    %swap3A_511 = vector.shape_cast %add3A_504 : vector<1024x10xf32> to vector<1024x1x1x10xf32>
    tpu.vector_store %arg6[%swap3A_505, %swap3A_506, %swap3A_507, %swap3A_508], %swap3A_511 {strides = array<i32>} : memref<1024x1x1x200xf32, #tpu.memory_space<vmem>>, vector<1024x1x1x10xf32>,
    %get3A_512 = arith.constant 0 : index
    %get3A_513 = arith.constant 0 : index
    %get3A_514 = arith.constant 10 : index
    %get3A_515 = arith.constant 0 : index
    %get3A_516 = vector.load %arg1[%get3A_512, %get3A_513, %get3A_514, %get3A_515] : memref<1x1024x20x128xf32, #tpu.memory_space<vmem>>, vector<1x1024x1x128xf32>
    %get3A_517 = vector.shape_cast %get3A_516 : vector<1x1024x1x128xf32> to vector<1024x128xf32>
    %dot_general3A_518 = arith.constant dense<0.000000e+00> : vector<1024x30xf32>
    %dot_general3A_519 = tpu.matmul %get3A_517, %get3A_3, %dot_general3A_518 {dimension_numbers = #tpu.dot_dimension_numbers<[1], [1], [0], [0], [0, 0, 1, 0], [], []>, transpose_lhs_hint = false} : vector<1024x128xf32>, vector<30x128xf32>, vector<1024x30xf32> -> vector<1024x30xf32>
    %add3A_520 = vector.broadcast %get3A_13 : vector<1x30xf32> to vector<1024x30xf32>
    %add3A_521 = arith.addf %dot_general3A_519, %add3A_520 : vector<1024x30xf32>
    %dot_general3A_522 = arith.constant dense<0.000000e+00> : vector<1024x30xf32>
    %dot_general3A_523 = tpu.matmul %add3A_504, %get3A_8, %dot_general3A_522 {dimension_numbers = #tpu.dot_dimension_numbers<[1], [1], [0], [0], [0, 0, 1, 0], [], []>, transpose_lhs_hint = false} : vector<1024x10xf32>, vector<30x10xf32>, vector<1024x30xf32> -> vector<1024x30xf32>
    %add3A_524 = vector.broadcast %get3A_18 : vector<1x30xf32> to vector<1024x30xf32>
    %add3A_525 = arith.addf %dot_general3A_523, %add3A_524 : vector<1024x30xf32>
    %slice3A_526 = vector.extract_strided_slice %add3A_521 {offsets = [0, 0], sizes = [1024, 10], strides = [1, 1]} : vector<1024x30xf32> to vector<1024x10xf32>
    %slice3A_527 = vector.extract_strided_slice %add3A_525 {offsets = [0, 0], sizes = [1024, 10], strides = [1, 1]} : vector<1024x30xf32> to vector<1024x10xf32>
    %add3A_528 = arith.addf %slice3A_526, %slice3A_527 : vector<1024x10xf32>
    %logistic3A_529 = arith.negf %add3A_528 : vector<1024x10xf32>
    %logistic3A_530 = math.exp %logistic3A_529 : vector<1024x10xf32>
    %logistic3A_531 = arith.constant 1.000000e+00 : f32
    %logistic3A_532 = vector.broadcast %logistic3A_531 : f32 to vector<1024x10xf32>
    %logistic3A_533 = arith.addf %logistic3A_532, %logistic3A_530 : vector<1024x10xf32>
    %logistic3A_534 = arith.divf %logistic3A_532, %logistic3A_533 : vector<1024x10xf32>
    %slice3A_535 = vector.extract_strided_slice %add3A_521 {offsets = [0, 10], sizes = [1024, 10], strides = [1, 1]} : vector<1024x30xf32> to vector<1024x10xf32>
    %slice3A_536 = vector.extract_strided_slice %add3A_525 {offsets = [0, 10], sizes = [1024, 10], strides = [1, 1]} : vector<1024x30xf32> to vector<1024x10xf32>
    %add3A_537 = arith.addf %slice3A_535, %slice3A_536 : vector<1024x10xf32>
    %logistic3A_538 = arith.negf %add3A_537 : vector<1024x10xf32>
    %logistic3A_539 = math.exp %logistic3A_538 : vector<1024x10xf32>
    %logistic3A_540 = arith.constant 1.000000e+00 : f32
    %logistic3A_541 = vector.broadcast %logistic3A_540 : f32 to vector<1024x10xf32>
    %logistic3A_542 = arith.addf %logistic3A_541, %logistic3A_539 : vector<1024x10xf32>
    %logistic3A_543 = arith.divf %logistic3A_541, %logistic3A_542 : vector<1024x10xf32>
    %slice3A_544 = vector.extract_strided_slice %add3A_521 {offsets = [0, 20], sizes = [1024, 10], strides = [1, 1]} : vector<1024x30xf32> to vector<1024x10xf32>
    %slice3A_545 = vector.extract_strided_slice %add3A_525 {offsets = [0, 20], sizes = [1024, 10], strides = [1, 1]} : vector<1024x30xf32> to vector<1024x10xf32>
    %mul3A_546 = arith.mulf %logistic3A_534, %slice3A_545 : vector<1024x10xf32>
    %add3A_547 = arith.addf %slice3A_544, %mul3A_546 : vector<1024x10xf32>
    %tanh3A_548 = math.tanh %add3A_547 : vector<1024x10xf32>
    %sub3A_549 = arith.constant 1.000000e+00 : f32
    %sub3A_550 = vector.broadcast %sub3A_549 : f32 to vector<1024x10xf32>
    %sub3A_551 = arith.subf %sub3A_550, %logistic3A_543 : vector<1024x10xf32>
    %mul3A_552 = arith.mulf %sub3A_551, %tanh3A_548 : vector<1024x10xf32>
    %mul3A_553 = arith.mulf %logistic3A_543, %add3A_504 : vector<1024x10xf32>
    %add3A_554 = arith.addf %mul3A_552, %mul3A_553 : vector<1024x10xf32>
    %swap3A_555 = arith.constant 0 : index
    %swap3A_556 = arith.constant 0 : index
    %swap3A_557 = arith.constant 0 : index
    %swap3A_558 = arith.constant 100 : index
    %swap3A_559 = vector.load %arg6[%swap3A_555, %swap3A_556, %swap3A_557, %swap3A_558] : memref<1024x1x1x200xf32, #tpu.memory_space<vmem>>, vector<1024x1x1x10xf32>
    %swap3A_560 = vector.shape_cast %swap3A_559 : vector<1024x1x1x10xf32> to vector<1024x10xf32>
    %swap3A_561 = vector.shape_cast %add3A_554 : vector<1024x10xf32> to vector<1024x1x1x10xf32>
    tpu.vector_store %arg6[%swap3A_555, %swap3A_556, %swap3A_557, %swap3A_558], %swap3A_561 {strides = array<i32>} : memref<1024x1x1x200xf32, #tpu.memory_space<vmem>>, vector<1024x1x1x10xf32>,
    %get3A_562 = arith.constant 0 : index
    %get3A_563 = arith.constant 0 : index
    %get3A_564 = arith.constant 11 : index
    %get3A_565 = arith.constant 0 : index
    %get3A_566 = vector.load %arg1[%get3A_562, %get3A_563, %get3A_564, %get3A_565] : memref<1x1024x20x128xf32, #tpu.memory_space<vmem>>, vector<1x1024x1x128xf32>
    %get3A_567 = vector.shape_cast %get3A_566 : vector<1x1024x1x128xf32> to vector<1024x128xf32>
    %dot_general3A_568 = arith.constant dense<0.000000e+00> : vector<1024x30xf32>
    %dot_general3A_569 = tpu.matmul %get3A_567, %get3A_3, %dot_general3A_568 {dimension_numbers = #tpu.dot_dimension_numbers<[1], [1], [0], [0], [0, 0, 1, 0], [], []>, transpose_lhs_hint = false} : vector<1024x128xf32>, vector<30x128xf32>, vector<1024x30xf32> -> vector<1024x30xf32>
    %add3A_570 = vector.broadcast %get3A_13 : vector<1x30xf32> to vector<1024x30xf32>
    %add3A_571 = arith.addf %dot_general3A_569, %add3A_570 : vector<1024x30xf32>
    %dot_general3A_572 = arith.constant dense<0.000000e+00> : vector<1024x30xf32>
    %dot_general3A_573 = tpu.matmul %add3A_554, %get3A_8, %dot_general3A_572 {dimension_numbers = #tpu.dot_dimension_numbers<[1], [1], [0], [0], [0, 0, 1, 0], [], []>, transpose_lhs_hint = false} : vector<1024x10xf32>, vector<30x10xf32>, vector<1024x30xf32> -> vector<1024x30xf32>
    %add3A_574 = vector.broadcast %get3A_18 : vector<1x30xf32> to vector<1024x30xf32>
    %add3A_575 = arith.addf %dot_general3A_573, %add3A_574 : vector<1024x30xf32>
    %slice3A_576 = vector.extract_strided_slice %add3A_571 {offsets = [0, 0], sizes = [1024, 10], strides = [1, 1]} : vector<1024x30xf32> to vector<1024x10xf32>
    %slice3A_577 = vector.extract_strided_slice %add3A_575 {offsets = [0, 0], sizes = [1024, 10], strides = [1, 1]} : vector<1024x30xf32> to vector<1024x10xf32>
    %add3A_578 = arith.addf %slice3A_576, %slice3A_577 : vector<1024x10xf32>
    %logistic3A_579 = arith.negf %add3A_578 : vector<1024x10xf32>
    %logistic3A_580 = math.exp %logistic3A_579 : vector<1024x10xf32>
    %logistic3A_581 = arith.constant 1.000000e+00 : f32
    %logistic3A_582 = vector.broadcast %logistic3A_581 : f32 to vector<1024x10xf32>
    %logistic3A_583 = arith.addf %logistic3A_582, %logistic3A_580 : vector<1024x10xf32>
    %logistic3A_584 = arith.divf %logistic3A_582, %logistic3A_583 : vector<1024x10xf32>
    %slice3A_585 = vector.extract_strided_slice %add3A_571 {offsets = [0, 10], sizes = [1024, 10], strides = [1, 1]} : vector<1024x30xf32> to vector<1024x10xf32>
    %slice3A_586 = vector.extract_strided_slice %add3A_575 {offsets = [0, 10], sizes = [1024, 10], strides = [1, 1]} : vector<1024x30xf32> to vector<1024x10xf32>
    %add3A_587 = arith.addf %slice3A_585, %slice3A_586 : vector<1024x10xf32>
    %logistic3A_588 = arith.negf %add3A_587 : vector<1024x10xf32>
    %logistic3A_589 = math.exp %logistic3A_588 : vector<1024x10xf32>
    %logistic3A_590 = arith.constant 1.000000e+00 : f32
    %logistic3A_591 = vector.broadcast %logistic3A_590 : f32 to vector<1024x10xf32>
    %logistic3A_592 = arith.addf %logistic3A_591, %logistic3A_589 : vector<1024x10xf32>
    %logistic3A_593 = arith.divf %logistic3A_591, %logistic3A_592 : vector<1024x10xf32>
    %slice3A_594 = vector.extract_strided_slice %add3A_571 {offsets = [0, 20], sizes = [1024, 10], strides = [1, 1]} : vector<1024x30xf32> to vector<1024x10xf32>
    %slice3A_595 = vector.extract_strided_slice %add3A_575 {offsets = [0, 20], sizes = [1024, 10], strides = [1, 1]} : vector<1024x30xf32> to vector<1024x10xf32>
    %mul3A_596 = arith.mulf %logistic3A_584, %slice3A_595 : vector<1024x10xf32>
    %add3A_597 = arith.addf %slice3A_594, %mul3A_596 : vector<1024x10xf32>
    %tanh3A_598 = math.tanh %add3A_597 : vector<1024x10xf32>
    %sub3A_599 = arith.constant 1.000000e+00 : f32
    %sub3A_600 = vector.broadcast %sub3A_599 : f32 to vector<1024x10xf32>
    %sub3A_601 = arith.subf %sub3A_600, %logistic3A_593 : vector<1024x10xf32>
    %mul3A_602 = arith.mulf %sub3A_601, %tanh3A_598 : vector<1024x10xf32>
    %mul3A_603 = arith.mulf %logistic3A_593, %add3A_554 : vector<1024x10xf32>
    %add3A_604 = arith.addf %mul3A_602, %mul3A_603 : vector<1024x10xf32>
    %swap3A_605 = arith.constant 0 : index
    %swap3A_606 = arith.constant 0 : index
    %swap3A_607 = arith.constant 0 : index
    %swap3A_608 = arith.constant 110 : index
    %swap3A_609 = vector.load %arg6[%swap3A_605, %swap3A_606, %swap3A_607, %swap3A_608] : memref<1024x1x1x200xf32, #tpu.memory_space<vmem>>, vector<1024x1x1x10xf32>
    %swap3A_610 = vector.shape_cast %swap3A_609 : vector<1024x1x1x10xf32> to vector<1024x10xf32>
    %swap3A_611 = vector.shape_cast %add3A_604 : vector<1024x10xf32> to vector<1024x1x1x10xf32>
    tpu.vector_store %arg6[%swap3A_605, %swap3A_606, %swap3A_607, %swap3A_608], %swap3A_611 {strides = array<i32>} : memref<1024x1x1x200xf32, #tpu.memory_space<vmem>>, vector<1024x1x1x10xf32>,
    %get3A_612 = arith.constant 0 : index
    %get3A_613 = arith.constant 0 : index
    %get3A_614 = arith.constant 12 : index
    %get3A_615 = arith.constant 0 : index
    %get3A_616 = vector.load %arg1[%get3A_612, %get3A_613, %get3A_614, %get3A_615] : memref<1x1024x20x128xf32, #tpu.memory_space<vmem>>, vector<1x1024x1x128xf32>
    %get3A_617 = vector.shape_cast %get3A_616 : vector<1x1024x1x128xf32> to vector<1024x128xf32>
    %dot_general3A_618 = arith.constant dense<0.000000e+00> : vector<1024x30xf32>
    %dot_general3A_619 = tpu.matmul %get3A_617, %get3A_3, %dot_general3A_618 {dimension_numbers = #tpu.dot_dimension_numbers<[1], [1], [0], [0], [0, 0, 1, 0], [], []>, transpose_lhs_hint = false} : vector<1024x128xf32>, vector<30x128xf32>, vector<1024x30xf32> -> vector<1024x30xf32>
    %add3A_620 = vector.broadcast %get3A_13 : vector<1x30xf32> to vector<1024x30xf32>
    %add3A_621 = arith.addf %dot_general3A_619, %add3A_620 : vector<1024x30xf32>
    %dot_general3A_622 = arith.constant dense<0.000000e+00> : vector<1024x30xf32>
    %dot_general3A_623 = tpu.matmul %add3A_604, %get3A_8, %dot_general3A_622 {dimension_numbers = #tpu.dot_dimension_numbers<[1], [1], [0], [0], [0, 0, 1, 0], [], []>, transpose_lhs_hint = false} : vector<1024x10xf32>, vector<30x10xf32>, vector<1024x30xf32> -> vector<1024x30xf32>
    %add3A_624 = vector.broadcast %get3A_18 : vector<1x30xf32> to vector<1024x30xf32>
    %add3A_625 = arith.addf %dot_general3A_623, %add3A_624 : vector<1024x30xf32>
    %slice3A_626 = vector.extract_strided_slice %add3A_621 {offsets = [0, 0], sizes = [1024, 10], strides = [1, 1]} : vector<1024x30xf32> to vector<1024x10xf32>
    %slice3A_627 = vector.extract_strided_slice %add3A_625 {offsets = [0, 0], sizes = [1024, 10], strides = [1, 1]} : vector<1024x30xf32> to vector<1024x10xf32>
    %add3A_628 = arith.addf %slice3A_626, %slice3A_627 : vector<1024x10xf32>
    %logistic3A_629 = arith.negf %add3A_628 : vector<1024x10xf32>
    %logistic3A_630 = math.exp %logistic3A_629 : vector<1024x10xf32>
    %logistic3A_631 = arith.constant 1.000000e+00 : f32
    %logistic3A_632 = vector.broadcast %logistic3A_631 : f32 to vector<1024x10xf32>
    %logistic3A_633 = arith.addf %logistic3A_632, %logistic3A_630 : vector<1024x10xf32>
    %logistic3A_634 = arith.divf %logistic3A_632, %logistic3A_633 : vector<1024x10xf32>
    %slice3A_635 = vector.extract_strided_slice %add3A_621 {offsets = [0, 10], sizes = [1024, 10], strides = [1, 1]} : vector<1024x30xf32> to vector<1024x10xf32>
    %slice3A_636 = vector.extract_strided_slice %add3A_625 {offsets = [0, 10], sizes = [1024, 10], strides = [1, 1]} : vector<1024x30xf32> to vector<1024x10xf32>
    %add3A_637 = arith.addf %slice3A_635, %slice3A_636 : vector<1024x10xf32>
    %logistic3A_638 = arith.negf %add3A_637 : vector<1024x10xf32>
    %logistic3A_639 = math.exp %logistic3A_638 : vector<1024x10xf32>
    %logistic3A_640 = arith.constant 1.000000e+00 : f32
    %logistic3A_641 = vector.broadcast %logistic3A_640 : f32 to vector<1024x10xf32>
    %logistic3A_642 = arith.addf %logistic3A_641, %logistic3A_639 : vector<1024x10xf32>
    %logistic3A_643 = arith.divf %logistic3A_641, %logistic3A_642 : vector<1024x10xf32>
    %slice3A_644 = vector.extract_strided_slice %add3A_621 {offsets = [0, 20], sizes = [1024, 10], strides = [1, 1]} : vector<1024x30xf32> to vector<1024x10xf32>
    %slice3A_645 = vector.extract_strided_slice %add3A_625 {offsets = [0, 20], sizes = [1024, 10], strides = [1, 1]} : vector<1024x30xf32> to vector<1024x10xf32>
    %mul3A_646 = arith.mulf %logistic3A_634, %slice3A_645 : vector<1024x10xf32>
    %add3A_647 = arith.addf %slice3A_644, %mul3A_646 : vector<1024x10xf32>
    %tanh3A_648 = math.tanh %add3A_647 : vector<1024x10xf32>
    %sub3A_649 = arith.constant 1.000000e+00 : f32
    %sub3A_650 = vector.broadcast %sub3A_649 : f32 to vector<1024x10xf32>
    %sub3A_651 = arith.subf %sub3A_650, %logistic3A_643 : vector<1024x10xf32>
    %mul3A_652 = arith.mulf %sub3A_651, %tanh3A_648 : vector<1024x10xf32>
    %mul3A_653 = arith.mulf %logistic3A_643, %add3A_604 : vector<1024x10xf32>
    %add3A_654 = arith.addf %mul3A_652, %mul3A_653 : vector<1024x10xf32>
    %swap3A_655 = arith.constant 0 : index
    %swap3A_656 = arith.constant 0 : index
    %swap3A_657 = arith.constant 0 : index
    %swap3A_658 = arith.constant 120 : index
    %swap3A_659 = vector.load %arg6[%swap3A_655, %swap3A_656, %swap3A_657, %swap3A_658] : memref<1024x1x1x200xf32, #tpu.memory_space<vmem>>, vector<1024x1x1x10xf32>
    %swap3A_660 = vector.shape_cast %swap3A_659 : vector<1024x1x1x10xf32> to vector<1024x10xf32>
    %swap3A_661 = vector.shape_cast %add3A_654 : vector<1024x10xf32> to vector<1024x1x1x10xf32>
    tpu.vector_store %arg6[%swap3A_655, %swap3A_656, %swap3A_657, %swap3A_658], %swap3A_661 {strides = array<i32>} : memref<1024x1x1x200xf32, #tpu.memory_space<vmem>>, vector<1024x1x1x10xf32>,
    %get3A_662 = arith.constant 0 : index
    %get3A_663 = arith.constant 0 : index
    %get3A_664 = arith.constant 13 : index
    %get3A_665 = arith.constant 0 : index
    %get3A_666 = vector.load %arg1[%get3A_662, %get3A_663, %get3A_664, %get3A_665] : memref<1x1024x20x128xf32, #tpu.memory_space<vmem>>, vector<1x1024x1x128xf32>
    %get3A_667 = vector.shape_cast %get3A_666 : vector<1x1024x1x128xf32> to vector<1024x128xf32>
    %dot_general3A_668 = arith.constant dense<0.000000e+00> : vector<1024x30xf32>
    %dot_general3A_669 = tpu.matmul %get3A_667, %get3A_3, %dot_general3A_668 {dimension_numbers = #tpu.dot_dimension_numbers<[1], [1], [0], [0], [0, 0, 1, 0], [], []>, transpose_lhs_hint = false} : vector<1024x128xf32>, vector<30x128xf32>, vector<1024x30xf32> -> vector<1024x30xf32>
    %add3A_670 = vector.broadcast %get3A_13 : vector<1x30xf32> to vector<1024x30xf32>
    %add3A_671 = arith.addf %dot_general3A_669, %add3A_670 : vector<1024x30xf32>
    %dot_general3A_672 = arith.constant dense<0.000000e+00> : vector<1024x30xf32>
    %dot_general3A_673 = tpu.matmul %add3A_654, %get3A_8, %dot_general3A_672 {dimension_numbers = #tpu.dot_dimension_numbers<[1], [1], [0], [0], [0, 0, 1, 0], [], []>, transpose_lhs_hint = false} : vector<1024x10xf32>, vector<30x10xf32>, vector<1024x30xf32> -> vector<1024x30xf32>
    %add3A_674 = vector.broadcast %get3A_18 : vector<1x30xf32> to vector<1024x30xf32>
    %add3A_675 = arith.addf %dot_general3A_673, %add3A_674 : vector<1024x30xf32>
    %slice3A_676 = vector.extract_strided_slice %add3A_671 {offsets = [0, 0], sizes = [1024, 10], strides = [1, 1]} : vector<1024x30xf32> to vector<1024x10xf32>
    %slice3A_677 = vector.extract_strided_slice %add3A_675 {offsets = [0, 0], sizes = [1024, 10], strides = [1, 1]} : vector<1024x30xf32> to vector<1024x10xf32>
    %add3A_678 = arith.addf %slice3A_676, %slice3A_677 : vector<1024x10xf32>
    %logistic3A_679 = arith.negf %add3A_678 : vector<1024x10xf32>
    %logistic3A_680 = math.exp %logistic3A_679 : vector<1024x10xf32>
    %logistic3A_681 = arith.constant 1.000000e+00 : f32
    %logistic3A_682 = vector.broadcast %logistic3A_681 : f32 to vector<1024x10xf32>
    %logistic3A_683 = arith.addf %logistic3A_682, %logistic3A_680 : vector<1024x10xf32>
    %logistic3A_684 = arith.divf %logistic3A_682, %logistic3A_683 : vector<1024x10xf32>
    %slice3A_685 = vector.extract_strided_slice %add3A_671 {offsets = [0, 10], sizes = [1024, 10], strides = [1, 1]} : vector<1024x30xf32> to vector<1024x10xf32>
    %slice3A_686 = vector.extract_strided_slice %add3A_675 {offsets = [0, 10], sizes = [1024, 10], strides = [1, 1]} : vector<1024x30xf32> to vector<1024x10xf32>
    %add3A_687 = arith.addf %slice3A_685, %slice3A_686 : vector<1024x10xf32>
    %logistic3A_688 = arith.negf %add3A_687 : vector<1024x10xf32>
    %logistic3A_689 = math.exp %logistic3A_688 : vector<1024x10xf32>
    %logistic3A_690 = arith.constant 1.000000e+00 : f32
    %logistic3A_691 = vector.broadcast %logistic3A_690 : f32 to vector<1024x10xf32>
    %logistic3A_692 = arith.addf %logistic3A_691, %logistic3A_689 : vector<1024x10xf32>
    %logistic3A_693 = arith.divf %logistic3A_691, %logistic3A_692 : vector<1024x10xf32>
    %slice3A_694 = vector.extract_strided_slice %add3A_671 {offsets = [0, 20], sizes = [1024, 10], strides = [1, 1]} : vector<1024x30xf32> to vector<1024x10xf32>
    %slice3A_695 = vector.extract_strided_slice %add3A_675 {offsets = [0, 20], sizes = [1024, 10], strides = [1, 1]} : vector<1024x30xf32> to vector<1024x10xf32>
    %mul3A_696 = arith.mulf %logistic3A_684, %slice3A_695 : vector<1024x10xf32>
    %add3A_697 = arith.addf %slice3A_694, %mul3A_696 : vector<1024x10xf32>
    %tanh3A_698 = math.tanh %add3A_697 : vector<1024x10xf32>
    %sub3A_699 = arith.constant 1.000000e+00 : f32
    %sub3A_700 = vector.broadcast %sub3A_699 : f32 to vector<1024x10xf32>
    %sub3A_701 = arith.subf %sub3A_700, %logistic3A_693 : vector<1024x10xf32>
    %mul3A_702 = arith.mulf %sub3A_701, %tanh3A_698 : vector<1024x10xf32>
    %mul3A_703 = arith.mulf %logistic3A_693, %add3A_654 : vector<1024x10xf32>
    %add3A_704 = arith.addf %mul3A_702, %mul3A_703 : vector<1024x10xf32>
    %swap3A_705 = arith.constant 0 : index
    %swap3A_706 = arith.constant 0 : index
    %swap3A_707 = arith.constant 0 : index
    %swap3A_708 = arith.constant 130 : index
    %swap3A_709 = vector.load %arg6[%swap3A_705, %swap3A_706, %swap3A_707, %swap3A_708] : memref<1024x1x1x200xf32, #tpu.memory_space<vmem>>, vector<1024x1x1x10xf32>
    %swap3A_710 = vector.shape_cast %swap3A_709 : vector<1024x1x1x10xf32> to vector<1024x10xf32>
    %swap3A_711 = vector.shape_cast %add3A_704 : vector<1024x10xf32> to vector<1024x1x1x10xf32>
    tpu.vector_store %arg6[%swap3A_705, %swap3A_706, %swap3A_707, %swap3A_708], %swap3A_711 {strides = array<i32>} : memref<1024x1x1x200xf32, #tpu.memory_space<vmem>>, vector<1024x1x1x10xf32>,
    %get3A_712 = arith.constant 0 : index
    %get3A_713 = arith.constant 0 : index
    %get3A_714 = arith.constant 14 : index
    %get3A_715 = arith.constant 0 : index
    %get3A_716 = vector.load %arg1[%get3A_712, %get3A_713, %get3A_714, %get3A_715] : memref<1x1024x20x128xf32, #tpu.memory_space<vmem>>, vector<1x1024x1x128xf32>
    %get3A_717 = vector.shape_cast %get3A_716 : vector<1x1024x1x128xf32> to vector<1024x128xf32>
    %dot_general3A_718 = arith.constant dense<0.000000e+00> : vector<1024x30xf32>
    %dot_general3A_719 = tpu.matmul %get3A_717, %get3A_3, %dot_general3A_718 {dimension_numbers = #tpu.dot_dimension_numbers<[1], [1], [0], [0], [0, 0, 1, 0], [], []>, transpose_lhs_hint = false} : vector<1024x128xf32>, vector<30x128xf32>, vector<1024x30xf32> -> vector<1024x30xf32>
    %add3A_720 = vector.broadcast %get3A_13 : vector<1x30xf32> to vector<1024x30xf32>
    %add3A_721 = arith.addf %dot_general3A_719, %add3A_720 : vector<1024x30xf32>
    %dot_general3A_722 = arith.constant dense<0.000000e+00> : vector<1024x30xf32>
    %dot_general3A_723 = tpu.matmul %add3A_704, %get3A_8, %dot_general3A_722 {dimension_numbers = #tpu.dot_dimension_numbers<[1], [1], [0], [0], [0, 0, 1, 0], [], []>, transpose_lhs_hint = false} : vector<1024x10xf32>, vector<30x10xf32>, vector<1024x30xf32> -> vector<1024x30xf32>
    %add3A_724 = vector.broadcast %get3A_18 : vector<1x30xf32> to vector<1024x30xf32>
    %add3A_725 = arith.addf %dot_general3A_723, %add3A_724 : vector<1024x30xf32>
    %slice3A_726 = vector.extract_strided_slice %add3A_721 {offsets = [0, 0], sizes = [1024, 10], strides = [1, 1]} : vector<1024x30xf32> to vector<1024x10xf32>
    %slice3A_727 = vector.extract_strided_slice %add3A_725 {offsets = [0, 0], sizes = [1024, 10], strides = [1, 1]} : vector<1024x30xf32> to vector<1024x10xf32>
    %add3A_728 = arith.addf %slice3A_726, %slice3A_727 : vector<1024x10xf32>
    %logistic3A_729 = arith.negf %add3A_728 : vector<1024x10xf32>
    %logistic3A_730 = math.exp %logistic3A_729 : vector<1024x10xf32>
    %logistic3A_731 = arith.constant 1.000000e+00 : f32
    %logistic3A_732 = vector.broadcast %logistic3A_731 : f32 to vector<1024x10xf32>
    %logistic3A_733 = arith.addf %logistic3A_732, %logistic3A_730 : vector<1024x10xf32>
    %logistic3A_734 = arith.divf %logistic3A_732, %logistic3A_733 : vector<1024x10xf32>
    %slice3A_735 = vector.extract_strided_slice %add3A_721 {offsets = [0, 10], sizes = [1024, 10], strides = [1, 1]} : vector<1024x30xf32> to vector<1024x10xf32>
    %slice3A_736 = vector.extract_strided_slice %add3A_725 {offsets = [0, 10], sizes = [1024, 10], strides = [1, 1]} : vector<1024x30xf32> to vector<1024x10xf32>
    %add3A_737 = arith.addf %slice3A_735, %slice3A_736 : vector<1024x10xf32>
    %logistic3A_738 = arith.negf %add3A_737 : vector<1024x10xf32>
    %logistic3A_739 = math.exp %logistic3A_738 : vector<1024x10xf32>
    %logistic3A_740 = arith.constant 1.000000e+00 : f32
    %logistic3A_741 = vector.broadcast %logistic3A_740 : f32 to vector<1024x10xf32>
    %logistic3A_742 = arith.addf %logistic3A_741, %logistic3A_739 : vector<1024x10xf32>
    %logistic3A_743 = arith.divf %logistic3A_741, %logistic3A_742 : vector<1024x10xf32>
    %slice3A_744 = vector.extract_strided_slice %add3A_721 {offsets = [0, 20], sizes = [1024, 10], strides = [1, 1]} : vector<1024x30xf32> to vector<1024x10xf32>
    %slice3A_745 = vector.extract_strided_slice %add3A_725 {offsets = [0, 20], sizes = [1024, 10], strides = [1, 1]} : vector<1024x30xf32> to vector<1024x10xf32>
    %mul3A_746 = arith.mulf %logistic3A_734, %slice3A_745 : vector<1024x10xf32>
    %add3A_747 = arith.addf %slice3A_744, %mul3A_746 : vector<1024x10xf32>
    %tanh3A_748 = math.tanh %add3A_747 : vector<1024x10xf32>
    %sub3A_749 = arith.constant 1.000000e+00 : f32
    %sub3A_750 = vector.broadcast %sub3A_749 : f32 to vector<1024x10xf32>
    %sub3A_751 = arith.subf %sub3A_750, %logistic3A_743 : vector<1024x10xf32>
    %mul3A_752 = arith.mulf %sub3A_751, %tanh3A_748 : vector<1024x10xf32>
    %mul3A_753 = arith.mulf %logistic3A_743, %add3A_704 : vector<1024x10xf32>
    %add3A_754 = arith.addf %mul3A_752, %mul3A_753 : vector<1024x10xf32>
    %swap3A_755 = arith.constant 0 : index
    %swap3A_756 = arith.constant 0 : index
    %swap3A_757 = arith.constant 0 : index
    %swap3A_758 = arith.constant 140 : index
    %swap3A_759 = vector.load %arg6[%swap3A_755, %swap3A_756, %swap3A_757, %swap3A_758] : memref<1024x1x1x200xf32, #tpu.memory_space<vmem>>, vector<1024x1x1x10xf32>
    %swap3A_760 = vector.shape_cast %swap3A_759 : vector<1024x1x1x10xf32> to vector<1024x10xf32>
    %swap3A_761 = vector.shape_cast %add3A_754 : vector<1024x10xf32> to vector<1024x1x1x10xf32>
    tpu.vector_store %arg6[%swap3A_755, %swap3A_756, %swap3A_757, %swap3A_758], %swap3A_761 {strides = array<i32>} : memref<1024x1x1x200xf32, #tpu.memory_space<vmem>>, vector<1024x1x1x10xf32>,
    %get3A_762 = arith.constant 0 : index
    %get3A_763 = arith.constant 0 : index
    %get3A_764 = arith.constant 15 : index
    %get3A_765 = arith.constant 0 : index
    %get3A_766 = vector.load %arg1[%get3A_762, %get3A_763, %get3A_764, %get3A_765] : memref<1x1024x20x128xf32, #tpu.memory_space<vmem>>, vector<1x1024x1x128xf32>
    %get3A_767 = vector.shape_cast %get3A_766 : vector<1x1024x1x128xf32> to vector<1024x128xf32>
    %dot_general3A_768 = arith.constant dense<0.000000e+00> : vector<1024x30xf32>
    %dot_general3A_769 = tpu.matmul %get3A_767, %get3A_3, %dot_general3A_768 {dimension_numbers = #tpu.dot_dimension_numbers<[1], [1], [0], [0], [0, 0, 1, 0], [], []>, transpose_lhs_hint = false} : vector<1024x128xf32>, vector<30x128xf32>, vector<1024x30xf32> -> vector<1024x30xf32>
    %add3A_770 = vector.broadcast %get3A_13 : vector<1x30xf32> to vector<1024x30xf32>
    %add3A_771 = arith.addf %dot_general3A_769, %add3A_770 : vector<1024x30xf32>
    %dot_general3A_772 = arith.constant dense<0.000000e+00> : vector<1024x30xf32>
    %dot_general3A_773 = tpu.matmul %add3A_754, %get3A_8, %dot_general3A_772 {dimension_numbers = #tpu.dot_dimension_numbers<[1], [1], [0], [0], [0, 0, 1, 0], [], []>, transpose_lhs_hint = false} : vector<1024x10xf32>, vector<30x10xf32>, vector<1024x30xf32> -> vector<1024x30xf32>
    %add3A_774 = vector.broadcast %get3A_18 : vector<1x30xf32> to vector<1024x30xf32>
    %add3A_775 = arith.addf %dot_general3A_773, %add3A_774 : vector<1024x30xf32>
    %slice3A_776 = vector.extract_strided_slice %add3A_771 {offsets = [0, 0], sizes = [1024, 10], strides = [1, 1]} : vector<1024x30xf32> to vector<1024x10xf32>
    %slice3A_777 = vector.extract_strided_slice %add3A_775 {offsets = [0, 0], sizes = [1024, 10], strides = [1, 1]} : vector<1024x30xf32> to vector<1024x10xf32>
    %add3A_778 = arith.addf %slice3A_776, %slice3A_777 : vector<1024x10xf32>
    %logistic3A_779 = arith.negf %add3A_778 : vector<1024x10xf32>
    %logistic3A_780 = math.exp %logistic3A_779 : vector<1024x10xf32>
    %logistic3A_781 = arith.constant 1.000000e+00 : f32
    %logistic3A_782 = vector.broadcast %logistic3A_781 : f32 to vector<1024x10xf32>
    %logistic3A_783 = arith.addf %logistic3A_782, %logistic3A_780 : vector<1024x10xf32>
    %logistic3A_784 = arith.divf %logistic3A_782, %logistic3A_783 : vector<1024x10xf32>
    %slice3A_785 = vector.extract_strided_slice %add3A_771 {offsets = [0, 10], sizes = [1024, 10], strides = [1, 1]} : vector<1024x30xf32> to vector<1024x10xf32>
    %slice3A_786 = vector.extract_strided_slice %add3A_775 {offsets = [0, 10], sizes = [1024, 10], strides = [1, 1]} : vector<1024x30xf32> to vector<1024x10xf32>
    %add3A_787 = arith.addf %slice3A_785, %slice3A_786 : vector<1024x10xf32>
    %logistic3A_788 = arith.negf %add3A_787 : vector<1024x10xf32>
    %logistic3A_789 = math.exp %logistic3A_788 : vector<1024x10xf32>
    %logistic3A_790 = arith.constant 1.000000e+00 : f32
    %logistic3A_791 = vector.broadcast %logistic3A_790 : f32 to vector<1024x10xf32>
    %logistic3A_792 = arith.addf %logistic3A_791, %logistic3A_789 : vector<1024x10xf32>
    %logistic3A_793 = arith.divf %logistic3A_791, %logistic3A_792 : vector<1024x10xf32>
    %slice3A_794 = vector.extract_strided_slice %add3A_771 {offsets = [0, 20], sizes = [1024, 10], strides = [1, 1]} : vector<1024x30xf32> to vector<1024x10xf32>
    %slice3A_795 = vector.extract_strided_slice %add3A_775 {offsets = [0, 20], sizes = [1024, 10], strides = [1, 1]} : vector<1024x30xf32> to vector<1024x10xf32>
    %mul3A_796 = arith.mulf %logistic3A_784, %slice3A_795 : vector<1024x10xf32>
    %add3A_797 = arith.addf %slice3A_794, %mul3A_796 : vector<1024x10xf32>
    %tanh3A_798 = math.tanh %add3A_797 : vector<1024x10xf32>
    %sub3A_799 = arith.constant 1.000000e+00 : f32
    %sub3A_800 = vector.broadcast %sub3A_799 : f32 to vector<1024x10xf32>
    %sub3A_801 = arith.subf %sub3A_800, %logistic3A_793 : vector<1024x10xf32>
    %mul3A_802 = arith.mulf %sub3A_801, %tanh3A_798 : vector<1024x10xf32>
    %mul3A_803 = arith.mulf %logistic3A_793, %add3A_754 : vector<1024x10xf32>
    %add3A_804 = arith.addf %mul3A_802, %mul3A_803 : vector<1024x10xf32>
    %swap3A_805 = arith.constant 0 : index
    %swap3A_806 = arith.constant 0 : index
    %swap3A_807 = arith.constant 0 : index
    %swap3A_808 = arith.constant 150 : index
    %swap3A_809 = vector.load %arg6[%swap3A_805, %swap3A_806, %swap3A_807, %swap3A_808] : memref<1024x1x1x200xf32, #tpu.memory_space<vmem>>, vector<1024x1x1x10xf32>
    %swap3A_810 = vector.shape_cast %swap3A_809 : vector<1024x1x1x10xf32> to vector<1024x10xf32>
    %swap3A_811 = vector.shape_cast %add3A_804 : vector<1024x10xf32> to vector<1024x1x1x10xf32>
    tpu.vector_store %arg6[%swap3A_805, %swap3A_806, %swap3A_807, %swap3A_808], %swap3A_811 {strides = array<i32>} : memref<1024x1x1x200xf32, #tpu.memory_space<vmem>>, vector<1024x1x1x10xf32>,
    %get3A_812 = arith.constant 0 : index
    %get3A_813 = arith.constant 0 : index
    %get3A_814 = arith.constant 16 : index
    %get3A_815 = arith.constant 0 : index
    %get3A_816 = vector.load %arg1[%get3A_812, %get3A_813, %get3A_814, %get3A_815] : memref<1x1024x20x128xf32, #tpu.memory_space<vmem>>, vector<1x1024x1x128xf32>
    %get3A_817 = vector.shape_cast %get3A_816 : vector<1x1024x1x128xf32> to vector<1024x128xf32>
    %dot_general3A_818 = arith.constant dense<0.000000e+00> : vector<1024x30xf32>
    %dot_general3A_819 = tpu.matmul %get3A_817, %get3A_3, %dot_general3A_818 {dimension_numbers = #tpu.dot_dimension_numbers<[1], [1], [0], [0], [0, 0, 1, 0], [], []>, transpose_lhs_hint = false} : vector<1024x128xf32>, vector<30x128xf32>, vector<1024x30xf32> -> vector<1024x30xf32>
    %add3A_820 = vector.broadcast %get3A_13 : vector<1x30xf32> to vector<1024x30xf32>
    %add3A_821 = arith.addf %dot_general3A_819, %add3A_820 : vector<1024x30xf32>
    %dot_general3A_822 = arith.constant dense<0.000000e+00> : vector<1024x30xf32>
    %dot_general3A_823 = tpu.matmul %add3A_804, %get3A_8, %dot_general3A_822 {dimension_numbers = #tpu.dot_dimension_numbers<[1], [1], [0], [0], [0, 0, 1, 0], [], []>, transpose_lhs_hint = false} : vector<1024x10xf32>, vector<30x10xf32>, vector<1024x30xf32> -> vector<1024x30xf32>
    %add3A_824 = vector.broadcast %get3A_18 : vector<1x30xf32> to vector<1024x30xf32>
    %add3A_825 = arith.addf %dot_general3A_823, %add3A_824 : vector<1024x30xf32>
    %slice3A_826 = vector.extract_strided_slice %add3A_821 {offsets = [0, 0], sizes = [1024, 10], strides = [1, 1]} : vector<1024x30xf32> to vector<1024x10xf32>
    %slice3A_827 = vector.extract_strided_slice %add3A_825 {offsets = [0, 0], sizes = [1024, 10], strides = [1, 1]} : vector<1024x30xf32> to vector<1024x10xf32>
    %add3A_828 = arith.addf %slice3A_826, %slice3A_827 : vector<1024x10xf32>
    %logistic3A_829 = arith.negf %add3A_828 : vector<1024x10xf32>
    %logistic3A_830 = math.exp %logistic3A_829 : vector<1024x10xf32>
    %logistic3A_831 = arith.constant 1.000000e+00 : f32
    %logistic3A_832 = vector.broadcast %logistic3A_831 : f32 to vector<1024x10xf32>
    %logistic3A_833 = arith.addf %logistic3A_832, %logistic3A_830 : vector<1024x10xf32>
    %logistic3A_834 = arith.divf %logistic3A_832, %logistic3A_833 : vector<1024x10xf32>
    %slice3A_835 = vector.extract_strided_slice %add3A_821 {offsets = [0, 10], sizes = [1024, 10], strides = [1, 1]} : vector<1024x30xf32> to vector<1024x10xf32>
    %slice3A_836 = vector.extract_strided_slice %add3A_825 {offsets = [0, 10], sizes = [1024, 10], strides = [1, 1]} : vector<1024x30xf32> to vector<1024x10xf32>
    %add3A_837 = arith.addf %slice3A_835, %slice3A_836 : vector<1024x10xf32>
    %logistic3A_838 = arith.negf %add3A_837 : vector<1024x10xf32>
    %logistic3A_839 = math.exp %logistic3A_838 : vector<1024x10xf32>
    %logistic3A_840 = arith.constant 1.000000e+00 : f32
    %logistic3A_841 = vector.broadcast %logistic3A_840 : f32 to vector<1024x10xf32>
    %logistic3A_842 = arith.addf %logistic3A_841, %logistic3A_839 : vector<1024x10xf32>
    %logistic3A_843 = arith.divf %logistic3A_841, %logistic3A_842 : vector<1024x10xf32>
    %slice3A_844 = vector.extract_strided_slice %add3A_821 {offsets = [0, 20], sizes = [1024, 10], strides = [1, 1]} : vector<1024x30xf32> to vector<1024x10xf32>
    %slice3A_845 = vector.extract_strided_slice %add3A_825 {offsets = [0, 20], sizes = [1024, 10], strides = [1, 1]} : vector<1024x30xf32> to vector<1024x10xf32>
    %mul3A_846 = arith.mulf %logistic3A_834, %slice3A_845 : vector<1024x10xf32>
    %add3A_847 = arith.addf %slice3A_844, %mul3A_846 : vector<1024x10xf32>
    %tanh3A_848 = math.tanh %add3A_847 : vector<1024x10xf32>
    %sub3A_849 = arith.constant 1.000000e+00 : f32
    %sub3A_850 = vector.broadcast %sub3A_849 : f32 to vector<1024x10xf32>
    %sub3A_851 = arith.subf %sub3A_850, %logistic3A_843 : vector<1024x10xf32>
    %mul3A_852 = arith.mulf %sub3A_851, %tanh3A_848 : vector<1024x10xf32>
    %mul3A_853 = arith.mulf %logistic3A_843, %add3A_804 : vector<1024x10xf32>
    %add3A_854 = arith.addf %mul3A_852, %mul3A_853 : vector<1024x10xf32>
    %swap3A_855 = arith.constant 0 : index
    %swap3A_856 = arith.constant 0 : index
    %swap3A_857 = arith.constant 0 : index
    %swap3A_858 = arith.constant 160 : index
    %swap3A_859 = vector.load %arg6[%swap3A_855, %swap3A_856, %swap3A_857, %swap3A_858] : memref<1024x1x1x200xf32, #tpu.memory_space<vmem>>, vector<1024x1x1x10xf32>
    %swap3A_860 = vector.shape_cast %swap3A_859 : vector<1024x1x1x10xf32> to vector<1024x10xf32>
    %swap3A_861 = vector.shape_cast %add3A_854 : vector<1024x10xf32> to vector<1024x1x1x10xf32>
    tpu.vector_store %arg6[%swap3A_855, %swap3A_856, %swap3A_857, %swap3A_858], %swap3A_861 {strides = array<i32>} : memref<1024x1x1x200xf32, #tpu.memory_space<vmem>>, vector<1024x1x1x10xf32>,
    %get3A_862 = arith.constant 0 : index
    %get3A_863 = arith.constant 0 : index
    %get3A_864 = arith.constant 17 : index
    %get3A_865 = arith.constant 0 : index
    %get3A_866 = vector.load %arg1[%get3A_862, %get3A_863, %get3A_864, %get3A_865] : memref<1x1024x20x128xf32, #tpu.memory_space<vmem>>, vector<1x1024x1x128xf32>
    %get3A_867 = vector.shape_cast %get3A_866 : vector<1x1024x1x128xf32> to vector<1024x128xf32>
    %dot_general3A_868 = arith.constant dense<0.000000e+00> : vector<1024x30xf32>
    %dot_general3A_869 = tpu.matmul %get3A_867, %get3A_3, %dot_general3A_868 {dimension_numbers = #tpu.dot_dimension_numbers<[1], [1], [0], [0], [0, 0, 1, 0], [], []>, transpose_lhs_hint = false} : vector<1024x128xf32>, vector<30x128xf32>, vector<1024x30xf32> -> vector<1024x30xf32>
    %add3A_870 = vector.broadcast %get3A_13 : vector<1x30xf32> to vector<1024x30xf32>
    %add3A_871 = arith.addf %dot_general3A_869, %add3A_870 : vector<1024x30xf32>
    %dot_general3A_872 = arith.constant dense<0.000000e+00> : vector<1024x30xf32>
    %dot_general3A_873 = tpu.matmul %add3A_854, %get3A_8, %dot_general3A_872 {dimension_numbers = #tpu.dot_dimension_numbers<[1], [1], [0], [0], [0, 0, 1, 0], [], []>, transpose_lhs_hint = false} : vector<1024x10xf32>, vector<30x10xf32>, vector<1024x30xf32> -> vector<1024x30xf32>
    %add3A_874 = vector.broadcast %get3A_18 : vector<1x30xf32> to vector<1024x30xf32>
    %add3A_875 = arith.addf %dot_general3A_873, %add3A_874 : vector<1024x30xf32>
    %slice3A_876 = vector.extract_strided_slice %add3A_871 {offsets = [0, 0], sizes = [1024, 10], strides = [1, 1]} : vector<1024x30xf32> to vector<1024x10xf32>
    %slice3A_877 = vector.extract_strided_slice %add3A_875 {offsets = [0, 0], sizes = [1024, 10], strides = [1, 1]} : vector<1024x30xf32> to vector<1024x10xf32>
    %add3A_878 = arith.addf %slice3A_876, %slice3A_877 : vector<1024x10xf32>
    %logistic3A_879 = arith.negf %add3A_878 : vector<1024x10xf32>
    %logistic3A_880 = math.exp %logistic3A_879 : vector<1024x10xf32>
    %logistic3A_881 = arith.constant 1.000000e+00 : f32
    %logistic3A_882 = vector.broadcast %logistic3A_881 : f32 to vector<1024x10xf32>
    %logistic3A_883 = arith.addf %logistic3A_882, %logistic3A_880 : vector<1024x10xf32>
    %logistic3A_884 = arith.divf %logistic3A_882, %logistic3A_883 : vector<1024x10xf32>
    %slice3A_885 = vector.extract_strided_slice %add3A_871 {offsets = [0, 10], sizes = [1024, 10], strides = [1, 1]} : vector<1024x30xf32> to vector<1024x10xf32>
    %slice3A_886 = vector.extract_strided_slice %add3A_875 {offsets = [0, 10], sizes = [1024, 10], strides = [1, 1]} : vector<1024x30xf32> to vector<1024x10xf32>
    %add3A_887 = arith.addf %slice3A_885, %slice3A_886 : vector<1024x10xf32>
    %logistic3A_888 = arith.negf %add3A_887 : vector<1024x10xf32>
    %logistic3A_889 = math.exp %logistic3A_888 : vector<1024x10xf32>
    %logistic3A_890 = arith.constant 1.000000e+00 : f32
    %logistic3A_891 = vector.broadcast %logistic3A_890 : f32 to vector<1024x10xf32>
    %logistic3A_892 = arith.addf %logistic3A_891, %logistic3A_889 : vector<1024x10xf32>
    %logistic3A_893 = arith.divf %logistic3A_891, %logistic3A_892 : vector<1024x10xf32>
    %slice3A_894 = vector.extract_strided_slice %add3A_871 {offsets = [0, 20], sizes = [1024, 10], strides = [1, 1]} : vector<1024x30xf32> to vector<1024x10xf32>
    %slice3A_895 = vector.extract_strided_slice %add3A_875 {offsets = [0, 20], sizes = [1024, 10], strides = [1, 1]} : vector<1024x30xf32> to vector<1024x10xf32>
    %mul3A_896 = arith.mulf %logistic3A_884, %slice3A_895 : vector<1024x10xf32>
    %add3A_897 = arith.addf %slice3A_894, %mul3A_896 : vector<1024x10xf32>
    %tanh3A_898 = math.tanh %add3A_897 : vector<1024x10xf32>
    %sub3A_899 = arith.constant 1.000000e+00 : f32
    %sub3A_900 = vector.broadcast %sub3A_899 : f32 to vector<1024x10xf32>
    %sub3A_901 = arith.subf %sub3A_900, %logistic3A_893 : vector<1024x10xf32>
    %mul3A_902 = arith.mulf %sub3A_901, %tanh3A_898 : vector<1024x10xf32>
    %mul3A_903 = arith.mulf %logistic3A_893, %add3A_854 : vector<1024x10xf32>
    %add3A_904 = arith.addf %mul3A_902, %mul3A_903 : vector<1024x10xf32>
    %swap3A_905 = arith.constant 0 : index
    %swap3A_906 = arith.constant 0 : index
    %swap3A_907 = arith.constant 0 : index
    %swap3A_908 = arith.constant 170 : index
    %swap3A_909 = vector.load %arg6[%swap3A_905, %swap3A_906, %swap3A_907, %swap3A_908] : memref<1024x1x1x200xf32, #tpu.memory_space<vmem>>, vector<1024x1x1x10xf32>
    %swap3A_910 = vector.shape_cast %swap3A_909 : vector<1024x1x1x10xf32> to vector<1024x10xf32>
    %swap3A_911 = vector.shape_cast %add3A_904 : vector<1024x10xf32> to vector<1024x1x1x10xf32>
    tpu.vector_store %arg6[%swap3A_905, %swap3A_906, %swap3A_907, %swap3A_908], %swap3A_911 {strides = array<i32>} : memref<1024x1x1x200xf32, #tpu.memory_space<vmem>>, vector<1024x1x1x10xf32>,
    %get3A_912 = arith.constant 0 : index
    %get3A_913 = arith.constant 0 : index
    %get3A_914 = arith.constant 18 : index
    %get3A_915 = arith.constant 0 : index
    %get3A_916 = vector.load %arg1[%get3A_912, %get3A_913, %get3A_914, %get3A_915] : memref<1x1024x20x128xf32, #tpu.memory_space<vmem>>, vector<1x1024x1x128xf32>
    %get3A_917 = vector.shape_cast %get3A_916 : vector<1x1024x1x128xf32> to vector<1024x128xf32>
    %dot_general3A_918 = arith.constant dense<0.000000e+00> : vector<1024x30xf32>
    %dot_general3A_919 = tpu.matmul %get3A_917, %get3A_3, %dot_general3A_918 {dimension_numbers = #tpu.dot_dimension_numbers<[1], [1], [0], [0], [0, 0, 1, 0], [], []>, transpose_lhs_hint = false} : vector<1024x128xf32>, vector<30x128xf32>, vector<1024x30xf32> -> vector<1024x30xf32>
    %add3A_920 = vector.broadcast %get3A_13 : vector<1x30xf32> to vector<1024x30xf32>
    %add3A_921 = arith.addf %dot_general3A_919, %add3A_920 : vector<1024x30xf32>
    %dot_general3A_922 = arith.constant dense<0.000000e+00> : vector<1024x30xf32>
    %dot_general3A_923 = tpu.matmul %add3A_904, %get3A_8, %dot_general3A_922 {dimension_numbers = #tpu.dot_dimension_numbers<[1], [1], [0], [0], [0, 0, 1, 0], [], []>, transpose_lhs_hint = false} : vector<1024x10xf32>, vector<30x10xf32>, vector<1024x30xf32> -> vector<1024x30xf32>
    %add3A_924 = vector.broadcast %get3A_18 : vector<1x30xf32> to vector<1024x30xf32>
    %add3A_925 = arith.addf %dot_general3A_923, %add3A_924 : vector<1024x30xf32>
    %slice3A_926 = vector.extract_strided_slice %add3A_921 {offsets = [0, 0], sizes = [1024, 10], strides = [1, 1]} : vector<1024x30xf32> to vector<1024x10xf32>
    %slice3A_927 = vector.extract_strided_slice %add3A_925 {offsets = [0, 0], sizes = [1024, 10], strides = [1, 1]} : vector<1024x30xf32> to vector<1024x10xf32>
    %add3A_928 = arith.addf %slice3A_926, %slice3A_927 : vector<1024x10xf32>
    %logistic3A_929 = arith.negf %add3A_928 : vector<1024x10xf32>
    %logistic3A_930 = math.exp %logistic3A_929 : vector<1024x10xf32>
    %logistic3A_931 = arith.constant 1.000000e+00 : f32
    %logistic3A_932 = vector.broadcast %logistic3A_931 : f32 to vector<1024x10xf32>
    %logistic3A_933 = arith.addf %logistic3A_932, %logistic3A_930 : vector<1024x10xf32>
    %logistic3A_934 = arith.divf %logistic3A_932, %logistic3A_933 : vector<1024x10xf32>
    %slice3A_935 = vector.extract_strided_slice %add3A_921 {offsets = [0, 10], sizes = [1024, 10], strides = [1, 1]} : vector<1024x30xf32> to vector<1024x10xf32>
    %slice3A_936 = vector.extract_strided_slice %add3A_925 {offsets = [0, 10], sizes = [1024, 10], strides = [1, 1]} : vector<1024x30xf32> to vector<1024x10xf32>
    %add3A_937 = arith.addf %slice3A_935, %slice3A_936 : vector<1024x10xf32>
    %logistic3A_938 = arith.negf %add3A_937 : vector<1024x10xf32>
    %logistic3A_939 = math.exp %logistic3A_938 : vector<1024x10xf32>
    %logistic3A_940 = arith.constant 1.000000e+00 : f32
    %logistic3A_941 = vector.broadcast %logistic3A_940 : f32 to vector<1024x10xf32>
    %logistic3A_942 = arith.addf %logistic3A_941, %logistic3A_939 : vector<1024x10xf32>
    %logistic3A_943 = arith.divf %logistic3A_941, %logistic3A_942 : vector<1024x10xf32>
    %slice3A_944 = vector.extract_strided_slice %add3A_921 {offsets = [0, 20], sizes = [1024, 10], strides = [1, 1]} : vector<1024x30xf32> to vector<1024x10xf32>
    %slice3A_945 = vector.extract_strided_slice %add3A_925 {offsets = [0, 20], sizes = [1024, 10], strides = [1, 1]} : vector<1024x30xf32> to vector<1024x10xf32>
    %mul3A_946 = arith.mulf %logistic3A_934, %slice3A_945 : vector<1024x10xf32>
    %add3A_947 = arith.addf %slice3A_944, %mul3A_946 : vector<1024x10xf32>
    %tanh3A_948 = math.tanh %add3A_947 : vector<1024x10xf32>
    %sub3A_949 = arith.constant 1.000000e+00 : f32
    %sub3A_950 = vector.broadcast %sub3A_949 : f32 to vector<1024x10xf32>
    %sub3A_951 = arith.subf %sub3A_950, %logistic3A_943 : vector<1024x10xf32>
    %mul3A_952 = arith.mulf %sub3A_951, %tanh3A_948 : vector<1024x10xf32>
    %mul3A_953 = arith.mulf %logistic3A_943, %add3A_904 : vector<1024x10xf32>
    %add3A_954 = arith.addf %mul3A_952, %mul3A_953 : vector<1024x10xf32>
    %swap3A_955 = arith.constant 0 : index
    %swap3A_956 = arith.constant 0 : index
    %swap3A_957 = arith.constant 0 : index
    %swap3A_958 = arith.constant 180 : index
    %swap3A_959 = vector.load %arg6[%swap3A_955, %swap3A_956, %swap3A_957, %swap3A_958] : memref<1024x1x1x200xf32, #tpu.memory_space<vmem>>, vector<1024x1x1x10xf32>
    %swap3A_960 = vector.shape_cast %swap3A_959 : vector<1024x1x1x10xf32> to vector<1024x10xf32>
    %swap3A_961 = vector.shape_cast %add3A_954 : vector<1024x10xf32> to vector<1024x1x1x10xf32>
    tpu.vector_store %arg6[%swap3A_955, %swap3A_956, %swap3A_957, %swap3A_958], %swap3A_961 {strides = array<i32>} : memref<1024x1x1x200xf32, #tpu.memory_space<vmem>>, vector<1024x1x1x10xf32>,
    %get3A_962 = arith.constant 0 : index
    %get3A_963 = arith.constant 0 : index
    %get3A_964 = arith.constant 19 : index
    %get3A_965 = arith.constant 0 : index
    %get3A_966 = vector.load %arg1[%get3A_962, %get3A_963, %get3A_964, %get3A_965] : memref<1x1024x20x128xf32, #tpu.memory_space<vmem>>, vector<1x1024x1x128xf32>
    %get3A_967 = vector.shape_cast %get3A_966 : vector<1x1024x1x128xf32> to vector<1024x128xf32>
    %dot_general3A_968 = arith.constant dense<0.000000e+00> : vector<1024x30xf32>
    %dot_general3A_969 = tpu.matmul %get3A_967, %get3A_3, %dot_general3A_968 {dimension_numbers = #tpu.dot_dimension_numbers<[1], [1], [0], [0], [0, 0, 1, 0], [], []>, transpose_lhs_hint = false} : vector<1024x128xf32>, vector<30x128xf32>, vector<1024x30xf32> -> vector<1024x30xf32>
    %add3A_970 = vector.broadcast %get3A_13 : vector<1x30xf32> to vector<1024x30xf32>
    %add3A_971 = arith.addf %dot_general3A_969, %add3A_970 : vector<1024x30xf32>
    %dot_general3A_972 = arith.constant dense<0.000000e+00> : vector<1024x30xf32>
    %dot_general3A_973 = tpu.matmul %add3A_954, %get3A_8, %dot_general3A_972 {dimension_numbers = #tpu.dot_dimension_numbers<[1], [1], [0], [0], [0, 0, 1, 0], [], []>, transpose_lhs_hint = false} : vector<1024x10xf32>, vector<30x10xf32>, vector<1024x30xf32> -> vector<1024x30xf32>
    %add3A_974 = vector.broadcast %get3A_18 : vector<1x30xf32> to vector<1024x30xf32>
    %add3A_975 = arith.addf %dot_general3A_973, %add3A_974 : vector<1024x30xf32>
    %slice3A_976 = vector.extract_strided_slice %add3A_971 {offsets = [0, 0], sizes = [1024, 10], strides = [1, 1]} : vector<1024x30xf32> to vector<1024x10xf32>
    %slice3A_977 = vector.extract_strided_slice %add3A_975 {offsets = [0, 0], sizes = [1024, 10], strides = [1, 1]} : vector<1024x30xf32> to vector<1024x10xf32>
    %add3A_978 = arith.addf %slice3A_976, %slice3A_977 : vector<1024x10xf32>
    %logistic3A_979 = arith.negf %add3A_978 : vector<1024x10xf32>
    %logistic3A_980 = math.exp %logistic3A_979 : vector<1024x10xf32>
    %logistic3A_981 = arith.constant 1.000000e+00 : f32
    %logistic3A_982 = vector.broadcast %logistic3A_981 : f32 to vector<1024x10xf32>
    %logistic3A_983 = arith.addf %logistic3A_982, %logistic3A_980 : vector<1024x10xf32>
    %logistic3A_984 = arith.divf %logistic3A_982, %logistic3A_983 : vector<1024x10xf32>
    %slice3A_985 = vector.extract_strided_slice %add3A_971 {offsets = [0, 10], sizes = [1024, 10], strides = [1, 1]} : vector<1024x30xf32> to vector<1024x10xf32>
    %slice3A_986 = vector.extract_strided_slice %add3A_975 {offsets = [0, 10], sizes = [1024, 10], strides = [1, 1]} : vector<1024x30xf32> to vector<1024x10xf32>
    %add3A_987 = arith.addf %slice3A_985, %slice3A_986 : vector<1024x10xf32>
    %logistic3A_988 = arith.negf %add3A_987 : vector<1024x10xf32>
    %logistic3A_989 = math.exp %logistic3A_988 : vector<1024x10xf32>
    %logistic3A_990 = arith.constant 1.000000e+00 : f32
    %logistic3A_991 = vector.broadcast %logistic3A_990 : f32 to vector<1024x10xf32>
    %logistic3A_992 = arith.addf %logistic3A_991, %logistic3A_989 : vector<1024x10xf32>
    %logistic3A_993 = arith.divf %logistic3A_991, %logistic3A_992 : vector<1024x10xf32>
    %slice3A_994 = vector.extract_strided_slice %add3A_971 {offsets = [0, 20], sizes = [1024, 10], strides = [1, 1]} : vector<1024x30xf32> to vector<1024x10xf32>
    %slice3A_995 = vector.extract_strided_slice %add3A_975 {offsets = [0, 20], sizes = [1024, 10], strides = [1, 1]} : vector<1024x30xf32> to vector<1024x10xf32>
    %mul3A_996 = arith.mulf %logistic3A_984, %slice3A_995 : vector<1024x10xf32>
    %add3A_997 = arith.addf %slice3A_994, %mul3A_996 : vector<1024x10xf32>
    %tanh3A_998 = math.tanh %add3A_997 : vector<1024x10xf32>
    %sub3A_999 = arith.constant 1.000000e+00 : f32
    %sub3A_1000 = vector.broadcast %sub3A_999 : f32 to vector<1024x10xf32>
    %sub3A_1001 = arith.subf %sub3A_1000, %logistic3A_993 : vector<1024x10xf32>
    %mul3A_1002 = arith.mulf %sub3A_1001, %tanh3A_998 : vector<1024x10xf32>
    %mul3A_1003 = arith.mulf %logistic3A_993, %add3A_954 : vector<1024x10xf32>
    %add3A_1004 = arith.addf %mul3A_1002, %mul3A_1003 : vector<1024x10xf32>
    %swap3A_1005 = arith.constant 0 : index
    %swap3A_1006 = arith.constant 0 : index
    %swap3A_1007 = arith.constant 0 : index
    %swap3A_1008 = arith.constant 190 : index
    %swap3A_1009 = vector.load %arg6[%swap3A_1005, %swap3A_1006, %swap3A_1007, %swap3A_1008] : memref<1024x1x1x200xf32, #tpu.memory_space<vmem>>, vector<1024x1x1x10xf32>
    %swap3A_1010 = vector.shape_cast %swap3A_1009 : vector<1024x1x1x10xf32> to vector<1024x10xf32>
    %swap3A_1011 = vector.shape_cast %add3A_1004 : vector<1024x10xf32> to vector<1024x1x1x10xf32>
    tpu.vector_store %arg6[%swap3A_1005, %swap3A_1006, %swap3A_1007, %swap3A_1008], %swap3A_1011 {strides = array<i32>} : memref<1024x1x1x200xf32, #tpu.memory_space<vmem>>, vector<1024x1x1x10xf32>,
    return
  }
  func.func @transform_0(%arg0: i32) -> (i32, i32, i32, i32) {
    %c0_i32 = arith.constant 0 : i32
    %c0_i32_0 = arith.constant 0 : i32
    %c0_i32_1 = arith.constant 0 : i32
    %c0_i32_2 = arith.constant 0 : i32
    return %arg0, %c0_i32, %c0_i32_0, %c0_i32_1 : i32, i32, i32, i32
  }
  func.func @transform_1(%arg0: i32) -> (i32, i32, i32) {
    %add3A = arith.constant 1 : i32
    %add3A_0 = arith.addi %arg0, %add3A : i32
    %c0_i32 = arith.constant 0 : i32
    %c0_i32_1 = arith.constant 0 : i32
    %c0_i32_2 = arith.constant 0 : i32
    return %add3A_0, %c0_i32, %c0_i32_1 : i32, i32, i32
  }
  func.func @transform_2(%arg0: i32) -> (i32, i32, i32) {
    %add3A = arith.constant 1 : i32
    %add3A_0 = arith.addi %arg0, %add3A : i32
    %c0_i32 = arith.constant 0 : i32
    %c0_i32_1 = arith.constant 0 : i32
    %c0_i32_2 = arith.constant 0 : i32
    return %add3A_0, %c0_i32, %c0_i32_1 : i32, i32, i32
  }
  func.func @transform_3(%arg0: i32) -> (i32, i32, i32) {
    %add3A = arith.constant 1 : i32
    %add3A_0 = arith.addi %arg0, %add3A : i32
    %c0_i32 = arith.constant 0 : i32
    %c0_i32_1 = arith.constant 0 : i32
    %c0_i32_2 = arith.constant 0 : i32
    return %add3A_0, %c0_i32, %c0_i32_1 : i32, i32, i32
  }
  func.func @transform_4(%arg0: i32) -> (i32, i32, i32) {
    %add3A = arith.constant 1 : i32
    %add3A_0 = arith.addi %arg0, %add3A : i32
    %c0_i32 = arith.constant 0 : i32
    %c0_i32_1 = arith.constant 0 : i32
    %c0_i32_2 = arith.constant 0 : i32
    return %add3A_0, %c0_i32, %c0_i32_1 : i32, i32, i32
  }
  func.func @transform_5(%arg0: i32) -> (i32, i32, i32, i32) {
    %c0_i32 = arith.constant 0 : i32
    %c0_i32_0 = arith.constant 0 : i32
    %c0_i32_1 = arith.constant 0 : i32
    %c0_i32_2 = arith.constant 0 : i32
    return %c0_i32, %arg0, %c0_i32_0, %c0_i32_1 : i32, i32, i32, i32
  }
}

module attributes {stable_mosaic.version = 14 : i64} {
  func.func @_head_body(%arg0: i32, %arg1: memref<128x2605xf32, #tpu.memory_space<vmem>>, %arg2: memref<2605x1302xf32, #tpu.memory_space<vmem>>, %arg3: memref<1x1302xf32, #tpu.memory_space<vmem>>, %arg4: memref<1302x128xf32, #tpu.memory_space<vmem>>, %arg5: memref<1x128xf32, #tpu.memory_space<vmem>>, %arg6: memref<128x1xf32, #tpu.memory_space<vmem>>, %arg7: memref<1x1xf32, #tpu.memory_space<vmem>>, %arg8: memref<128x1xf32, #tpu.memory_space<vmem>>) attributes {dimension_semantics = [#tpu.dimension_semantics<arbitrary>], iteration_bounds = array<i64: 8>, scalar_prefetch = 0 : i64, scratch_operands = 0 : i64, tpu.core_type = #tpu.core_type<tc>, window_params = [{transform_indices = @transform_0, window_bounds = array<i64: 128, 2605>}, {pipeline_mode = #tpu.pipeline_mode<synchronous>, transform_indices = @transform_1, window_bounds = array<i64: 2605, 1302>}, {pipeline_mode = #tpu.pipeline_mode<synchronous>, transform_indices = @transform_2, window_bounds = array<i64: 1, 1302>}, {pipeline_mode = #tpu.pipeline_mode<synchronous>, transform_indices = @transform_3, window_bounds = array<i64: 1302, 128>}, {pipeline_mode = #tpu.pipeline_mode<synchronous>, transform_indices = @transform_4, window_bounds = array<i64: 1, 128>}, {pipeline_mode = #tpu.pipeline_mode<synchronous>, transform_indices = @transform_5, window_bounds = array<i64: 128, 1>}, {pipeline_mode = #tpu.pipeline_mode<synchronous>, transform_indices = @transform_6, window_bounds = array<i64: 1, 1>}, {transform_indices = @transform_7, window_bounds = array<i64: 128, 1>}]} {
    %get3A = arith.constant 0 : index
    %get3A_0 = arith.constant 0 : index
    %get3A_1 = vector.load %arg1[%get3A, %get3A_0] : memref<128x2605xf32, #tpu.memory_space<vmem>>, vector<128x2605xf32>
    %get3A_2 = arith.constant 0 : index
    %get3A_3 = arith.constant 0 : index
    %get3A_4 = vector.load %arg2[%get3A_2, %get3A_3] : memref<2605x1302xf32, #tpu.memory_space<vmem>>, vector<2605x1302xf32>
    %dot_general3A = arith.constant dense<0.000000e+00> : vector<128x1302xf32>
    %dot_general3A_5 = tpu.matmul %get3A_1, %get3A_4, %dot_general3A {dimension_numbers = #tpu.dot_dimension_numbers<[1], [0], [0], [1], [0, 0, 1, 1], [], []>, transpose_lhs_hint = false} : vector<128x2605xf32>, vector<2605x1302xf32>, vector<128x1302xf32> -> vector<128x1302xf32>
    %get3A_6 = arith.constant 0 : index
    %get3A_7 = arith.constant 0 : index
    %get3A_8 = vector.load %arg3[%get3A_6, %get3A_7] : memref<1x1302xf32, #tpu.memory_space<vmem>>, vector<1x1302xf32>
    %add3A = vector.broadcast %get3A_8 : vector<1x1302xf32> to vector<128x1302xf32>
    %add3A_9 = arith.addf %dot_general3A_5, %add3A : vector<128x1302xf32>
    %max3A = arith.constant 0.000000e+00 : f32
    %max3A_10 = vector.broadcast %max3A : f32 to vector<128x1302xf32>
    %max3A_11 = arith.maximumf %add3A_9, %max3A_10 : vector<128x1302xf32>
    %get3A_12 = arith.constant 0 : index
    %get3A_13 = arith.constant 0 : index
    %get3A_14 = vector.load %arg4[%get3A_12, %get3A_13] : memref<1302x128xf32, #tpu.memory_space<vmem>>, vector<1302x128xf32>
    %dot_general3A_15 = arith.constant dense<0.000000e+00> : vector<128x128xf32>
    %dot_general3A_16 = tpu.matmul %max3A_11, %get3A_14, %dot_general3A_15 {dimension_numbers = #tpu.dot_dimension_numbers<[1], [0], [0], [1], [0, 0, 1, 1], [], []>, transpose_lhs_hint = false} : vector<128x1302xf32>, vector<1302x128xf32>, vector<128x128xf32> -> vector<128x128xf32>
    %get3A_17 = arith.constant 0 : index
    %get3A_18 = arith.constant 0 : index
    %get3A_19 = vector.load %arg5[%get3A_17, %get3A_18] : memref<1x128xf32, #tpu.memory_space<vmem>>, vector<1x128xf32>
    %add3A_20 = vector.broadcast %get3A_19 : vector<1x128xf32> to vector<128x128xf32>
    %add3A_21 = arith.addf %dot_general3A_16, %add3A_20 : vector<128x128xf32>
    %get3A_22 = arith.constant 0 : index
    %get3A_23 = arith.constant 0 : index
    %get3A_24 = vector.load %arg6[%get3A_22, %get3A_23] : memref<128x1xf32, #tpu.memory_space<vmem>>, vector<128x1xf32>
    %dot_general3A_25 = arith.constant dense<0.000000e+00> : vector<128x1xf32>
    %dot_general3A_26 = tpu.matmul %add3A_21, %get3A_24, %dot_general3A_25 {dimension_numbers = #tpu.dot_dimension_numbers<[1], [0], [0], [1], [0, 0, 1, 1], [], []>, transpose_lhs_hint = false} : vector<128x128xf32>, vector<128x1xf32>, vector<128x1xf32> -> vector<128x1xf32>
    %get3A_27 = arith.constant 0 : index
    %get3A_28 = arith.constant 0 : index
    %get3A_29 = vector.load %arg7[%get3A_27, %get3A_28] : memref<1x1xf32, #tpu.memory_space<vmem>>, vector<1x1xf32>
    %add3A_30 = vector.broadcast %get3A_29 : vector<1x1xf32> to vector<128x1xf32>
    %add3A_31 = arith.addf %dot_general3A_26, %add3A_30 : vector<128x1xf32>
    %logistic3A = arith.negf %add3A_31 : vector<128x1xf32>
    %logistic3A_32 = math.exp %logistic3A : vector<128x1xf32>
    %logistic3A_33 = arith.constant 1.000000e+00 : f32
    %logistic3A_34 = vector.broadcast %logistic3A_33 : f32 to vector<128x1xf32>
    %logistic3A_35 = arith.addf %logistic3A_34, %logistic3A_32 : vector<128x1xf32>
    %logistic3A_36 = arith.divf %logistic3A_34, %logistic3A_35 : vector<128x1xf32>
    %swap3A = arith.constant 0 : index
    %swap3A_37 = arith.constant 0 : index
    %swap3A_38 = vector.load %arg8[%swap3A, %swap3A_37] : memref<128x1xf32, #tpu.memory_space<vmem>>, vector<128x1xf32>
    tpu.vector_store %arg8[%swap3A, %swap3A_37], %logistic3A_36 {strides = array<i32>} : memref<128x1xf32, #tpu.memory_space<vmem>>, vector<128x1xf32>,
    return
  }
  func.func @transform_0(%arg0: i32) -> (i32, i32) {
    %c0_i32 = arith.constant 0 : i32
    %c0_i32_0 = arith.constant 0 : i32
    return %arg0, %c0_i32 : i32, i32
  }
  func.func @transform_1(%arg0: i32) -> (i32, i32) {
    %c0_i32 = arith.constant 0 : i32
    %c0_i32_0 = arith.constant 0 : i32
    %c0_i32_1 = arith.constant 0 : i32
    return %c0_i32, %c0_i32_0 : i32, i32
  }
  func.func @transform_2(%arg0: i32) -> (i32, i32) {
    %c0_i32 = arith.constant 0 : i32
    %c0_i32_0 = arith.constant 0 : i32
    %c0_i32_1 = arith.constant 0 : i32
    return %c0_i32, %c0_i32_0 : i32, i32
  }
  func.func @transform_3(%arg0: i32) -> (i32, i32) {
    %c0_i32 = arith.constant 0 : i32
    %c0_i32_0 = arith.constant 0 : i32
    %c0_i32_1 = arith.constant 0 : i32
    return %c0_i32, %c0_i32_0 : i32, i32
  }
  func.func @transform_4(%arg0: i32) -> (i32, i32) {
    %c0_i32 = arith.constant 0 : i32
    %c0_i32_0 = arith.constant 0 : i32
    %c0_i32_1 = arith.constant 0 : i32
    return %c0_i32, %c0_i32_0 : i32, i32
  }
  func.func @transform_5(%arg0: i32) -> (i32, i32) {
    %c0_i32 = arith.constant 0 : i32
    %c0_i32_0 = arith.constant 0 : i32
    %c0_i32_1 = arith.constant 0 : i32
    return %c0_i32, %c0_i32_0 : i32, i32
  }
  func.func @transform_6(%arg0: i32) -> (i32, i32) {
    %c0_i32 = arith.constant 0 : i32
    %c0_i32_0 = arith.constant 0 : i32
    %c0_i32_1 = arith.constant 0 : i32
    return %c0_i32, %c0_i32_0 : i32, i32
  }
  func.func @transform_7(%arg0: i32) -> (i32, i32) {
    %c0_i32 = arith.constant 0 : i32
    %c0_i32_0 = arith.constant 0 : i32
    return %arg0, %c0_i32 : i32, i32
  }
}

</mosaic_0001>

<sc_bundles>
// kernel: kernel.6.cloned.1.call-start
scs
__scs_entry_jumppad:
0x0: {  	(pc) =	sbr.rel $0x88, $3  }
0x1: {  	(tag) =	ssettag $0x0;
	lr =	simm.s32 $0x1  }
0x2: {  	[smem:$0x3F80] =	sst lr;
	_ =	strace $0xD0000000  }
0x3: {  	_ = 	snop  }
0x4: {  	_ = 	snop  }
0x5: {  	_ = 	snop  }
0x6: {  	_ = 	snop  }
0x7: {  	_ = 	snop  }
__scs_overlays_trampoline_lowered:
0x8: {  	[smem:$0x3F8F] =	sst s0  }
0x9: {  	[smem:$0x3F90] =	sst s1  }
0xa: {  	[smem:$0x3F91] =	sst s2  }
0xb: {  	[smem:$0x3F92] =	sst s3  }
0xc: {  	[smem:$0x3F93] =	sst s4  }
0xd: {  	[smem:$0x3F94] =	sst s5  }
0xe: {  	[smem:$0x3F95] =	sst s6  }
0xf: {  	[smem:$0x3F96] =	sst s7  }
0x10: {  	[smem:$0x3F97] =	sst s8  }
0x11: {  	[smem:$0x3F98] =	sst s9;
	s0 =	simm.s32 @!p0 $0x0  }
0x12: {  	s1 =	sld [smem:$0x3F7E];
	s0 =	simm.s32 @p0 $0x1  }
0x13: {  	[smem:$0x3F99] =	sst s0;
	s0 =	simm.s32 @!p1 $0x0  }
0x14: {  	s2 =	sld [smem:$0x3F7D];
	s0 =	simm.s32 @p1 $0x1  }
0x15: {  	[smem:$0x3F9A] =	sst s0;
	s0 =	simm.s32 @!p2 $0x0  }
0x16: {  	s3 =	sld [smem:$0x3FDB];
	s0 =	simm.s32 @p2 $0x1  }
0x17: {  	s4 =	simm.s32 $0x1BF5;
	[smem:$0x3F9C] =	sst s0  }
0x18: {  	s0 =	sld [smem:$0x3F7F];
	_ =	swait.ge [sflag:s4], $0x0  }
0x19: {  	s7 =	sld [smem:$0x3F80]  }
0x1a: {  	s8 =	sadd.s32 $0xFFFFE003, lr  }
0x1b: {  	s9 =	sadd.s32 $0xFFFFFEF7, lr;
	s5 =	simm.s32 $0xFFFFFFFF;
	p2 =	slt.u32 s8, $0xFFFFF086  }
0x1c: {  	p1 =	slt.u32 s9, $0xF7A;
	s5 =	simm.s32 @!p2 $0x0  }
0x1d: {  	s5 =	simm.s32 @p1 $0x1;
	p0 =	seq.s32 s7, s2  }
0x1e: {  	s7 =	smul.u32 @!p0 $0xF7A, s2;
	p2 =	seq.s32 @!p0 s5, $0x0  }
0x1f: {  	s9 =	smul.u32 $0xF7A, s1;
	s8 =	simm.s32 @!p0 $0x1BF5;
	p2 =	por !p2, p0  }
0x20: {  	[sflag:s8] =	ssyncset.s32 @!p0 $0xFFFFF086;
	s6 =	sadd.s32 @!p0 s3, s7;
	s7 =	simm.s32 @!p0 $0x108  }
0x21: {  	s3 =	sadd.s32 s3, s9;
	s6 =	sadd.s32 @!p0 $0x88, s6;
	s7 =	simm.s32 @p2 $0x1082  }
0x22: {  	[simem:s7], [sflag:s8] =	dma.local @!p0 [hbm:s6], $0xF7A  }
0x23: {  	s9 =	sor.u32 $0xD0000000, s2;
	s6 =	simm.s32 $0x108;
	_ =	swait.ge @!p0 [sflag:s8], $0x0  }
0x24: {  	s3 =	sadd.s32 $0x88, s3;
	s6 =	simm.s32 @!p1 $0x1082;
	[sflag:s4] =	ssyncset.s32 $0xFFFFF086  }
0x25: {  	[simem:s6], [sflag:s4] =	dma.local [hbm:s3], $0xF7A  }
0x26: {  	[smem:$0x3F80] =	sst s1;
	(tag) =	ssettag s2;
	_ =	strace s9  }
0x27: {  	s1 =	sld [smem:$0x3F90]  }
0x28: {  	s2 =	sld [smem:$0x3F91]  }
0x29: {  	s4 =	sld [smem:$0x3F93]  }
0x2a: {  	p0 =	seq.s32 s5, $0x0;
	s5 =	sld [smem:$0x3F94]  }
0x2b: {  	s6 =	sld [smem:$0x3F95]  }
0x2c: {  	s7 =	sld [smem:$0x3F96]  }
0x2d: {  	s3 =	simm.s32 $0x108;
	s8 =	sld [smem:$0x3F97]  }
0x2e: {  	s3 =	simm.s32 @!p0 $0x1082;
	s9 =	sld [smem:$0x3F98]  }
0x2f: {  	lr =	sadd.s32 s0, s3;
	s0 =	sld [smem:$0x3F8F]  }
0x30: {  	s3 =	sld [smem:$0x3F92]  }
0x31: {  	[smem:$0x3F9B] =	sst s10  }
0x32: {  	s10 =	sld [smem:$0x3F99];
	_ =	sdelay $0x3  }
0x33: {  	p0 =	seq.s32 s10, $0x1;
	s10 =	sld [smem:$0x3F9B];
	_ =	sdelay $0x3  }
0x34: {  	[smem:$0x3F9B] =	sst s10  }
0x35: {  	s10 =	sld [smem:$0x3F9A];
	_ =	sdelay $0x3  }
0x36: {  	p1 =	seq.s32 s10, $0x1;
	s10 =	sld [smem:$0x3F9B];
	_ =	sdelay $0x3  }
0x37: {  	[smem:$0x3F9B] =	sst s10  }
0x38: {  	s10 =	sld [smem:$0x3F9C]  }
0x39: {  	_ = 	snop;
	(pc) =	sbr.ind lr, $3  }
0x3a: {  	_ = 	snop  }
0x3b: {  	_ = 	snop  }
0x3c: {  	p2 =	seq.s32 s10, $0x1;
	s10 =	sld [smem:$0x3F9B]  }
0x3d: {  	_ =	shalt  }
0x3e: {  	_ =	shalt  }
0x3f: {  	_ =	shalt  }
0x40: {  	_ =	shalt  }
0x41: {  	_ =	shalt  }
0x42: {  	_ =	shalt  }
0x43: {  	_ =	shalt  }
0x44: {  	_ =	shalt  }
0x45: {  	_ =	shalt  }
0x46: {  	_ =	shalt  }
0x47: {  	_ =	shalt  }
0x48: {  	_ =	shalt  }
0x49: {  	_ =	shalt  }
0x4a: {  	_ =	shalt  }
0x4b: {  	_ =	shalt  }
0x4c: {  	_ =	shalt  }
0x4d: {  	_ =	shalt  }
0x4e: {  	_ =	shalt  }
0x4f: {  	_ =	shalt  }
0x50: {  	_ =	shalt  }
0x51: {  	_ =	shalt  }
0x52: {  	_ =	shalt  }
0x53: {  	_ =	shalt  }
0x54: {  	_ =	shalt  }
0x55: {  	_ =	shalt  }
0x56: {  	_ =	shalt  }
0x57: {  	_ =	shalt  }
0x58: {  	_ =	shalt  }
0x59: {  	_ =	shalt  }
0x5a: {  	_ =	shalt  }
0x5b: {  	_ =	shalt  }
0x5c: {  	_ =	shalt  }
0x5d: {  	_ =	shalt  }
0x5e: {  	_ =	shalt  }
0x5f: {  	_ =	shalt  }
0x60: {  	_ =	shalt  }
0x61: {  	_ =	shalt  }
0x62: {  	_ =	shalt  }
0x63: {  	_ =	shalt  }
0x64: {  	_ =	shalt  }
0x65: {  	_ =	shalt  }
0x66: {  	_ =	shalt  }
0x67: {  	_ =	shalt  }
0x68: {  	_ =	shalt  }
0x69: {  	_ =	shalt  }
0x6a: {  	_ =	shalt  }
0x6b: {  	_ =	shalt  }
0x6c: {  	_ =	shalt  }
0x6d: {  	_ =	shalt  }
0x6e: {  	_ =	shalt  }
0x6f: {  	_ =	shalt  }
0x70: {  	_ =	shalt  }
0x71: {  	_ =	shalt  }
0x72: {  	_ =	shalt  }
0x73: {  	_ =	shalt  }
0x74: {  	_ =	shalt  }
0x75: {  	_ =	shalt  }
0x76: {  	_ =	shalt  }
0x77: {  	_ =	shalt  }
0x78: {  	_ =	shalt  }
0x79: {  	_ =	shalt  }
0x7a: {  	_ =	shalt  }
0x7b: {  	_ =	shalt  }
0x7c: {  	_ =	shalt  }
0x7d: {  	_ =	shalt  }
0x7e: {  	_ =	shalt  }
0x7f: {  	_ =	shalt  }
0x80: {  	_ =	shalt  }
0x81: {  	_ =	shalt  }
0x82: {  	_ =	shalt  }
0x83: {  	_ =	shalt  }
0x84: {  	_ =	shalt  }
0x85: {  	_ =	shalt  }
0x86: {  	_ =	shalt  }
0x87: {  	_ =	shalt  }
.Lfunc_end0:
.L_simem_size_0:
called_computation_lowered:
.L_overlay_start_0:
0x88: {  	s2 =	sld [smem:$0x3FD9]  }
0x89: {  	s3 =	sld [smem:$0x3FFE];
	_ =	sdelay $0x1  }
0x8a: {  	s1 =	srdreg.scid  }
0x8b: {  	s0 =	sand.u32 $0x1, s1  }
0x8c: {  	s17 =	sshll.u32 s0, $0xA;
	s2 =	sadd.s32 s3, s2  }
0x8d: {  	s2 =	sadd.s32 s2, s17  }
0x8e: {  	[smem:$0x3FA7] =	sst s2  }
0x8f: {  	_ = 	snop  }
0x90: {  	s2 =	sld [smem:$0x3FC9]  }
0x91: {  	s18 =	sld [smem:$0x3FC8]  }
0x92: {  	s4 =	sld [smem:$0x3FB6]  }
0x93: {  	s5 =	sld [smem:$0x3FB5];
	(tm) =	ssettm $0x1  }
0x94: {  	s6 =	sld [smem:$0x3FFB];
	_ =	sdelay $0x3  }
0x95: {  	_ =	strace s6  }
0x96: {  	s6 =	sld [smem:$0x3FFC];
	_ =	sdelay $0x3  }
0x97: {  	_ =	strace s6  }
0x98: {  	s6 =	sld [smem:$0x3FFD];
	_ =	sdelay $0x3  }
0x99: {  	_ =	strace s6  }
0x9a: {  	_ =	strace $0x8FFFFFFF  }
0x9b: {  	s19 =	sld [smem:$0x3FDB];
	_ =	sdelay $0x1  }
0x9c: {  	s7 =	simm.s32 $_scs_section_size  }
0x9d: {  	s8 =	simm.s32 $_size__tile_overlayer_lowered;
	s9 =	simm.s32 $_tile_overlayer_lowered  }
0x9e: {  	s22 =	simm.s32 $0x1BFF;
	s21 =	sshll.u32 s9, $0x1;
	s6 =	sadd.s32 s7, s19  }
0x9f: {  	s10 =	simm.s32 $0x0;
	s20 =	sshll.u32 s8, $0x1;
	s8 =	sadd.s32 s21, s6  }
0xa0: {  	[timem:s10], [sflag:s22] =	dma.local [hbm:s8], s20  }
0xa1: {  	_ =	swait.ge [sflag:s22], s20  }
0xa2: {  	s7 =	ssub.s32 $0x0, s20;
	[sflag:s22] =	ssyncset.done $0x0  }
0xa3: {  	[sflag:s22] =	ssyncadd.s32 s7;
	_ =	sdelay $0x1  }
0xa4: {  	s23 =	simm.s32 $0x1B8B  }
0xa5: {  	_ =	swait.ge [sflag:s23], $0x1  }
0xa6: {  	[sflag:s23] =	ssyncset.done $0x0  }
0xa7: {  	s25 =	simm.s32 $0x1B8E;
	s24 =	sld [smem:$0x3FFE];
	[sflag:s23] =	ssyncadd.s32 $0xFFFFFFFF  }
0xa8: {  	s26 =	simm.s32 $execute0_lowered;
	[smem:$0x3FD2] =	sst s25  }
0xa9: {  	s8 =	sshll.u32 s26, $0x1;
	_ =	strace $0x80000046;
	[dreg:$0x1] =	wrdreg $0xFFFFFFFF  }
0xaa: {  	s28 =	simm.s32 $_size_execute0_lowered;
	s6 =	sadd.s32 s6, s8;
	[dreg:$0x0] =	wrdreg $0x0  }
0xab: {  	s8 =	sshll.u32 s28, $0x1;
	[dreg:$0x2] =	wrdreg s6  }
0xac: {  	[dreg:$0x3] =	wrdreg s8  }
0xad: {  	[dreg:$0x4] =	wrdreg $0xC0  }
0xae: {  	_ =	task [dreg:s10], $0x5FFFF  }
0xaf: {  	[dreg:$0x1] =	wrdreg $0xFFFFFFFF  }
0xb0: {  	[dreg:$0x0] =	wrdreg $0x60  }
0xb1: {  	[dreg:$0x2] =	wrdreg s5  }
0xb2: {  	[dreg:$0x3] =	wrdreg s24  }
0xb3: {  	[dreg:$0x4] =	wrdreg s18  }
0xb4: {  	[dreg:$0x5] =	wrdreg s4  }
0xb5: {  	[dreg:$0x6] =	wrdreg s2  }
0xb6: {  	[dreg:$0x7] =	wrdreg $0x9  }
0xb7: {  	_ =	task.clear_ibuf [dreg:s10], $0x8FFFF;
	_ =	strace $0x90000046  }
0xb8: {  	s29 =	simm.s32 $0x9;
	_ =	strace $0x80000048  }
0xb9: {  	_ =	swait.ge [sflag:s29], $0x1  }
0xba: {  	[sflag:s29] =	ssyncadd.s32 $0xFFFFFFFF  }
0xbb: {  	_ =	strace $0x90000048  }
0xbc: {  	_ =	sfence  }
0xbd: {  	s30 =	sld [smem:$0x0];
	_ =	sdelay $0x2  }
0xbe: {  	s31 =	sshll.u32 s1, $0xD;
	s1 =	sshrl.u32 s1, $0x2  }
0xbf: {  	s3 =	sand.u32 $0x4000, s31;
	s1 =	sadd.s32 s1, s30  }
0xc0: {  	s0 =	sor.u32 s3, s0;
	s1 =	sshll.u32 s1, $0x11  }
0xc1: {  	s0 =	sor.u32 s1, s0  }
0xc2: {  	s0 =	sadd.s32 $0x8F2B, s0  }
0xc3: {  	[sflag:s0] =	ssyncadd.remote.s32 $0x1  }
0xc4: {  	_ =	sfence.sel $0xFFFF  }
0xc5: {  	[dreg:$0x0] =	wrdreg $0xFFFFFFFF;
	(pc) =	sbr.abs _section_cstart, $3  }
0xc6: {  	[dreg:$0x1] =	wrdreg $0xFFFFFFFF  }
0xc7: {  	_ =	task.clear_ibuf [dreg:s10], $0x2FFFF;
	_ =	strace $0x9FFFFFFF  }
0xc8: {  	(tm) =	ssettm $0x7FFFFFFF  }
0xc9: {  	_ =	shalt  }
tec
execute0_lowered:
.L_overlay_start_1:
0x0: {  	(tag) =	ssettag $0x1  }
0x1: {  	s1 =	rddreg [dreg:$0x0]  }
0x2: {  	s0 =	rddreg [dreg:$0x1]  }
0x3: {  	s3 =	rddreg [dreg:$0x2]  }
0x4: {  	s7 =	rddreg [dreg:$0x4];
	s4 =	simm.s32 $0x0  }
0x5: {  	s5 =	srdreg.scid;
	s2 =	stileid.u32;
	s17 =	simm.s32 $0x20  }
0x6: {  	s18 =	simm.s32 $0xA100;
	s19 =	simm.s32 $0x9000;
	s28 =	simm.s32 $0x4  }
0x7: {  	s29 =	simm.s32 $0x3;
	s30 =	simm.s32 $0x0;
	[smem:$0x7FF] =	sst s4  }
0x8: {  	s11 =	sand.u32 $0x1, s5;
	s20 =	sshll.u32 s2, $0x1;
	s23 =	smul.u32 $0xF0000, s2  }
0x9: {  	s13 =	sadd.s32 $0x8A00, s0;
	s16 =	smul.u32 $0x1E000, s2;
	_ =	strace $0x80000047  }
0xa: {  	s5 =	sor.u32 s11, s20;
	s8 =	ssub.s32 $0x2, s11;
	s15 =	smul.u32 $0x78000, s11  }
0xb: {  	s25 =	smul.u32 $0xF000, s11;
	s20 =	simm.s32 $0x9080;
	s6 =	sshll.u32 s5, $0x9  }
0xc: {  	s21 =	sshrl.u32 s8, $0x1;
	s10 =	smul.u32 $0x78000, s5;
	s22 =	sshll.u32 s5, $0x2  }
0xd: {  	s14 =	smul.u32 $0xF000, s5;
	s31 =	sadd.s32 s16, s13;
	s16 =	simm.s32 $0xA080  }
0xe: {  	s0 =	sadd.s32 s6, s0;
	s12 =	ssub.s32 s8, s21;
	s6 =	sadd.s32 s3, s22  }
0xf: {  	s7 =	sadd.s32 s7, s22;
	s26 =	sadd.s32 s15, s23;
	s3 =	sadd.s32 s25, s31  }
0x10: {  	s15 =	simm.s32 $0x5;
	s21 =	simm.s32 $0x80;
	s22 =	simm.s32 $0x1000  }
0x11: {  	s23 =	simm.s32 $0x5000;
	s25 =	simm.s32 $0x2;
	s5 =	sadd.s32 $0x4A00, s0  }
0x12: {  	s8 =	sadd.s32 $0x1E8A00, s0;
	s9 =	sadd.s32 $0x1ECA00, s0;
	s24 =	sshrl.u32 s10, $0x3  }
0x13: {  	s10 =	smax.u32 s12, $0x1;
	s14 =	sadd.s32 s13, s14;
	s0 =	sadd.s32 s13, s24  }
0x14: {  	s12 =	sadd.s32 $0xE800, s14;
	s11 =	sadd.s32 $0xE000, s0;
	s0 =	sshrl.u32 s26, $0x3  }
0x15: {  	s14 =	sadd.s32 $0x800, s3;
	s24 =	simm.s32 $0x1;
	s13 =	sadd.s32 s0, s13  }
.LBB2_1:
0x16: {  	[tilespmem:s4], [sflag:$0x5] =	stream.linear.gather [hbm4b:s5+s4], $0xF00, $0x38;
	[tilespmem:$0xB100] =	vst v63  }
0x17: {  	_ =	swait.ge [sflag:s15], $0xF00  }
0x18: {  	[sflag:s15] =	ssyncset.done $0x0  }
0x19: {  	[sflag:s15] =	ssyncadd.s32 $0xFFFFF100  }
0x1a: {  	[tilespmem:s16], [sflag:$0x5] =	stream.linear.gather [hbm4b:s6+s4], $0x20, $0x38;
	[tilespmem:$0xB100] =	vst v63  }
0x1b: {  	_ =	swait.ge [sflag:s15], $0x20  }
0x1c: {  	[sflag:s15] =	ssyncset.done $0x0  }
0x1d: {  	[sflag:s15] =	ssyncadd.s32 $0xFFFFFFE0  }
0x1e: {  	[tilespmem:s18], [sflag:$0x4] =	stream.indirect.gather [hbm4b:s1+s17], $0x80, s16, s17, $0xb8;
	[tilespmem:$0xB100] =	vst v63  }
0x1f: {  	_ = 	snop  }
0x20: {  	[tilespmem:s19], [sflag:$0x5] =	stream.linear.gather [hbm4b:s7+s4], $0x20, $0x38;
	[tilespmem:$0xB100] =	vst v63  }
0x21: {  	_ =	swait.ge [sflag:s15], $0x20  }
0x22: {  	[sflag:s15] =	ssyncset.done $0x0  }
0x23: {  	[sflag:s15] =	ssyncadd.s32 $0xFFFFFFE0  }
0x24: {  	s0 =	rddreg [dreg:$0x3]  }
0x25: {  	[tilespmem:s20], [sflag:$0x3] =	stream.indirect.gather [hbm4b:s0+s17], $0x80, s19, s17, $0xb8;
	[tilespmem:$0xB100] =	vst v63  }
0x26: {  	_ = 	snop  }
0x27: {  	[tilespmem:s22], [sflag:$0x1] =	stream.indirect.gather [hbm4b:s1+s21], $0x80, s4, s21, $0xb8;
	[tilespmem:$0xB100] =	vst v63  }
0x28: {  	s26 =	simm.s32 $0x80  }
0x29: {  	[tilespmem:s23], [sflag:$0x2] =	stream.indirect.gather [hbm4b:s1+s21], $0x80, s26, s21, $0xb8;
	[tilespmem:$0xB100] =	vst v63  }
0x2a: {  	_ =	swait.ge [sflag:s24], $0x4000  }
0x2b: {  	[sflag:s24] =	ssyncset.done $0x0  }
0x2c: {  	s2 =	sadd.s32 $0x0, s13;
	[sflag:s24] =	ssyncadd.s32 $0xFFFFC000  }
0x2d: {  	[hbm4b:s2+s4] =	stream.linear.scatter [tilespmem:s22], [sflag:$0x5], $0x4000, $0x38;
	[tilespmem:$0xB100] =	vst v63  }
0x2e: {  	_ =	swait.ge [sflag:s15], $0x4000  }
0x2f: {  	[sflag:s15] =	ssyncset.done $0x0  }
0x30: {  	s3 =	simm.s32 $0x100;
	[sflag:s15] =	ssyncadd.s32 $0xFFFFC000  }
0x31: {  	[tilespmem:s22], [sflag:$0x1] =	stream.indirect.gather [hbm4b:s1+s21], $0x80, s3, s21, $0xb8;
	[tilespmem:$0xB100] =	vst v63  }
0x32: {  	_ =	swait.ge [sflag:s25], $0x4000  }
0x33: {  	[sflag:s25] =	ssyncset.done $0x0  }
0x34: {  	s26 =	sadd.s32 $0x0, s14;
	[sflag:s25] =	ssyncadd.s32 $0xFFFFC000  }
0x35: {  	[hbm4b:s26+s4] =	stream.linear.scatter [tilespmem:s23], [sflag:$0x5], $0x4000, $0x38;
	[tilespmem:$0xB100] =	vst v63  }
0x36: {  	s31 =	simm.s32 $0x1000;
	_ =	swait.ge [sflag:s15], $0x4000  }
0x37: {  	s0 =	simm.s32 $0x200;
	s3 =	simm.s32 $0x2000;
	[sflag:s15] =	ssyncset.done $0x0  }
.LBB2_2:
0x38: {  	p0 =	sne.s32 s3, $0xD000;
	s2 =	sadd.s32 $0xFFFFFF80, s0;
	[sflag:s15] =	ssyncadd.s32 $0xFFFFC000  }
0x39: {  	[tilespmem:s23], [sflag:$0x2] =	stream.indirect.gather [hbm4b:s1+s21], $0x80, s2, s21, $0xb8;
	[tilespmem:$0xB100] =	vst v63  }
0x3a: {  	s2 =	smov.u32 s3;
	s3 =	sadd.s32 $0x1000, s3;
	_ =	swait.ge [sflag:s24], $0x4000  }
0x3b: {  	[sflag:s24] =	ssyncset.done $0x0  }
0x3c: {  	s26 =	sadd.s32 s31, s13;
	[sflag:s24] =	ssyncadd.s32 $0xFFFFC000  }
0x3d: {  	[hbm4b:s26+s4] =	stream.linear.scatter [tilespmem:s22], [sflag:$0x5], $0x4000, $0x38;
	[tilespmem:$0xB100] =	vst v63  }
0x3e: {  	_ =	swait.ge [sflag:s15], $0x4000  }
0x3f: {  	[sflag:s15] =	ssyncset.done $0x0  }
0x40: {  	[sflag:s15] =	ssyncadd.s32 $0xFFFFC000  }
0x41: {  	[tilespmem:s22], [sflag:$0x1] =	stream.indirect.gather [hbm4b:s1+s21], $0x80, s0, s21, $0xb8;
	[tilespmem:$0xB100] =	vst v63  }
0x42: {  	_ =	swait.ge [sflag:s25], $0x4000  }
.Ltmp0:
0x43: {  	[sflag:s25] =	ssyncset.done $0x0;
	(pc) =	sbr.rel @p0 .LBB2_2-.Ltmp0, $4  }
0x44: {  	s26 =	sadd.s32 s31, s14;
	s31 =	smov.u32 s2;
	[sflag:s25] =	ssyncadd.s32 $0xFFFFC000  }
0x45: {  	[hbm4b:s26+s4] =	stream.linear.scatter [tilespmem:s23], [sflag:$0x5], $0x4000, $0x38;
	[tilespmem:$0xB100] =	vst v63  }
0x46: {  	_ =	swait.ge [sflag:s15], $0x4000  }
0x47: {  	s0 =	sadd.s32 $0x100, s0;
	[sflag:s15] =	ssyncset.done $0x0  }
0x48: {  	s2 =	sadd.s32 $0xFFFFFF80, s0;
	[sflag:s15] =	ssyncadd.s32 $0xFFFFC000  }
0x49: {  	[tilespmem:s23], [sflag:$0x2] =	stream.indirect.gather [hbm4b:s1+s21], $0x80, s2, s21, $0xb8;
	[tilespmem:$0xB100] =	vst v63  }
0x4a: {  	_ =	swait.ge [sflag:s24], $0x4000  }
0x4b: {  	[sflag:s24] =	ssyncset.done $0x0  }
0x4c: {  	s3 =	sadd.s32 s31, s13;
	[sflag:s24] =	ssyncadd.s32 $0xFFFFC000  }
0x4d: {  	[hbm4b:s3+s4] =	stream.linear.scatter [tilespmem:s22], [sflag:$0x5], $0x4000, $0x38;
	[tilespmem:$0xB100] =	vst v63  }
0x4e: {  	_ =	swait.ge [sflag:s15], $0x4000  }
0x4f: {  	[sflag:s15] =	ssyncset.done $0x0  }
0x50: {  	[sflag:s15] =	ssyncadd.s32 $0xFFFFC000  }
0x51: {  	[tilespmem:s22], [sflag:$0x1] =	stream.indirect.gather [hbm4b:s1+s21], $0x80, s0, s21, $0xb8;
	[tilespmem:$0xB100] =	vst v63  }
0x52: {  	_ =	swait.ge [sflag:s25], $0x4000  }
0x53: {  	[sflag:s25] =	ssyncset.done $0x0  }
0x54: {  	s26 =	sadd.s32 s31, s14;
	[sflag:s25] =	ssyncadd.s32 $0xFFFFC000  }
0x55: {  	[hbm4b:s26+s4] =	stream.linear.scatter [tilespmem:s23], [sflag:$0x5], $0x4000, $0x38;
	[tilespmem:$0xB100] =	vst v63  }
0x56: {  	_ =	swait.ge [sflag:s15], $0x4000  }
0x57: {  	[sflag:s15] =	ssyncset.done $0x0  }
0x58: {  	s31 =	simm.s32 $0xE80;
	[sflag:s15] =	ssyncadd.s32 $0xFFFFC000  }
0x59: {  	[tilespmem:s23], [sflag:$0x2] =	stream.indirect.gather [hbm4b:s1+s21], $0x80, s31, s21, $0xb8;
	[tilespmem:$0xB100] =	vst v63  }
0x5a: {  	_ =	swait.ge [sflag:s24], $0x4000  }
0x5b: {  	[sflag:s24] =	ssyncset.done $0x0  }
0x5c: {  	[sflag:s24] =	ssyncadd.s32 $0xFFFFC000  }
0x5d: {  	[hbm4b:s11+s4] =	stream.linear.scatter [tilespmem:s22], [sflag:$0x5], $0x4000, $0x38;
	[tilespmem:$0xB100] =	vst v63  }
0x5e: {  	_ =	swait.ge [sflag:s15], $0x4000  }
0x5f: {  	[sflag:s15] =	ssyncset.done $0x0  }
0x60: {  	[sflag:s15] =	ssyncadd.s32 $0xFFFFC000  }
0x61: {  	_ =	swait.ge [sflag:s25], $0x4000  }
0x62: {  	[sflag:s25] =	ssyncset.done $0x0  }
0x63: {  	[sflag:s25] =	ssyncadd.s32 $0xFFFFC000  }
0x64: {  	[hbm4b:s12+s4] =	stream.linear.scatter [tilespmem:s23], [sflag:$0x5], $0x4000, $0x38;
	[tilespmem:$0xB100] =	vst v63  }
0x65: {  	_ =	swait.ge [sflag:s15], $0x4000  }
0x66: {  	[sflag:s15] =	ssyncset.done $0x0  }
0x67: {  	[sflag:s15] =	ssyncadd.s32 $0xFFFFC000  }
0x68: {  	_ =	swait.ge [sflag:s28], $0x1000  }
0x69: {  	[sflag:s28] =	ssyncset.done $0x0  }
0x6a: {  	[sflag:s28] =	ssyncadd.s32 $0xFFFFF000  }
0x6b: {  	[hbm4b:s8+s4] =	stream.linear.scatter [tilespmem:s18], [sflag:$0x5], $0x1000, $0x38;
	[tilespmem:$0xB100] =	vst v63  }
0x6c: {  	_ =	swait.ge [sflag:s15], $0x1000  }
0x6d: {  	[sflag:s15] =	ssyncset.done $0x0  }
0x6e: {  	[sflag:s15] =	ssyncadd.s32 $0xFFFFF000  }
0x6f: {  	s30 =	sadd.s32 $0x1, s30;
	_ =	swait.ge [sflag:s29], $0x1000  }
0x70: {  	p0 =	sne.s32 s30, s10;
	[sflag:s29] =	ssyncset.done $0x0  }
.Ltmp1:
0x71: {  	[sflag:s29] =	ssyncadd.s32 $0xFFFFF000;
	(pc) =	sbr.rel @p0 .LBB2_1-.Ltmp1, $4  }
0x72: {  	[hbm4b:s9+s4] =	stream.linear.scatter [tilespmem:s20], [sflag:$0x5], $0x1000, $0x38;
	[tilespmem:$0xB100] =	vst v63  }
0x73: {  	_ =	swait.ge [sflag:s15], $0x1000  }
0x74: {  	[sflag:s15] =	ssyncset.done $0x0  }
0x75: {  	[sflag:s15] =	ssyncadd.s32 $0xFFFFF000  }
0x76: {  	_ =	sfence.sel $0x180000  }
0x77: {  	[bflag:$0x0] =	sbarrier.arrive $0xFFFF  }
0x78: {  	_ =	strace $0x90000047  }
0x79: {  	s0 =	stileid.u32;
	[bflag:$0x2] =	sbarrier.arrive $0xFFFF  }
0x7a: {  	p0 =	sne.s32 s0, $0x0;
	s0 =	rddreg [dreg:$0x5]  }
0x7b: {  	s0 =	sadd.s32 @!p0 $0x100000, s0  }
0x7c: {  	[sflag:s0] =	ssyncadd.tile.s32 @!p0 $0x1;
	_ =	shalt  }
.Lfunc_end2:
_tile_overlayer_lowered:
.L_overlay_start_2:
0x7d: {  	(tag) =	ssettag $0x2  }
0x7e: {  	s0 =	rddreg [dreg:$0x0];
	s2 =	stileid.u32  }
0x7f: {  	s1 =	rddreg [dreg:$0x1];
	p0 =	sne.s32 s2, $0x0  }
0x80: {  	s3 =	rddreg [dreg:$0x2];
	[bflag:$0x3] =	sbarrier.arrive $0xFFFF;
	s2 =	simm.s32 @!p0 $0x1C05  }
0x81: {  	[timem:s3], [sflag:s2] =	dma.local @!p0 [hbm:s0], s1  }
0x82: {  	s0 =	simm.s32 @!p0 $0x5  }
0x83: {  	_ =	swait.ge @!p0 [sflag:s0], s1  }
0x84: {  	s1 =	ssub.s32 @!p0 $0x0, s1;
	[sflag:s0] =	ssyncset.done @!p0 $0x0  }
0x85: {  	[sflag:s0] =	ssyncadd.s32 @!p0 s1  }
0x86: {  	[bflag:$0x3] =	sbarrier.arrive $0xFFFF  }
0x87: {  	_ =	shalt  }

</sc_bundles>
